<compile_context>
chip_gen: v7x
topology: tpu7x:2x2x1
jax: 0.10.2.dev20260603
libtpu: 0.0.44.dev20260713+nightly
codegen_flags: <defaults>
</compile_context>

<pallas_src>
import functools

import jax
import jax.numpy as jnp
from jax import lax
from jax.experimental import pallas as pl
from jax.experimental.pallas import tpu as pltpu
from jax.experimental.pallas import tpu_sc as plsc

N = 10000
E = 320000
D = 128
HH = 128
RW = 256
NADD = 9
TW = 8
XW = 16

NC = 2
NS = 16
NW = NC * NS
EPW = E // NW
CH = 128
NFULL = EPW // CH
TAIL = EPW - NFULL * CH

NPT = N // NS
ZB = 125

_HI = lax.Precision.DEFAULT
_F32 = jnp.float32


def _psi(v):
    return jnp.sign(v) * jnp.log1p(jnp.abs(v))


_BN_PREP = 2000


def _prep_body(h_ref, x_ref, w1a_ref, w1b_ref, rp_ref, rq_ref):
    hb = h_ref[...]
    xb = x_ref[...]
    p = jnp.dot(hb, w1a_ref[...], preferred_element_type=_F32,
                precision=_HI)
    q = jnp.dot(hb, w1b_ref[...], preferred_element_type=_F32,
                precision=_HI)
    n2 = (xb[:, 0:1] ** 2 - xb[:, 1:2] ** 2 - xb[:, 2:3] ** 2
          - xb[:, 3:4] ** 2)
    pad = jnp.zeros((xb.shape[0], RW - HH - 5), _F32)
    rp_ref[...] = jnp.concatenate([p, xb, n2, pad], axis=1)
    rq_ref[...] = jnp.concatenate([q, -xb, n2, pad], axis=1)


def _prep(h, x, w1a, w1b):
    nblk = N // _BN_PREP
    return pl.pallas_call(
        _prep_body,
        grid=(nblk,),
        in_specs=[
            pl.BlockSpec((_BN_PREP, D), lambda n: (n, 0)),
            pl.BlockSpec((_BN_PREP, 4), lambda n: (n, 0)),
            pl.BlockSpec((D, HH), lambda n: (0, 0)),
            pl.BlockSpec((D, HH), lambda n: (0, 0)),
        ],
        out_specs=[
            pl.BlockSpec((_BN_PREP, RW), lambda n: (n, 0)),
            pl.BlockSpec((_BN_PREP, RW), lambda n: (n, 0)),
        ],
        out_shape=[
            jax.ShapeDtypeStruct((N, RW), _F32),
            jax.ShapeDtypeStruct((N, RW), _F32),
        ],
    )(h, x, w1a, w1b)


def _sc_gather(rptab, rqtab, ivec, jvec):
    mesh = plsc.VectorSubcoreMesh(core_axis_name="c", subcore_axis_name="s",
                                  num_cores=NC, num_subcores=NS)

    @functools.partial(
        pl.kernel,
        out_type=jax.ShapeDtypeStruct((E, RW), _F32),
        mesh=mesh,
        scratch_types=[
            pltpu.VMEM((CH,), jnp.int32),
            pltpu.VMEM((CH,), jnp.int32),
            pltpu.VMEM((CH, RW), _F32),
            pltpu.VMEM((CH, RW), _F32),
            pltpu.VMEM((TAIL,), jnp.int32),
            pltpu.VMEM((TAIL,), jnp.int32),
            pltpu.VMEM((TAIL, RW), _F32),
            pltpu.VMEM((TAIL, RW), _F32),
            pltpu.SemaphoreType.DMA,
            pltpu.SemaphoreType.DMA,
        ],
    )
    def gather_kernel(rp_hbm, rq_hbm, i_hbm, j_hbm, s_hbm,
                      iv, jv, bp, bq, ivt, jvt, bpt, bqt, semp, semq):
        wid = lax.axis_index("s") * NC + lax.axis_index("c")
        base = wid * EPW

        @pl.loop(0, NFULL)
        def _chunk(k):
            off = base + k * CH
            pltpu.sync_copy(i_hbm.at[pl.ds(off, CH)], iv)
            pltpu.sync_copy(j_hbm.at[pl.ds(off, CH)], jv)
            cp = pltpu.async_copy(rp_hbm.at[iv], bp, semp)
            cq = pltpu.async_copy(rq_hbm.at[jv], bq, semq)
            cp.wait()
            cq.wait()

            @pl.loop(0, CH)
            def _row(r):
                for c in range(NADD):
                    sl = pl.ds(c * 16, 16)
                    bp[r, sl] = bp[r, sl] + bq[r, sl]

            pltpu.sync_copy(bp, s_hbm.at[pl.ds(off, CH)])

        offt = base + NFULL * CH
        pltpu.sync_copy(i_hbm.at[pl.ds(offt, TAIL)], ivt)
        pltpu.sync_copy(j_hbm.at[pl.ds(offt, TAIL)], jvt)
        cp = pltpu.async_copy(rp_hbm.at[ivt], bpt, semp)
        cq = pltpu.async_copy(rq_hbm.at[jvt], bqt, semq)
        cp.wait()
        cq.wait()

        @pl.loop(0, TAIL)
        def _rowt(r):
            for c in range(NADD):
                sl = pl.ds(c * 16, 16)
                bpt[r, sl] = bpt[r, sl] + bqt[r, sl]

        pltpu.sync_copy(bpt, s_hbm.at[pl.ds(offt, TAIL)])

    return gather_kernel(rptab, rqtab, ivec, jvec)


def _edge_out(s, wn, wd):
    s0 = s[:, 0:HH]
    xd = s[:, HH:HH + 4]
    n2s = s[:, HH + 4:HH + 5]
    norms = (xd[:, 0:1] ** 2 - xd[:, 1:2] ** 2 - xd[:, 2:3] ** 2
             - xd[:, 3:4] ** 2)
    dots = 0.5 * (n2s - norms)
    out = s0 + _psi(norms) * wn + _psi(dots) * wd
    return out, xd


_BE1 = 2560


def _stats_body(s_ref, wn_ref, wd_ref, ge_ref, be_ref, ab_ref, acc_ref):
    pid = pl.program_id(0)

    @pl.when(pid == 0)
    def _():
        acc_ref[...] = jnp.zeros_like(acc_ref)

    out, _ = _edge_out(s_ref[...], wn_ref[...], wd_ref[...])
    acc_ref[0:1, :] += jnp.sum(out, axis=0, keepdims=True)
    acc_ref[1:2, :] += jnp.sum(out * out, axis=0, keepdims=True)

    @pl.when(pid == pl.num_programs(0) - 1)
    def _():
        mu = acc_ref[0:1, :] * (1.0 / E)
        var = acc_ref[1:2, :] * (1.0 / E) - mu * mu
        a = ge_ref[...] * lax.rsqrt(var + 1e-5)
        b = be_ref[...] - mu * a
        ab_ref[...] = jnp.concatenate([a, b], axis=0)


def _edge_stats(s, wn, wd, ge, be):
    nblk = E // _BE1
    return pl.pallas_call(
        _stats_body,
        grid=(nblk,),
        in_specs=[
            pl.BlockSpec((_BE1, RW), lambda e: (e, 0)),
            pl.BlockSpec((1, HH), lambda e: (0, 0)),
            pl.BlockSpec((1, HH), lambda e: (0, 0)),
            pl.BlockSpec((1, HH), lambda e: (0, 0)),
            pl.BlockSpec((1, HH), lambda e: (0, 0)),
        ],
        out_specs=pl.BlockSpec((2, HH), lambda e: (0, 0)),
        out_shape=jax.ShapeDtypeStruct((2, HH), _F32),
        scratch_shapes=[pltpu.VMEM((2, HH), _F32)],
    )(s, wn, wd, ge, be)


_BE2 = 2560


def _mlp_body(s_ref, wn_ref, wd_ref, ab_ref,
              we2_ref, be2_ref, wmt_ref, bm_ref, wx1_ref, bx1_ref, wx2t_ref,
              m_ref, t16_ref):
    out, xd = _edge_out(s_ref[...], wn_ref[...], wd_ref[...])
    out = jnp.maximum(out * ab_ref[0:1, :] + ab_ref[1:2, :], 0.0)
    out2 = jnp.maximum(
        jnp.dot(out, we2_ref[...], preferred_element_type=_F32,
                precision=_HI) + be2_ref[...], 0.0)
    logit = jnp.sum(out2 * wmt_ref[...], axis=1, keepdims=True) + bm_ref[0, 0]
    w = jax.nn.sigmoid(logit)
    m = out2 * w
    m_ref[...] = m
    t = jnp.maximum(
        jnp.dot(m, wx1_ref[...], preferred_element_type=_F32,
                precision=_HI) + bx1_ref[...], 0.0)
    xm = jnp.sum(t * wx2t_ref[...], axis=1, keepdims=True)
    trans = jnp.clip(xd * xm, -100.0, 100.0)
    nrow = trans.shape[0]
    t16_ref[...] = jnp.concatenate(
        [trans, jnp.ones((nrow, 1), _F32), jnp.zeros((nrow, XW - 5), _F32)],
        axis=1)


def _edge_mlp(s, wn, wd, ab, we2, be2, wmt, bm, wx1, bx1, wx2t):
    nblk = E // _BE2
    return pl.pallas_call(
        _mlp_body,
        grid=(nblk,),
        in_specs=[
            pl.BlockSpec((_BE2, RW), lambda e: (e, 0)),
            pl.BlockSpec((1, HH), lambda e: (0, 0)),
            pl.BlockSpec((1, HH), lambda e: (0, 0)),
            pl.BlockSpec((2, HH), lambda e: (0, 0)),
            pl.BlockSpec((HH, HH), lambda e: (0, 0)),
            pl.BlockSpec((1, HH), lambda e: (0, 0)),
            pl.BlockSpec((1, HH), lambda e: (0, 0)),
            pl.BlockSpec((1, 1), lambda e: (0, 0)),
            pl.BlockSpec((HH, HH), lambda e: (0, 0)),
            pl.BlockSpec((1, HH), lambda e: (0, 0)),
            pl.BlockSpec((1, HH), lambda e: (0, 0)),
        ],
        out_specs=[
            pl.BlockSpec((_BE2, HH), lambda e: (e, 0)),
            pl.BlockSpec((_BE2, XW), lambda e: (e, 0)),
        ],
        out_shape=[
            jax.ShapeDtypeStruct((E, HH), _F32),
            jax.ShapeDtypeStruct((E, XW), _F32),
        ],
    )(s, wn, wd, ab, we2, be2, wmt, bm, wx1, bx1, wx2t)


_NSTRIPE = N // 16
_NROUND = _NSTRIPE // NS
_NXTRA = _NSTRIPE - _NROUND * NS


def _sc_scatter(rows_hbm_width, inflate):
    mesh = plsc.VectorSubcoreMesh(core_axis_name="c", subcore_axis_name="s",
                                  num_cores=NC, num_subcores=NS)
    width = rows_hbm_width

    scratch = [
        pltpu.MemorySpace.VMEM_SHARED((N, HH), _F32),
        pltpu.VMEM((CH,), jnp.int32),
        pltpu.VMEM((CH, width), _F32),
        pltpu.VMEM((TAIL,), jnp.int32),
        pltpu.VMEM((TAIL, width), _F32),
    ]
    if inflate:
        scratch += [pltpu.VMEM((CH, HH), _F32), pltpu.VMEM((TAIL, HH), _F32)]

    @functools.partial(
        pl.kernel,
        out_type=jax.ShapeDtypeStruct((NC, N, HH), _F32),
        mesh=mesh,
        scratch_types=scratch,
    )
    def scatter_kernel(rows_hbm, i_hbm, acc_hbm, acc_sh, iv, rb, ivt, rbt,
                       *inf):
        cid = lax.axis_index("c")
        sid = lax.axis_index("s")
        wid = sid * NC + cid
        zv = jnp.zeros((16,), _F32)
        zbuf = inf[0] if inflate else rb

        @pl.loop(0, 16)
        def _zm(r):
            for c in range(HH // 16):
                zbuf[r, pl.ds(c * 16, 16)] = zv

        @pl.loop(0, _NROUND)
        def _clear(k):
            off = (k * NS + sid) * 16
            pltpu.sync_copy(zbuf.at[pl.ds(0, 16)], acc_sh.at[pl.ds(off, 16)])

        @pl.when(sid < _NXTRA)
        def _():
            off = (_NROUND * NS + sid) * 16
            pltpu.sync_copy(zbuf.at[pl.ds(0, 16)], acc_sh.at[pl.ds(off, 16)])

        if inflate:
            @pl.loop(16, CH)
            def _zrest(r):
                for c in range(HH // 16):
                    inf[0][r, pl.ds(c * 16, 16)] = zv

            @pl.loop(0, TAIL)
            def _zrt(r):
                for c in range(HH // 16):
                    inf[1][r, pl.ds(c * 16, 16)] = zv

        plsc.subcore_barrier()

        base = wid * EPW

        def _do_chunk(off, n, ivb, rbb, ibuf):
            pltpu.sync_copy(i_hbm.at[pl.ds(off, n)], ivb)
            pltpu.sync_copy(rows_hbm.at[pl.ds(off, n)], rbb)
            if inflate:
                @pl.loop(0, n)
                def _inf(r):
                    ibuf[r, pl.ds(0, 16)] = rbb[r, pl.ds(0, 16)]

                pltpu.sync_copy(ibuf, acc_sh.at[ivb], add=True)
            else:
                pltpu.sync_copy(rbb, acc_sh.at[ivb], add=True)

        @pl.loop(0, NFULL)
        def _chunk(k):
            _do_chunk(base + k * CH, CH, iv, rb, inf[0] if inflate else None)

        _do_chunk(base + NFULL * CH, TAIL, ivt, rbt,
                  inf[1] if inflate else None)

        plsc.subcore_barrier()

        @pl.loop(0, _NROUND)
        def _flush(k):
            off = (k * NS + sid) * 16
            pltpu.sync_copy(acc_sh.at[pl.ds(off, 16)],
                            acc_hbm.at[cid, pl.ds(off, 16)])

        @pl.when(sid < _NXTRA)
        def _():
            off = (_NROUND * NS + sid) * 16
            pltpu.sync_copy(acc_sh.at[pl.ds(off, 16)],
                            acc_hbm.at[cid, pl.ds(off, 16)])

    return scatter_kernel


_BN_NODE = 2000


def _node1_body(h_ref, aggp_ref, na_ref, w1_ref, w2_ref, wc_ref, bh1_ref,
                gh_ref, bh_ref, hh_ref, ab2_ref, acc_ref):
    pid = pl.program_id(0)

    @pl.when(pid == 0)
    def _():
        acc_ref[...] = jnp.zeros_like(acc_ref)

    agg = aggp_ref[0] + aggp_ref[1]
    na = na_ref[...]
    hh = (jnp.dot(h_ref[...], w1_ref[...], preferred_element_type=_F32,
                  precision=_HI)
          + jnp.dot(agg, w2_ref[...], preferred_element_type=_F32,
                    precision=_HI)
          + na[:, 0:1] * wc_ref[0:1, :] + na[:, 1:2] * wc_ref[1:2, :]
          + bh1_ref[...])
    hh_ref[...] = hh
    acc_ref[0:1, :] += jnp.sum(hh, axis=0, keepdims=True)
    acc_ref[1:2, :] += jnp.sum(hh * hh, axis=0, keepdims=True)

    @pl.when(pid == pl.num_programs(0) - 1)
    def _():
        mu = acc_ref[0:1, :] * (1.0 / N)
        var = acc_ref[1:2, :] * (1.0 / N) - mu * mu
        a = gh_ref[...] * lax.rsqrt(var + 1e-5)
        b = bh_ref[...] - mu * a
        ab2_ref[...] = jnp.concatenate([a, b], axis=0)


def _node1(h, aggp, node_attr, w1, w2, wc, bh1, gh, bh):
    nblk = N // _BN_NODE
    return pl.pallas_call(
        _node1_body,
        grid=(nblk,),
        in_specs=[
            pl.BlockSpec((_BN_NODE, D), lambda n: (n, 0)),
            pl.BlockSpec((NC, _BN_NODE, HH), lambda n: (0, n, 0)),
            pl.BlockSpec((_BN_NODE, 2), lambda n: (n, 0)),
            pl.BlockSpec((D, HH), lambda n: (0, 0)),
            pl.BlockSpec((HH, HH), lambda n: (0, 0)),
            pl.BlockSpec((2, HH), lambda n: (0, 0)),
            pl.BlockSpec((1, HH), lambda n: (0, 0)),
            pl.BlockSpec((1, HH), lambda n: (0, 0)),
            pl.BlockSpec((1, HH), lambda n: (0, 0)),
        ],
        out_specs=[
            pl.BlockSpec((_BN_NODE, HH), lambda n: (n, 0)),
            pl.BlockSpec((2, HH), lambda n: (0, 0)),
        ],
        out_shape=[
            jax.ShapeDtypeStruct((N, HH), _F32),
            jax.ShapeDtypeStruct((2, HH), _F32),
        ],
        scratch_shapes=[pltpu.VMEM((2, HH), _F32)],
    )(h, aggp, node_attr, w1, w2, wc, bh1, gh, bh)


def _node2_body(hh_ref, ab2_ref, h_ref, wh2_ref, bh2_ref, x_ref, tsp_ref,
                hn_ref, xn_ref):
    hh = jnp.maximum(hh_ref[...] * ab2_ref[0:1, :] + ab2_ref[1:2, :], 0.0)
    hn_ref[...] = (h_ref[...]
                   + jnp.dot(hh, wh2_ref[...], preferred_element_type=_F32,
                             precision=_HI) + bh2_ref[...])
    ts = tsp_ref[0] + tsp_ref[1]
    cnt = jnp.maximum(ts[:, 4:5], 1.0)
    xn_ref[...] = x_ref[...] + ts[:, 0:4] / cnt


def _node2(hh, ab2, h, wh2, bh2, x, tsp):
    nblk = N // _BN_NODE
    return pl.pallas_call(
        _node2_body,
        grid=(nblk,),
        in_specs=[
            pl.BlockSpec((_BN_NODE, HH), lambda n: (n, 0)),
            pl.BlockSpec((2, HH), lambda n: (0, 0)),
            pl.BlockSpec((_BN_NODE, D), lambda n: (n, 0)),
            pl.BlockSpec((HH, D), lambda n: (0, 0)),
            pl.BlockSpec((1, D), lambda n: (0, 0)),
            pl.BlockSpec((_BN_NODE, 4), lambda n: (n, 0)),
            pl.BlockSpec((NC, _BN_NODE, HH), lambda n: (0, n, 0)),
        ],
        out_specs=[
            pl.BlockSpec((_BN_NODE, D), lambda n: (n, 0)),
            pl.BlockSpec((_BN_NODE, 4), lambda n: (n, 0)),
        ],
        out_shape=[
            jax.ShapeDtypeStruct((N, D), _F32),
            jax.ShapeDtypeStruct((N, 4), _F32),
        ],
    )(hh, ab2, h, wh2, bh2, x, tsp)


def kernel(h, x, edges, node_attr, we1, ge, be, we2, be2, wm, bm, wh1, bh1,
           gh, bh, wh2, bh2, wx1, bx1, wx2):
    ivec = edges[0]
    jvec = edges[1]
    w1a = we1[:D]
    w1b = we1[D:2 * D]
    wn = we1[2 * D].reshape(1, HH)
    wd = we1[2 * D + 1].reshape(1, HH)

    rptab, rqtab = _prep(h, x, w1a, w1b)
    s = _sc_gather(rptab, rqtab, ivec, jvec)
    ab = _edge_stats(s, wn, wd, ge.reshape(1, HH), be.reshape(1, HH))
    m, t16 = _edge_mlp(s, wn, wd, ab, we2,
                       be2.reshape(1, HH), wm.reshape(1, HH),
                       bm.reshape(1, 1), wx1, bx1.reshape(1, HH),
                       wx2.reshape(1, HH))
    aggp = _sc_scatter(HH, False)(m, ivec)
    tsp = _sc_scatter(XW, True)(t16, ivec)
    hhpre, ab2 = _node1(h, aggp, node_attr, wh1[:D], wh1[D:2 * D],
                        wh1[2 * D:], bh1.reshape(1, HH), gh.reshape(1, HH),
                        bh.reshape(1, HH))
    h_new, x_new = _node2(hhpre, ab2, h, wh2, bh2.reshape(1, D), x, tsp)
    return (h_new, x_new, m)

# --- scband reference (transcript-rebuilt; emitter-appended) ---
"""Pipeline reference for scband-lgeb-87351044866445 (READ-ONLY COPY).

The authoritative reference and input builder live on the scoring server;
editing this copy changes nothing except your own understanding.
"""

import jax, jax.numpy as jnp
import numpy as np

N = 10000
E = 320000
D = 128
H = 128
NA = 2
C_WEIGHT = 1.0


def _bn(x, g, b, eps=1e-5):
    mu = x.mean(axis=0)
    var = x.var(axis=0)
    return (x - mu) / jnp.sqrt(var + eps) * g + b


def _psi(p):
    return jnp.sign(p) * jnp.log(jnp.abs(p) + 1.0)


def setup_inputs(seed: int = 0) -> dict:
    key = jax.random.key(seed)
    ks = jax.random.split(key, 24)
    s = 0.05
    inp = {
        "h": jax.random.normal(ks[0], (N, D), jnp.float32),
        "x": jax.random.normal(ks[1], (N, 4), jnp.float32),
        "edges": jax.random.randint(ks[2], (2, E), 0, N),
        "node_attr": jax.random.normal(ks[3], (N, NA), jnp.float32),
        # phi_e: Linear(2D+2 -> H, no bias), BN(H), Linear(H -> H)
        "we1": jax.random.normal(ks[4], (2 * D + 2, H), jnp.float32) * s,
        "ge": jnp.ones((H,), jnp.float32),
        "be": jnp.zeros((H,), jnp.float32),
        "we2": jax.random.normal(ks[5], (H, H), jnp.float32) * s,
        "be2": jnp.zeros((H,), jnp.float32),
        # phi_m: Linear(H -> 1) + sigmoid
        "wm": jax.random.normal(ks[6], (H, 1), jnp.float32) * s,
        "bm": jnp.zeros((1,), jnp.float32),
        # phi_h: Linear(H+D+NA -> H), BN(H), Linear(H -> D)
        "wh1": jax.random.normal(ks[7], (H + D + NA, H), jnp.float32) * s,
        "bh1": jnp.zeros((H,), jnp.float32),
        "gh": jnp.ones((H,), jnp.float32),
        "bh": jnp.zeros((H,), jnp.float32),
        "wh2": jax.random.normal(ks[8], (H, D), jnp.float32) * s,
        "bh2": jnp.zeros((D,), jnp.float32),
        # phi_x: Linear(H -> H), ReLU, Linear(H -> 1, no bias, xavier gain=0.001)
        "wx1": jax.random.normal(ks[9], (H, H), jnp.float32) * s,
        "bx1": jnp.zeros((H,), jnp.float32),
        "wx2": jax.random.normal(ks[10], (H, 1), jnp.float32) * 0.001,
    }
    return inp


def reference(h, x, edges, node_attr, we1, ge, be, we2, be2, wm, bm, wh1, bh1, gh, bh, wh2, bh2, wx1, bx1, wx2):
    i = edges[0]
    j = edges[1]
    xi = x[i]
    xj = x[j]
    x_diff = xi - xj
    psq = x_diff ** 2
    norms = (2.0 * psq[..., 0] - psq.sum(axis=-1))[:, None]
    pq = xi * xj
    dots = (2.0 * pq[..., 0] - pq.sum(axis=-1))[:, None]
    norms = _psi(norms)
    dots = _psi(dots)
    # m_model
    feat = jnp.concatenate([h[i], h[j], norms, dots], axis=1)
    out = feat @ we1
    out = _bn(out, ge, be)
    out = jax.nn.relu(out)
    out = jax.nn.relu(out @ we2 + be2)
    w = jax.nn.sigmoid(out @ wm + bm)
    m = out * w
    # x_model (not last_layer)
    trans = x_diff * (jax.nn.relu(m @ wx1 + bx1) @ wx2)
    trans = jnp.clip(trans, -100.0, 100.0)
    tsum = jax.ops.segment_sum(trans, i, num_segments=N)
    cnt = jax.ops.segment_sum(jnp.ones((E, 1), trans.dtype), i, num_segments=N)
    x_new = x + (tsum / jnp.clip(cnt, 1.0)) * C_WEIGHT
    # h_model
    agg = jax.ops.segment_sum(m, i, num_segments=N)
    cat = jnp.concatenate([h, agg, node_attr], axis=1)
    hh = cat @ wh1 + bh1
    hh = _bn(hh, gh, bh)
    hh = jax.nn.relu(hh)
    h_new = h + (hh @ wh2 + bh2)
    return (h_new, x_new, m)

if __name__ == "__main__":
    import jax
    _d = setup_inputs()
    print(jax.jit(kernel)(*tuple(_d.values())))

</pallas_src>

<mosaic_0001>
#map = affine_map<(d0, d1) -> (0, 0)>
#map1 = affine_map<(d0, d1) -> (0)>
#map2 = affine_map<(d0, d1) -> (0, 0, 0)>
module attributes {stable_mosaic.version = 14 : i64} {
  func.func @scatter_kernel(%arg0: i32, %arg1: i32, %arg2: memref<320000x128xf32, #tpu.memory_space<hbm>>, %arg3: memref<320000xi32, #tpu.memory_space<hbm>>, %arg4: memref<2x10000x128xf32, #tpu.memory_space<hbm>>, %arg5: memref<10000x128xf32, #tpu.memory_space<vmem_shared>>, %arg6: memref<128xi32, #tpu.memory_space<vmem>>, %arg7: memref<128x128xf32, #tpu.memory_space<vmem>>, %arg8: memref<16xi32, #tpu.memory_space<vmem>>, %arg9: memref<16x128xf32, #tpu.memory_space<vmem>>) attributes {dimension_semantics = [#tpu.dimension_semantics<core_parallel>, #tpu.dimension_semantics<subcore_parallel>], iteration_bounds = array<i64: 2, 16>, scalar_prefetch = 0 : i64, scratch_operands = 5 : i64, tpu.core_type = #tpu.core_type<sc_vector_subcore>, window_params = [{transform_indices = #map}, {transform_indices = #map1}, {transform_indices = #map2}]} {
    %mul3A = arith.constant 2 : i32
    %mul3A_0 = arith.muli %arg1, %mul3A : i32
    %add3A = arith.addi %mul3A_0, %arg0 : i32
    %broadcast_in_dim3A = arith.constant 0.000000e+00 : f32
    %broadcast_in_dim3A_1 = vector.broadcast %broadcast_in_dim3A : f32 to vector<16xf32>
    %scan3A = arith.constant 0 : i32
    %scan3A_2 = arith.constant 16 : i32
    %scan3A_3 = arith.addi %scan3A, %scan3A_2 : i32
    %scan3A_4 = arith.constant 1 : i32
    scf.for %scan3A_33 = %scan3A to %scan3A_3 step %scan3A_4  : i32 {
      %mul3A_34 = arith.constant 1 : i32
      %mul3A_35 = arith.muli %scan3A_33, %mul3A_34 : i32
      %add3A_36 = arith.constant 0 : i32
      %add3A_37 = arith.addi %add3A_36, %mul3A_35 : i32
      %swap3A = arith.index_cast %add3A_37 : i32 to index
      %swap3A_38 = arith.constant 0 : index
      %swap3A_39 = tpu.vector_load %arg7[%swap3A, %swap3A_38] {strides = array<i32>} : memref<128x128xf32, #tpu.memory_space<vmem>>, vector<1x16xf32>,
      %swap3A_40 = vector.shape_cast %swap3A_39 : vector<1x16xf32> to vector<16xf32>
      %swap3A_41 = vector.shape_cast %broadcast_in_dim3A_1 : vector<16xf32> to vector<1x16xf32>
      tpu.vector_store %arg7[%swap3A, %swap3A_38], %swap3A_41 {strides = array<i32>} : memref<128x128xf32, #tpu.memory_space<vmem>>, vector<1x16xf32>,
      %swap3A_42 = arith.index_cast %add3A_37 : i32 to index
      %swap3A_43 = arith.constant 16 : index
      %swap3A_44 = tpu.vector_load %arg7[%swap3A_42, %swap3A_43] {strides = array<i32>} : memref<128x128xf32, #tpu.memory_space<vmem>>, vector<1x16xf32>,
      %swap3A_45 = vector.shape_cast %swap3A_44 : vector<1x16xf32> to vector<16xf32>
      %swap3A_46 = vector.shape_cast %broadcast_in_dim3A_1 : vector<16xf32> to vector<1x16xf32>
      tpu.vector_store %arg7[%swap3A_42, %swap3A_43], %swap3A_46 {strides = array<i32>} : memref<128x128xf32, #tpu.memory_space<vmem>>, vector<1x16xf32>,
      %swap3A_47 = arith.index_cast %add3A_37 : i32 to index
      %swap3A_48 = arith.constant 32 : index
      %swap3A_49 = tpu.vector_load %arg7[%swap3A_47, %swap3A_48] {strides = array<i32>} : memref<128x128xf32, #tpu.memory_space<vmem>>, vector<1x16xf32>,
      %swap3A_50 = vector.shape_cast %swap3A_49 : vector<1x16xf32> to vector<16xf32>
      %swap3A_51 = vector.shape_cast %broadcast_in_dim3A_1 : vector<16xf32> to vector<1x16xf32>
      tpu.vector_store %arg7[%swap3A_47, %swap3A_48], %swap3A_51 {strides = array<i32>} : memref<128x128xf32, #tpu.memory_space<vmem>>, vector<1x16xf32>,
      %swap3A_52 = arith.index_cast %add3A_37 : i32 to index
      %swap3A_53 = arith.constant 48 : index
      %swap3A_54 = tpu.vector_load %arg7[%swap3A_52, %swap3A_53] {strides = array<i32>} : memref<128x128xf32, #tpu.memory_space<vmem>>, vector<1x16xf32>,
      %swap3A_55 = vector.shape_cast %swap3A_54 : vector<1x16xf32> to vector<16xf32>
      %swap3A_56 = vector.shape_cast %broadcast_in_dim3A_1 : vector<16xf32> to vector<1x16xf32>
      tpu.vector_store %arg7[%swap3A_52, %swap3A_53], %swap3A_56 {strides = array<i32>} : memref<128x128xf32, #tpu.memory_space<vmem>>, vector<1x16xf32>,
      %swap3A_57 = arith.index_cast %add3A_37 : i32 to index
      %swap3A_58 = arith.constant 64 : index
      %swap3A_59 = tpu.vector_load %arg7[%swap3A_57, %swap3A_58] {strides = array<i32>} : memref<128x128xf32, #tpu.memory_space<vmem>>, vector<1x16xf32>,
      %swap3A_60 = vector.shape_cast %swap3A_59 : vector<1x16xf32> to vector<16xf32>
      %swap3A_61 = vector.shape_cast %broadcast_in_dim3A_1 : vector<16xf32> to vector<1x16xf32>
      tpu.vector_store %arg7[%swap3A_57, %swap3A_58], %swap3A_61 {strides = array<i32>} : memref<128x128xf32, #tpu.memory_space<vmem>>, vector<1x16xf32>,
      %swap3A_62 = arith.index_cast %add3A_37 : i32 to index
      %swap3A_63 = arith.constant 80 : index
      %swap3A_64 = tpu.vector_load %arg7[%swap3A_62, %swap3A_63] {strides = array<i32>} : memref<128x128xf32, #tpu.memory_space<vmem>>, vector<1x16xf32>,
      %swap3A_65 = vector.shape_cast %swap3A_64 : vector<1x16xf32> to vector<16xf32>
      %swap3A_66 = vector.shape_cast %broadcast_in_dim3A_1 : vector<16xf32> to vector<1x16xf32>
      tpu.vector_store %arg7[%swap3A_62, %swap3A_63], %swap3A_66 {strides = array<i32>} : memref<128x128xf32, #tpu.memory_space<vmem>>, vector<1x16xf32>,
      %swap3A_67 = arith.index_cast %add3A_37 : i32 to index
      %swap3A_68 = arith.constant 96 : index
      %swap3A_69 = tpu.vector_load %arg7[%swap3A_67, %swap3A_68] {strides = array<i32>} : memref<128x128xf32, #tpu.memory_space<vmem>>, vector<1x16xf32>,
      %swap3A_70 = vector.shape_cast %swap3A_69 : vector<1x16xf32> to vector<16xf32>
      %swap3A_71 = vector.shape_cast %broadcast_in_dim3A_1 : vector<16xf32> to vector<1x16xf32>
      tpu.vector_store %arg7[%swap3A_67, %swap3A_68], %swap3A_71 {strides = array<i32>} : memref<128x128xf32, #tpu.memory_space<vmem>>, vector<1x16xf32>,
      %swap3A_72 = arith.index_cast %add3A_37 : i32 to index
      %swap3A_73 = arith.constant 112 : index
      %swap3A_74 = tpu.vector_load %arg7[%swap3A_72, %swap3A_73] {strides = array<i32>} : memref<128x128xf32, #tpu.memory_space<vmem>>, vector<1x16xf32>,
      %swap3A_75 = vector.shape_cast %swap3A_74 : vector<1x16xf32> to vector<16xf32>
      %swap3A_76 = vector.shape_cast %broadcast_in_dim3A_1 : vector<16xf32> to vector<1x16xf32>
      tpu.vector_store %arg7[%swap3A_72, %swap3A_73], %swap3A_76 {strides = array<i32>} : memref<128x128xf32, #tpu.memory_space<vmem>>, vector<1x16xf32>,
    }
    %scan3A_5 = arith.constant 16 : i32
    %scan3A_6 = arith.constant 0 : i32
    %scan3A_7 = arith.constant 39 : i32
    %scan3A_8 = arith.addi %scan3A_6, %scan3A_7 : i32
    %scan3A_9 = arith.constant 1 : i32
    scf.for %scan3A_33 = %scan3A_6 to %scan3A_8 step %scan3A_9  : i32 {
      %mul3A_34 = arith.constant 1 : i32
      %mul3A_35 = arith.muli %scan3A_33, %mul3A_34 : i32
      %add3A_36 = arith.constant 0 : i32
      %add3A_37 = arith.addi %add3A_36, %mul3A_35 : i32
      %mul3A_38 = arith.constant 16 : i32
      %mul3A_39 = arith.muli %add3A_37, %mul3A_38 : i32
      %add3A_40 = arith.addi %mul3A_39, %arg1 : i32
      %mul3A_41 = arith.constant 16 : i32
      %mul3A_42 = arith.muli %add3A_40, %mul3A_41 : i32
      "tpu.region"() ({
        %run_scoped3A = tpu.sem_alloc : memref<!tpu.dma_semaphore, #tpu.memory_space<semaphore_mem>>
        %dma_start3A = arith.constant 0 : i32
        %dma_start3A_43 = arith.constant 0 : i32
        %dma_start3A_44 = tpu.memref_slice %arg7[%dma_start3A, %dma_start3A_43] : memref<128x128xf32, #tpu.memory_space<vmem>> -> memref<16x128xf32, #tpu.memory_space<vmem>>
        %dma_start3A_45 = arith.constant 0 : i32
        %dma_start3A_46 = tpu.memref_slice %arg5[%mul3A_42, %dma_start3A_45] : memref<10000x128xf32, #tpu.memory_space<vmem_shared>> -> memref<16x128xf32, #tpu.memory_space<vmem_shared>>
        %dma_start3A_47 = arith.constant 0 : i32
        %dma_start3A_48 = tpu.memref_slice %arg5[%mul3A_42, %dma_start3A_47] : memref<10000x128xf32, #tpu.memory_space<vmem_shared>> -> memref<16x128xf32, #tpu.memory_space<vmem_shared>>
        %dma_start3A_49 = arith.constant 0 : i32
        %dma_start3A_50 = arith.constant 0 : i32
        %dma_start3A_51 = tpu.memref_slice %arg7[%dma_start3A_49, %dma_start3A_50] : memref<128x128xf32, #tpu.memory_space<vmem>> -> memref<16x128xf32, #tpu.memory_space<vmem>>
        tpu.enqueue_dma source(%dma_start3A_51 : memref<16x128xf32, #tpu.memory_space<vmem>>) target(%dma_start3A_48 : memref<16x128xf32, #tpu.memory_space<vmem_shared>>) target_semaphore(%run_scoped3A : memref<!tpu.dma_semaphore, #tpu.memory_space<semaphore_mem>>)
        %dma_wait3A = arith.constant 0 : i32
        %dma_wait3A_52 = arith.constant 0 : i32
        %dma_wait3A_53 = tpu.memref_slice %arg7[%dma_wait3A, %dma_wait3A_52] : memref<128x128xf32, #tpu.memory_space<vmem>> -> memref<16x128xf32, #tpu.memory_space<vmem>>
        %dma_wait3A_54 = arith.constant 0 : i32
        %dma_wait3A_55 = tpu.memref_slice %arg5[%mul3A_42, %dma_wait3A_54] : memref<10000x128xf32, #tpu.memory_space<vmem_shared>> -> memref<16x128xf32, #tpu.memory_space<vmem_shared>>
        %dma_wait3A_56 = arith.constant 0 : i32
        %dma_wait3A_57 = tpu.memref_slice %arg5[%mul3A_42, %dma_wait3A_56] : memref<10000x128xf32, #tpu.memory_space<vmem_shared>> -> memref<16x128xf32, #tpu.memory_space<vmem_shared>>
        %dma_wait3A_58 = arith.constant 0 : i32
        %dma_wait3A_59 = arith.constant 0 : i32
        %dma_wait3A_60 = tpu.memref_slice %arg7[%dma_wait3A_58, %dma_wait3A_59] : memref<128x128xf32, #tpu.memory_space<vmem>> -> memref<16x128xf32, #tpu.memory_space<vmem>>
        tpu.wait_dma2 semaphore(%run_scoped3A : memref<!tpu.dma_semaphore, #tpu.memory_space<semaphore_mem>>) src(%dma_wait3A_60 : memref<16x128xf32, #tpu.memory_space<vmem>>) dst(%dma_wait3A_57 : memref<16x128xf32, #tpu.memory_space<vmem_shared>>)
        tpu.yield
      }) : () -> ()
    }
    %scan3A_10 = arith.constant 39 : i32
    %lt3A = arith.constant 1 : i32
    %lt3A_11 = arith.cmpi slt, %arg1, %lt3A : i32
    %convert_element_type3A = arith.extui %lt3A_11 : i1 to i32
    %cond3A = arith.constant 0 : i32
    %cond3A_12 = arith.cmpi ne, %convert_element_type3A, %cond3A : i32
    scf.if %cond3A_12 {
      %add3A_33 = arith.constant 624 : i32
      %add3A_34 = arith.addi %add3A_33, %arg1 : i32
      %mul3A_35 = arith.constant 16 : i32
      %mul3A_36 = arith.muli %add3A_34, %mul3A_35 : i32
      "tpu.region"() ({
        %run_scoped3A = tpu.sem_alloc : memref<!tpu.dma_semaphore, #tpu.memory_space<semaphore_mem>>
        %dma_start3A = arith.constant 0 : i32
        %dma_start3A_37 = arith.constant 0 : i32
        %dma_start3A_38 = tpu.memref_slice %arg7[%dma_start3A, %dma_start3A_37] : memref<128x128xf32, #tpu.memory_space<vmem>> -> memref<16x128xf32, #tpu.memory_space<vmem>>
        %dma_start3A_39 = arith.constant 0 : i32
        %dma_start3A_40 = tpu.memref_slice %arg5[%mul3A_36, %dma_start3A_39] : memref<10000x128xf32, #tpu.memory_space<vmem_shared>> -> memref<16x128xf32, #tpu.memory_space<vmem_shared>>
        %dma_start3A_41 = arith.constant 0 : i32
        %dma_start3A_42 = tpu.memref_slice %arg5[%mul3A_36, %dma_start3A_41] : memref<10000x128xf32, #tpu.memory_space<vmem_shared>> -> memref<16x128xf32, #tpu.memory_space<vmem_shared>>
        %dma_start3A_43 = arith.constant 0 : i32
        %dma_start3A_44 = arith.constant 0 : i32
        %dma_start3A_45 = tpu.memref_slice %arg7[%dma_start3A_43, %dma_start3A_44] : memref<128x128xf32, #tpu.memory_space<vmem>> -> memref<16x128xf32, #tpu.memory_space<vmem>>
        tpu.enqueue_dma source(%dma_start3A_45 : memref<16x128xf32, #tpu.memory_space<vmem>>) target(%dma_start3A_42 : memref<16x128xf32, #tpu.memory_space<vmem_shared>>) target_semaphore(%run_scoped3A : memref<!tpu.dma_semaphore, #tpu.memory_space<semaphore_mem>>)
        %dma_wait3A = arith.constant 0 : i32
        %dma_wait3A_46 = arith.constant 0 : i32
        %dma_wait3A_47 = tpu.memref_slice %arg7[%dma_wait3A, %dma_wait3A_46] : memref<128x128xf32, #tpu.memory_space<vmem>> -> memref<16x128xf32, #tpu.memory_space<vmem>>
        %dma_wait3A_48 = arith.constant 0 : i32
        %dma_wait3A_49 = tpu.memref_slice %arg5[%mul3A_36, %dma_wait3A_48] : memref<10000x128xf32, #tpu.memory_space<vmem_shared>> -> memref<16x128xf32, #tpu.memory_space<vmem_shared>>
        %dma_wait3A_50 = arith.constant 0 : i32
        %dma_wait3A_51 = tpu.memref_slice %arg5[%mul3A_36, %dma_wait3A_50] : memref<10000x128xf32, #tpu.memory_space<vmem_shared>> -> memref<16x128xf32, #tpu.memory_space<vmem_shared>>
        %dma_wait3A_52 = arith.constant 0 : i32
        %dma_wait3A_53 = arith.constant 0 : i32
        %dma_wait3A_54 = tpu.memref_slice %arg7[%dma_wait3A_52, %dma_wait3A_53] : memref<128x128xf32, #tpu.memory_space<vmem>> -> memref<16x128xf32, #tpu.memory_space<vmem>>
        tpu.wait_dma2 semaphore(%run_scoped3A : memref<!tpu.dma_semaphore, #tpu.memory_space<semaphore_mem>>) src(%dma_wait3A_54 : memref<16x128xf32, #tpu.memory_space<vmem>>) dst(%dma_wait3A_51 : memref<16x128xf32, #tpu.memory_space<vmem_shared>>)
        tpu.yield
      }) : () -> ()
    } else {
    }
    %barrier3A = arith.constant 0 : index
    tpu.barrier barrier_id(%barrier3A)
    %mul3A_13 = arith.constant 10000 : i32
    %mul3A_14 = arith.muli %add3A, %mul3A_13 : i32
    %scan3A_15 = arith.constant 0 : i32
    %scan3A_16 = arith.constant 78 : i32
    %scan3A_17 = arith.addi %scan3A_15, %scan3A_16 : i32
    %scan3A_18 = arith.constant 1 : i32
    scf.for %scan3A_33 = %scan3A_15 to %scan3A_17 step %scan3A_18  : i32 {
      %mul3A_34 = arith.constant 1 : i32
      %mul3A_35 = arith.muli %scan3A_33, %mul3A_34 : i32
      %add3A_36 = arith.constant 0 : i32
      %add3A_37 = arith.addi %add3A_36, %mul3A_35 : i32
      %mul3A_38 = arith.constant 128 : i32
      %mul3A_39 = arith.muli %add3A_37, %mul3A_38 : i32
      %add3A_40 = arith.addi %mul3A_14, %mul3A_39 : i32
      "tpu.region"() ({
        %run_scoped3A = tpu.sem_alloc : memref<!tpu.dma_semaphore, #tpu.memory_space<semaphore_mem>>
        %dma_start3A = tpu.memref_slice %arg3[%add3A_40] : memref<320000xi32, #tpu.memory_space<hbm>> -> memref<128xi32, #tpu.memory_space<hbm>>
        %dma_start3A_41 = tpu.memref_slice %arg3[%add3A_40] : memref<320000xi32, #tpu.memory_space<hbm>> -> memref<128xi32, #tpu.memory_space<hbm>>
        tpu.enqueue_dma source(%dma_start3A_41 : memref<128xi32, #tpu.memory_space<hbm>>) target(%arg6 : memref<128xi32, #tpu.memory_space<vmem>>) target_semaphore(%run_scoped3A : memref<!tpu.dma_semaphore, #tpu.memory_space<semaphore_mem>>)
        %dma_wait3A = tpu.memref_slice %arg3[%add3A_40] : memref<320000xi32, #tpu.memory_space<hbm>> -> memref<128xi32, #tpu.memory_space<hbm>>
        %dma_wait3A_42 = tpu.memref_slice %arg3[%add3A_40] : memref<320000xi32, #tpu.memory_space<hbm>> -> memref<128xi32, #tpu.memory_space<hbm>>
        tpu.wait_dma2 semaphore(%run_scoped3A : memref<!tpu.dma_semaphore, #tpu.memory_space<semaphore_mem>>) src(%dma_wait3A_42 : memref<128xi32, #tpu.memory_space<hbm>>) dst(%arg6 : memref<128xi32, #tpu.memory_space<vmem>>)
        tpu.yield
      }) : () -> ()
      "tpu.region"() ({
        %run_scoped3A = tpu.sem_alloc : memref<!tpu.dma_semaphore, #tpu.memory_space<semaphore_mem>>
        %dma_start3A = arith.constant 0 : i32
        %dma_start3A_41 = tpu.memref_slice %arg2[%add3A_40, %dma_start3A] : memref<320000x128xf32, #tpu.memory_space<hbm>> -> memref<128x128xf32, #tpu.memory_space<hbm>>
        %dma_start3A_42 = arith.constant 0 : i32
        %dma_start3A_43 = tpu.memref_slice %arg2[%add3A_40, %dma_start3A_42] : memref<320000x128xf32, #tpu.memory_space<hbm>> -> memref<128x128xf32, #tpu.memory_space<hbm>>
        tpu.enqueue_dma source(%dma_start3A_43 : memref<128x128xf32, #tpu.memory_space<hbm>>) target(%arg7 : memref<128x128xf32, #tpu.memory_space<vmem>>) target_semaphore(%run_scoped3A : memref<!tpu.dma_semaphore, #tpu.memory_space<semaphore_mem>>)
        %dma_wait3A = arith.constant 0 : i32
        %dma_wait3A_44 = tpu.memref_slice %arg2[%add3A_40, %dma_wait3A] : memref<320000x128xf32, #tpu.memory_space<hbm>> -> memref<128x128xf32, #tpu.memory_space<hbm>>
        %dma_wait3A_45 = arith.constant 0 : i32
        %dma_wait3A_46 = tpu.memref_slice %arg2[%add3A_40, %dma_wait3A_45] : memref<320000x128xf32, #tpu.memory_space<hbm>> -> memref<128x128xf32, #tpu.memory_space<hbm>>
        tpu.wait_dma2 semaphore(%run_scoped3A : memref<!tpu.dma_semaphore, #tpu.memory_space<semaphore_mem>>) src(%dma_wait3A_46 : memref<128x128xf32, #tpu.memory_space<hbm>>) dst(%arg7 : memref<128x128xf32, #tpu.memory_space<vmem>>)
        tpu.yield
      }) : () -> ()
      "tpu.region"() ({
        %run_scoped3A = tpu.sem_alloc : memref<!tpu.dma_semaphore, #tpu.memory_space<semaphore_mem>>
        %dma_start3A = arith.constant 0 : i32
        %dma_start3A_41 = arith.constant 0 : i32
        %dma_start3A_42 = tpu.memref_slice %arg5[%dma_start3A, %dma_start3A_41] : memref<10000x128xf32, #tpu.memory_space<vmem_shared>> -> memref<10000x128xf32, #tpu.memory_space<vmem_shared>>
        tpu.enqueue_indirect_dma source(%arg7 : memref<128x128xf32, #tpu.memory_space<vmem>>) target(%dma_start3A_42 : memref<10000x128xf32, #tpu.memory_space<vmem_shared>>) offsets(%arg6 : memref<128xi32, #tpu.memory_space<vmem>>) semaphore(%run_scoped3A : memref<!tpu.dma_semaphore, #tpu.memory_space<semaphore_mem>>) {add = true}
        %dma_wait3A = arith.constant 0 : i32
        %dma_wait3A_43 = arith.constant 0 : i32
        %dma_wait3A_44 = tpu.memref_slice %arg5[%dma_wait3A, %dma_wait3A_43] : memref<10000x128xf32, #tpu.memory_space<vmem_shared>> -> memref<10000x128xf32, #tpu.memory_space<vmem_shared>>
        tpu.wait_indirect_dma semaphore(%run_scoped3A : memref<!tpu.dma_semaphore, #tpu.memory_space<semaphore_mem>>) src(%arg7 : memref<128x128xf32, #tpu.memory_space<vmem>>) dst(%dma_wait3A_44 : memref<10000x128xf32, #tpu.memory_space<vmem_shared>>)
        tpu.yield
      }) : () -> ()
    }
    %scan3A_19 = arith.constant 78 : i32
    %add3A_20 = arith.constant 9984 : i32
    %add3A_21 = arith.addi %mul3A_14, %add3A_20 : i32
    "tpu.region"() ({
      %run_scoped3A = tpu.sem_alloc : memref<!tpu.dma_semaphore, #tpu.memory_space<semaphore_mem>>
      %dma_start3A = tpu.memref_slice %arg3[%add3A_21] : memref<320000xi32, #tpu.memory_space<hbm>> -> memref<16xi32, #tpu.memory_space<hbm>>
      %dma_start3A_33 = tpu.memref_slice %arg3[%add3A_21] : memref<320000xi32, #tpu.memory_space<hbm>> -> memref<16xi32, #tpu.memory_space<hbm>>
      tpu.enqueue_dma source(%dma_start3A_33 : memref<16xi32, #tpu.memory_space<hbm>>) target(%arg8 : memref<16xi32, #tpu.memory_space<vmem>>) target_semaphore(%run_scoped3A : memref<!tpu.dma_semaphore, #tpu.memory_space<semaphore_mem>>)
      %dma_wait3A = tpu.memref_slice %arg3[%add3A_21] : memref<320000xi32, #tpu.memory_space<hbm>> -> memref<16xi32, #tpu.memory_space<hbm>>
      %dma_wait3A_34 = tpu.memref_slice %arg3[%add3A_21] : memref<320000xi32, #tpu.memory_space<hbm>> -> memref<16xi32, #tpu.memory_space<hbm>>
      tpu.wait_dma2 semaphore(%run_scoped3A : memref<!tpu.dma_semaphore, #tpu.memory_space<semaphore_mem>>) src(%dma_wait3A_34 : memref<16xi32, #tpu.memory_space<hbm>>) dst(%arg8 : memref<16xi32, #tpu.memory_space<vmem>>)
      tpu.yield
    }) : () -> ()
    "tpu.region"() ({
      %run_scoped3A = tpu.sem_alloc : memref<!tpu.dma_semaphore, #tpu.memory_space<semaphore_mem>>
      %dma_start3A = arith.constant 0 : i32
      %dma_start3A_33 = tpu.memref_slice %arg2[%add3A_21, %dma_start3A] : memref<320000x128xf32, #tpu.memory_space<hbm>> -> memref<16x128xf32, #tpu.memory_space<hbm>>
      %dma_start3A_34 = arith.constant 0 : i32
      %dma_start3A_35 = tpu.memref_slice %arg2[%add3A_21, %dma_start3A_34] : memref<320000x128xf32, #tpu.memory_space<hbm>> -> memref<16x128xf32, #tpu.memory_space<hbm>>
      tpu.enqueue_dma source(%dma_start3A_35 : memref<16x128xf32, #tpu.memory_space<hbm>>) target(%arg9 : memref<16x128xf32, #tpu.memory_space<vmem>>) target_semaphore(%run_scoped3A : memref<!tpu.dma_semaphore, #tpu.memory_space<semaphore_mem>>)
      %dma_wait3A = arith.constant 0 : i32
      %dma_wait3A_36 = tpu.memref_slice %arg2[%add3A_21, %dma_wait3A] : memref<320000x128xf32, #tpu.memory_space<hbm>> -> memref<16x128xf32, #tpu.memory_space<hbm>>
      %dma_wait3A_37 = arith.constant 0 : i32
      %dma_wait3A_38 = tpu.memref_slice %arg2[%add3A_21, %dma_wait3A_37] : memref<320000x128xf32, #tpu.memory_space<hbm>> -> memref<16x128xf32, #tpu.memory_space<hbm>>
      tpu.wait_dma2 semaphore(%run_scoped3A : memref<!tpu.dma_semaphore, #tpu.memory_space<semaphore_mem>>) src(%dma_wait3A_38 : memref<16x128xf32, #tpu.memory_space<hbm>>) dst(%arg9 : memref<16x128xf32, #tpu.memory_space<vmem>>)
      tpu.yield
    }) : () -> ()
    "tpu.region"() ({
      %run_scoped3A = tpu.sem_alloc : memref<!tpu.dma_semaphore, #tpu.memory_space<semaphore_mem>>
      %dma_start3A = arith.constant 0 : i32
      %dma_start3A_33 = arith.constant 0 : i32
      %dma_start3A_34 = tpu.memref_slice %arg5[%dma_start3A, %dma_start3A_33] : memref<10000x128xf32, #tpu.memory_space<vmem_shared>> -> memref<10000x128xf32, #tpu.memory_space<vmem_shared>>
      tpu.enqueue_indirect_dma source(%arg9 : memref<16x128xf32, #tpu.memory_space<vmem>>) target(%dma_start3A_34 : memref<10000x128xf32, #tpu.memory_space<vmem_shared>>) offsets(%arg8 : memref<16xi32, #tpu.memory_space<vmem>>) semaphore(%run_scoped3A : memref<!tpu.dma_semaphore, #tpu.memory_space<semaphore_mem>>) {add = true}
      %dma_wait3A = arith.constant 0 : i32
      %dma_wait3A_35 = arith.constant 0 : i32
      %dma_wait3A_36 = tpu.memref_slice %arg5[%dma_wait3A, %dma_wait3A_35] : memref<10000x128xf32, #tpu.memory_space<vmem_shared>> -> memref<10000x128xf32, #tpu.memory_space<vmem_shared>>
      tpu.wait_indirect_dma semaphore(%run_scoped3A : memref<!tpu.dma_semaphore, #tpu.memory_space<semaphore_mem>>) src(%arg9 : memref<16x128xf32, #tpu.memory_space<vmem>>) dst(%dma_wait3A_36 : memref<10000x128xf32, #tpu.memory_space<vmem_shared>>)
      tpu.yield
    }) : () -> ()
    %barrier3A_22 = arith.constant 0 : index
    tpu.barrier barrier_id(%barrier3A_22)
    %scan3A_23 = arith.constant 0 : i32
    %scan3A_24 = arith.constant 39 : i32
    %scan3A_25 = arith.addi %scan3A_23, %scan3A_24 : i32
    %scan3A_26 = arith.constant 1 : i32
    scf.for %scan3A_33 = %scan3A_23 to %scan3A_25 step %scan3A_26  : i32 {
      %mul3A_34 = arith.constant 1 : i32
      %mul3A_35 = arith.muli %scan3A_33, %mul3A_34 : i32
      %add3A_36 = arith.constant 0 : i32
      %add3A_37 = arith.addi %add3A_36, %mul3A_35 : i32
      %mul3A_38 = arith.constant 16 : i32
      %mul3A_39 = arith.muli %add3A_37, %mul3A_38 : i32
      %add3A_40 = arith.addi %mul3A_39, %arg1 : i32
      %mul3A_41 = arith.constant 16 : i32
      %mul3A_42 = arith.muli %add3A_40, %mul3A_41 : i32
      "tpu.region"() ({
        %run_scoped3A = tpu.sem_alloc : memref<!tpu.dma_semaphore, #tpu.memory_space<semaphore_mem>>
        %dma_start3A = arith.constant 0 : i32
        %dma_start3A_43 = tpu.memref_slice %arg4[%arg0, %mul3A_42, %dma_start3A] : memref<2x10000x128xf32, #tpu.memory_space<hbm>> -> memref<1x16x128xf32, #tpu.memory_space<hbm>>
        %dma_start3A_44 = tpu.memref_squeeze %dma_start3A_43 : memref<1x16x128xf32, #tpu.memory_space<hbm>> -> memref<16x128xf32, #tpu.memory_space<hbm>>
        %dma_start3A_45 = arith.constant 0 : i32
        %dma_start3A_46 = tpu.memref_slice %arg5[%mul3A_42, %dma_start3A_45] : memref<10000x128xf32, #tpu.memory_space<vmem_shared>> -> memref<16x128xf32, #tpu.memory_space<vmem_shared>>
        tpu.enqueue_dma source(%dma_start3A_46 : memref<16x128xf32, #tpu.memory_space<vmem_shared>>) target(%dma_start3A_44 : memref<16x128xf32, #tpu.memory_space<hbm>>) target_semaphore(%run_scoped3A : memref<!tpu.dma_semaphore, #tpu.memory_space<semaphore_mem>>)
        %dma_wait3A = arith.constant 0 : i32
        %dma_wait3A_47 = tpu.memref_slice %arg4[%arg0, %mul3A_42, %dma_wait3A] : memref<2x10000x128xf32, #tpu.memory_space<hbm>> -> memref<1x16x128xf32, #tpu.memory_space<hbm>>
        %dma_wait3A_48 = tpu.memref_squeeze %dma_wait3A_47 : memref<1x16x128xf32, #tpu.memory_space<hbm>> -> memref<16x128xf32, #tpu.memory_space<hbm>>
        %dma_wait3A_49 = arith.constant 0 : i32
        %dma_wait3A_50 = tpu.memref_slice %arg5[%mul3A_42, %dma_wait3A_49] : memref<10000x128xf32, #tpu.memory_space<vmem_shared>> -> memref<16x128xf32, #tpu.memory_space<vmem_shared>>
        tpu.wait_dma2 semaphore(%run_scoped3A : memref<!tpu.dma_semaphore, #tpu.memory_space<semaphore_mem>>) src(%dma_wait3A_50 : memref<16x128xf32, #tpu.memory_space<vmem_shared>>) dst(%dma_wait3A_48 : memref<16x128xf32, #tpu.memory_space<hbm>>)
        tpu.yield
      }) : () -> ()
    }
    %scan3A_27 = arith.constant 39 : i32
    %lt3A_28 = arith.constant 1 : i32
    %lt3A_29 = arith.cmpi slt, %arg1, %lt3A_28 : i32
    %convert_element_type3A_30 = arith.extui %lt3A_29 : i1 to i32
    %cond3A_31 = arith.constant 0 : i32
    %cond3A_32 = arith.cmpi ne, %convert_element_type3A_30, %cond3A_31 : i32
    scf.if %cond3A_32 {
      %add3A_33 = arith.constant 624 : i32
      %add3A_34 = arith.addi %add3A_33, %arg1 : i32
      %mul3A_35 = arith.constant 16 : i32
      %mul3A_36 = arith.muli %add3A_34, %mul3A_35 : i32
      "tpu.region"() ({
        %run_scoped3A = tpu.sem_alloc : memref<!tpu.dma_semaphore, #tpu.memory_space<semaphore_mem>>
        %dma_start3A = arith.constant 0 : i32
        %dma_start3A_37 = tpu.memref_slice %arg4[%arg0, %mul3A_36, %dma_start3A] : memref<2x10000x128xf32, #tpu.memory_space<hbm>> -> memref<1x16x128xf32, #tpu.memory_space<hbm>>
        %dma_start3A_38 = tpu.memref_squeeze %dma_start3A_37 : memref<1x16x128xf32, #tpu.memory_space<hbm>> -> memref<16x128xf32, #tpu.memory_space<hbm>>
        %dma_start3A_39 = arith.constant 0 : i32
        %dma_start3A_40 = tpu.memref_slice %arg5[%mul3A_36, %dma_start3A_39] : memref<10000x128xf32, #tpu.memory_space<vmem_shared>> -> memref<16x128xf32, #tpu.memory_space<vmem_shared>>
        tpu.enqueue_dma source(%dma_start3A_40 : memref<16x128xf32, #tpu.memory_space<vmem_shared>>) target(%dma_start3A_38 : memref<16x128xf32, #tpu.memory_space<hbm>>) target_semaphore(%run_scoped3A : memref<!tpu.dma_semaphore, #tpu.memory_space<semaphore_mem>>)
        %dma_wait3A = arith.constant 0 : i32
        %dma_wait3A_41 = tpu.memref_slice %arg4[%arg0, %mul3A_36, %dma_wait3A] : memref<2x10000x128xf32, #tpu.memory_space<hbm>> -> memref<1x16x128xf32, #tpu.memory_space<hbm>>
        %dma_wait3A_42 = tpu.memref_squeeze %dma_wait3A_41 : memref<1x16x128xf32, #tpu.memory_space<hbm>> -> memref<16x128xf32, #tpu.memory_space<hbm>>
        %dma_wait3A_43 = arith.constant 0 : i32
        %dma_wait3A_44 = tpu.memref_slice %arg5[%mul3A_36, %dma_wait3A_43] : memref<10000x128xf32, #tpu.memory_space<vmem_shared>> -> memref<16x128xf32, #tpu.memory_space<vmem_shared>>
        tpu.wait_dma2 semaphore(%run_scoped3A : memref<!tpu.dma_semaphore, #tpu.memory_space<semaphore_mem>>) src(%dma_wait3A_44 : memref<16x128xf32, #tpu.memory_space<vmem_shared>>) dst(%dma_wait3A_42 : memref<16x128xf32, #tpu.memory_space<hbm>>)
        tpu.yield
      }) : () -> ()
    } else {
    }
    return
  }
}

#map = affine_map<(d0, d1) -> (0, 0)>
#map1 = affine_map<(d0, d1) -> (0)>
module attributes {stable_mosaic.version = 14 : i64} {
  func.func @gather_kernel(%arg0: i32, %arg1: i32, %arg2: memref<10000x256xf32, #tpu.memory_space<hbm>>, %arg3: memref<10000x256xf32, #tpu.memory_space<hbm>>, %arg4: memref<320000xi32, #tpu.memory_space<hbm>>, %arg5: memref<320000xi32, #tpu.memory_space<hbm>>, %arg6: memref<320000x256xf32, #tpu.memory_space<hbm>>, %arg7: memref<128xi32, #tpu.memory_space<vmem>>, %arg8: memref<128xi32, #tpu.memory_space<vmem>>, %arg9: memref<128x256xf32, #tpu.memory_space<vmem>>, %arg10: memref<128x256xf32, #tpu.memory_space<vmem>>, %arg11: memref<16xi32, #tpu.memory_space<vmem>>, %arg12: memref<16xi32, #tpu.memory_space<vmem>>, %arg13: memref<16x256xf32, #tpu.memory_space<vmem>>, %arg14: memref<16x256xf32, #tpu.memory_space<vmem>>, %arg15: memref<!tpu.dma_semaphore, #tpu.memory_space<semaphore_mem>>, %arg16: memref<!tpu.dma_semaphore, #tpu.memory_space<semaphore_mem>>) attributes {dimension_semantics = [#tpu.dimension_semantics<core_parallel>, #tpu.dimension_semantics<subcore_parallel>], iteration_bounds = array<i64: 2, 16>, scalar_prefetch = 0 : i64, scratch_operands = 10 : i64, tpu.core_type = #tpu.core_type<sc_vector_subcore>, window_params = [{transform_indices = #map}, {transform_indices = #map}, {transform_indices = #map1}, {transform_indices = #map1}, {transform_indices = #map}]} {
    %mul3A = arith.constant 2 : i32
    %mul3A_0 = arith.muli %arg1, %mul3A : i32
    %add3A = arith.addi %mul3A_0, %arg0 : i32
    %mul3A_1 = arith.constant 10000 : i32
    %mul3A_2 = arith.muli %add3A, %mul3A_1 : i32
    %scan3A = arith.constant 0 : i32
    %scan3A_3 = arith.constant 78 : i32
    %scan3A_4 = arith.addi %scan3A, %scan3A_3 : i32
    %scan3A_5 = arith.constant 1 : i32
    scf.for %scan3A_24 = %scan3A to %scan3A_4 step %scan3A_5  : i32 {
      %mul3A_25 = arith.constant 1 : i32
      %mul3A_26 = arith.muli %scan3A_24, %mul3A_25 : i32
      %add3A_27 = arith.constant 0 : i32
      %add3A_28 = arith.addi %add3A_27, %mul3A_26 : i32
      %mul3A_29 = arith.constant 128 : i32
      %mul3A_30 = arith.muli %add3A_28, %mul3A_29 : i32
      %add3A_31 = arith.addi %mul3A_2, %mul3A_30 : i32
      "tpu.region"() ({
        %run_scoped3A = tpu.sem_alloc : memref<!tpu.dma_semaphore, #tpu.memory_space<semaphore_mem>>
        %dma_start3A_49 = tpu.memref_slice %arg4[%add3A_31] : memref<320000xi32, #tpu.memory_space<hbm>> -> memref<128xi32, #tpu.memory_space<hbm>>
        %dma_start3A_50 = tpu.memref_slice %arg4[%add3A_31] : memref<320000xi32, #tpu.memory_space<hbm>> -> memref<128xi32, #tpu.memory_space<hbm>>
        tpu.enqueue_dma source(%dma_start3A_50 : memref<128xi32, #tpu.memory_space<hbm>>) target(%arg7 : memref<128xi32, #tpu.memory_space<vmem>>) target_semaphore(%run_scoped3A : memref<!tpu.dma_semaphore, #tpu.memory_space<semaphore_mem>>)
        %dma_wait3A_51 = tpu.memref_slice %arg4[%add3A_31] : memref<320000xi32, #tpu.memory_space<hbm>> -> memref<128xi32, #tpu.memory_space<hbm>>
        %dma_wait3A_52 = tpu.memref_slice %arg4[%add3A_31] : memref<320000xi32, #tpu.memory_space<hbm>> -> memref<128xi32, #tpu.memory_space<hbm>>
        tpu.wait_dma2 semaphore(%run_scoped3A : memref<!tpu.dma_semaphore, #tpu.memory_space<semaphore_mem>>) src(%dma_wait3A_52 : memref<128xi32, #tpu.memory_space<hbm>>) dst(%arg7 : memref<128xi32, #tpu.memory_space<vmem>>)
        tpu.yield
      }) : () -> ()
      "tpu.region"() ({
        %run_scoped3A = tpu.sem_alloc : memref<!tpu.dma_semaphore, #tpu.memory_space<semaphore_mem>>
        %dma_start3A_49 = tpu.memref_slice %arg5[%add3A_31] : memref<320000xi32, #tpu.memory_space<hbm>> -> memref<128xi32, #tpu.memory_space<hbm>>
        %dma_start3A_50 = tpu.memref_slice %arg5[%add3A_31] : memref<320000xi32, #tpu.memory_space<hbm>> -> memref<128xi32, #tpu.memory_space<hbm>>
        tpu.enqueue_dma source(%dma_start3A_50 : memref<128xi32, #tpu.memory_space<hbm>>) target(%arg8 : memref<128xi32, #tpu.memory_space<vmem>>) target_semaphore(%run_scoped3A : memref<!tpu.dma_semaphore, #tpu.memory_space<semaphore_mem>>)
        %dma_wait3A_51 = tpu.memref_slice %arg5[%add3A_31] : memref<320000xi32, #tpu.memory_space<hbm>> -> memref<128xi32, #tpu.memory_space<hbm>>
        %dma_wait3A_52 = tpu.memref_slice %arg5[%add3A_31] : memref<320000xi32, #tpu.memory_space<hbm>> -> memref<128xi32, #tpu.memory_space<hbm>>
        tpu.wait_dma2 semaphore(%run_scoped3A : memref<!tpu.dma_semaphore, #tpu.memory_space<semaphore_mem>>) src(%dma_wait3A_52 : memref<128xi32, #tpu.memory_space<hbm>>) dst(%arg8 : memref<128xi32, #tpu.memory_space<vmem>>)
        tpu.yield
      }) : () -> ()
      %dma_start3A_32 = arith.constant 0 : i32
      %dma_start3A_33 = arith.constant 0 : i32
      %dma_start3A_34 = tpu.memref_slice %arg2[%dma_start3A_32, %dma_start3A_33] : memref<10000x256xf32, #tpu.memory_space<hbm>> -> memref<10000x256xf32, #tpu.memory_space<hbm>>
      tpu.enqueue_indirect_dma source(%dma_start3A_34 : memref<10000x256xf32, #tpu.memory_space<hbm>>) target(%arg9 : memref<128x256xf32, #tpu.memory_space<vmem>>) offsets(%arg7 : memref<128xi32, #tpu.memory_space<vmem>>) semaphore(%arg15 : memref<!tpu.dma_semaphore, #tpu.memory_space<semaphore_mem>>)
      %dma_start3A_35 = arith.constant 0 : i32
      %dma_start3A_36 = arith.constant 0 : i32
      %dma_start3A_37 = tpu.memref_slice %arg3[%dma_start3A_35, %dma_start3A_36] : memref<10000x256xf32, #tpu.memory_space<hbm>> -> memref<10000x256xf32, #tpu.memory_space<hbm>>
      tpu.enqueue_indirect_dma source(%dma_start3A_37 : memref<10000x256xf32, #tpu.memory_space<hbm>>) target(%arg10 : memref<128x256xf32, #tpu.memory_space<vmem>>) offsets(%arg8 : memref<128xi32, #tpu.memory_space<vmem>>) semaphore(%arg16 : memref<!tpu.dma_semaphore, #tpu.memory_space<semaphore_mem>>)
      %dma_wait3A_38 = arith.constant 0 : i32
      %dma_wait3A_39 = arith.constant 0 : i32
      %dma_wait3A_40 = tpu.memref_slice %arg2[%dma_wait3A_38, %dma_wait3A_39] : memref<10000x256xf32, #tpu.memory_space<hbm>> -> memref<10000x256xf32, #tpu.memory_space<hbm>>
      tpu.wait_indirect_dma semaphore(%arg15 : memref<!tpu.dma_semaphore, #tpu.memory_space<semaphore_mem>>) src(%dma_wait3A_40 : memref<10000x256xf32, #tpu.memory_space<hbm>>) dst(%arg9 : memref<128x256xf32, #tpu.memory_space<vmem>>)
      %dma_wait3A_41 = arith.constant 0 : i32
      %dma_wait3A_42 = arith.constant 0 : i32
      %dma_wait3A_43 = tpu.memref_slice %arg3[%dma_wait3A_41, %dma_wait3A_42] : memref<10000x256xf32, #tpu.memory_space<hbm>> -> memref<10000x256xf32, #tpu.memory_space<hbm>>
      tpu.wait_indirect_dma semaphore(%arg16 : memref<!tpu.dma_semaphore, #tpu.memory_space<semaphore_mem>>) src(%dma_wait3A_43 : memref<10000x256xf32, #tpu.memory_space<hbm>>) dst(%arg10 : memref<128x256xf32, #tpu.memory_space<vmem>>)
      %scan3A_44 = arith.constant 0 : i32
      %scan3A_45 = arith.constant 128 : i32
      %scan3A_46 = arith.addi %scan3A_44, %scan3A_45 : i32
      %scan3A_47 = arith.constant 1 : i32
      scf.for %scan3A_49 = %scan3A_44 to %scan3A_46 step %scan3A_47  : i32 {
        %mul3A_50 = arith.constant 1 : i32
        %mul3A_51 = arith.muli %scan3A_49, %mul3A_50 : i32
        %add3A_52 = arith.constant 0 : i32
        %add3A_53 = arith.addi %add3A_52, %mul3A_51 : i32
        %get3A = arith.index_cast %add3A_53 : i32 to index
        %get3A_54 = arith.constant 0 : index
        %get3A_55 = tpu.vector_load %arg9[%get3A, %get3A_54] {strides = array<i32>} : memref<128x256xf32, #tpu.memory_space<vmem>>, vector<1x16xf32>,
        %get3A_56 = vector.shape_cast %get3A_55 : vector<1x16xf32> to vector<16xf32>
        %get3A_57 = arith.index_cast %add3A_53 : i32 to index
        %get3A_58 = arith.constant 0 : index
        %get3A_59 = tpu.vector_load %arg10[%get3A_57, %get3A_58] {strides = array<i32>} : memref<128x256xf32, #tpu.memory_space<vmem>>, vector<1x16xf32>,
        %get3A_60 = vector.shape_cast %get3A_59 : vector<1x16xf32> to vector<16xf32>
        %add3A_61 = arith.addf %get3A_56, %get3A_60 : vector<16xf32>
        %swap3A = arith.index_cast %add3A_53 : i32 to index
        %swap3A_62 = arith.constant 0 : index
        %swap3A_63 = tpu.vector_load %arg9[%swap3A, %swap3A_62] {strides = array<i32>} : memref<128x256xf32, #tpu.memory_space<vmem>>, vector<1x16xf32>,
        %swap3A_64 = vector.shape_cast %swap3A_63 : vector<1x16xf32> to vector<16xf32>
        %swap3A_65 = vector.shape_cast %add3A_61 : vector<16xf32> to vector<1x16xf32>
        tpu.vector_store %arg9[%swap3A, %swap3A_62], %swap3A_65 {strides = array<i32>} : memref<128x256xf32, #tpu.memory_space<vmem>>, vector<1x16xf32>,
        %get3A_66 = arith.index_cast %add3A_53 : i32 to index
        %get3A_67 = arith.constant 16 : index
        %get3A_68 = tpu.vector_load %arg9[%get3A_66, %get3A_67] {strides = array<i32>} : memref<128x256xf32, #tpu.memory_space<vmem>>, vector<1x16xf32>,
        %get3A_69 = vector.shape_cast %get3A_68 : vector<1x16xf32> to vector<16xf32>
        %get3A_70 = arith.index_cast %add3A_53 : i32 to index
        %get3A_71 = arith.constant 16 : index
        %get3A_72 = tpu.vector_load %arg10[%get3A_70, %get3A_71] {strides = array<i32>} : memref<128x256xf32, #tpu.memory_space<vmem>>, vector<1x16xf32>,
        %get3A_73 = vector.shape_cast %get3A_72 : vector<1x16xf32> to vector<16xf32>
        %add3A_74 = arith.addf %get3A_69, %get3A_73 : vector<16xf32>
        %swap3A_75 = arith.index_cast %add3A_53 : i32 to index
        %swap3A_76 = arith.constant 16 : index
        %swap3A_77 = tpu.vector_load %arg9[%swap3A_75, %swap3A_76] {strides = array<i32>} : memref<128x256xf32, #tpu.memory_space<vmem>>, vector<1x16xf32>,
        %swap3A_78 = vector.shape_cast %swap3A_77 : vector<1x16xf32> to vector<16xf32>
        %swap3A_79 = vector.shape_cast %add3A_74 : vector<16xf32> to vector<1x16xf32>
        tpu.vector_store %arg9[%swap3A_75, %swap3A_76], %swap3A_79 {strides = array<i32>} : memref<128x256xf32, #tpu.memory_space<vmem>>, vector<1x16xf32>,
        %get3A_80 = arith.index_cast %add3A_53 : i32 to index
        %get3A_81 = arith.constant 32 : index
        %get3A_82 = tpu.vector_load %arg9[%get3A_80, %get3A_81] {strides = array<i32>} : memref<128x256xf32, #tpu.memory_space<vmem>>, vector<1x16xf32>,
        %get3A_83 = vector.shape_cast %get3A_82 : vector<1x16xf32> to vector<16xf32>
        %get3A_84 = arith.index_cast %add3A_53 : i32 to index
        %get3A_85 = arith.constant 32 : index
        %get3A_86 = tpu.vector_load %arg10[%get3A_84, %get3A_85] {strides = array<i32>} : memref<128x256xf32, #tpu.memory_space<vmem>>, vector<1x16xf32>,
        %get3A_87 = vector.shape_cast %get3A_86 : vector<1x16xf32> to vector<16xf32>
        %add3A_88 = arith.addf %get3A_83, %get3A_87 : vector<16xf32>
        %swap3A_89 = arith.index_cast %add3A_53 : i32 to index
        %swap3A_90 = arith.constant 32 : index
        %swap3A_91 = tpu.vector_load %arg9[%swap3A_89, %swap3A_90] {strides = array<i32>} : memref<128x256xf32, #tpu.memory_space<vmem>>, vector<1x16xf32>,
        %swap3A_92 = vector.shape_cast %swap3A_91 : vector<1x16xf32> to vector<16xf32>
        %swap3A_93 = vector.shape_cast %add3A_88 : vector<16xf32> to vector<1x16xf32>
        tpu.vector_store %arg9[%swap3A_89, %swap3A_90], %swap3A_93 {strides = array<i32>} : memref<128x256xf32, #tpu.memory_space<vmem>>, vector<1x16xf32>,
        %get3A_94 = arith.index_cast %add3A_53 : i32 to index
        %get3A_95 = arith.constant 48 : index
        %get3A_96 = tpu.vector_load %arg9[%get3A_94, %get3A_95] {strides = array<i32>} : memref<128x256xf32, #tpu.memory_space<vmem>>, vector<1x16xf32>,
        %get3A_97 = vector.shape_cast %get3A_96 : vector<1x16xf32> to vector<16xf32>
        %get3A_98 = arith.index_cast %add3A_53 : i32 to index
        %get3A_99 = arith.constant 48 : index
        %get3A_100 = tpu.vector_load %arg10[%get3A_98, %get3A_99] {strides = array<i32>} : memref<128x256xf32, #tpu.memory_space<vmem>>, vector<1x16xf32>,
        %get3A_101 = vector.shape_cast %get3A_100 : vector<1x16xf32> to vector<16xf32>
        %add3A_102 = arith.addf %get3A_97, %get3A_101 : vector<16xf32>
        %swap3A_103 = arith.index_cast %add3A_53 : i32 to index
        %swap3A_104 = arith.constant 48 : index
        %swap3A_105 = tpu.vector_load %arg9[%swap3A_103, %swap3A_104] {strides = array<i32>} : memref<128x256xf32, #tpu.memory_space<vmem>>, vector<1x16xf32>,
        %swap3A_106 = vector.shape_cast %swap3A_105 : vector<1x16xf32> to vector<16xf32>
        %swap3A_107 = vector.shape_cast %add3A_102 : vector<16xf32> to vector<1x16xf32>
        tpu.vector_store %arg9[%swap3A_103, %swap3A_104], %swap3A_107 {strides = array<i32>} : memref<128x256xf32, #tpu.memory_space<vmem>>, vector<1x16xf32>,
        %get3A_108 = arith.index_cast %add3A_53 : i32 to index
        %get3A_109 = arith.constant 64 : index
        %get3A_110 = tpu.vector_load %arg9[%get3A_108, %get3A_109] {strides = array<i32>} : memref<128x256xf32, #tpu.memory_space<vmem>>, vector<1x16xf32>,
        %get3A_111 = vector.shape_cast %get3A_110 : vector<1x16xf32> to vector<16xf32>
        %get3A_112 = arith.index_cast %add3A_53 : i32 to index
        %get3A_113 = arith.constant 64 : index
        %get3A_114 = tpu.vector_load %arg10[%get3A_112, %get3A_113] {strides = array<i32>} : memref<128x256xf32, #tpu.memory_space<vmem>>, vector<1x16xf32>,
        %get3A_115 = vector.shape_cast %get3A_114 : vector<1x16xf32> to vector<16xf32>
        %add3A_116 = arith.addf %get3A_111, %get3A_115 : vector<16xf32>
        %swap3A_117 = arith.index_cast %add3A_53 : i32 to index
        %swap3A_118 = arith.constant 64 : index
        %swap3A_119 = tpu.vector_load %arg9[%swap3A_117, %swap3A_118] {strides = array<i32>} : memref<128x256xf32, #tpu.memory_space<vmem>>, vector<1x16xf32>,
        %swap3A_120 = vector.shape_cast %swap3A_119 : vector<1x16xf32> to vector<16xf32>
        %swap3A_121 = vector.shape_cast %add3A_116 : vector<16xf32> to vector<1x16xf32>
        tpu.vector_store %arg9[%swap3A_117, %swap3A_118], %swap3A_121 {strides = array<i32>} : memref<128x256xf32, #tpu.memory_space<vmem>>, vector<1x16xf32>,
        %get3A_122 = arith.index_cast %add3A_53 : i32 to index
        %get3A_123 = arith.constant 80 : index
        %get3A_124 = tpu.vector_load %arg9[%get3A_122, %get3A_123] {strides = array<i32>} : memref<128x256xf32, #tpu.memory_space<vmem>>, vector<1x16xf32>,
        %get3A_125 = vector.shape_cast %get3A_124 : vector<1x16xf32> to vector<16xf32>
        %get3A_126 = arith.index_cast %add3A_53 : i32 to index
        %get3A_127 = arith.constant 80 : index
        %get3A_128 = tpu.vector_load %arg10[%get3A_126, %get3A_127] {strides = array<i32>} : memref<128x256xf32, #tpu.memory_space<vmem>>, vector<1x16xf32>,
        %get3A_129 = vector.shape_cast %get3A_128 : vector<1x16xf32> to vector<16xf32>
        %add3A_130 = arith.addf %get3A_125, %get3A_129 : vector<16xf32>
        %swap3A_131 = arith.index_cast %add3A_53 : i32 to index
        %swap3A_132 = arith.constant 80 : index
        %swap3A_133 = tpu.vector_load %arg9[%swap3A_131, %swap3A_132] {strides = array<i32>} : memref<128x256xf32, #tpu.memory_space<vmem>>, vector<1x16xf32>,
        %swap3A_134 = vector.shape_cast %swap3A_133 : vector<1x16xf32> to vector<16xf32>
        %swap3A_135 = vector.shape_cast %add3A_130 : vector<16xf32> to vector<1x16xf32>
        tpu.vector_store %arg9[%swap3A_131, %swap3A_132], %swap3A_135 {strides = array<i32>} : memref<128x256xf32, #tpu.memory_space<vmem>>, vector<1x16xf32>,
        %get3A_136 = arith.index_cast %add3A_53 : i32 to index
        %get3A_137 = arith.constant 96 : index
        %get3A_138 = tpu.vector_load %arg9[%get3A_136, %get3A_137] {strides = array<i32>} : memref<128x256xf32, #tpu.memory_space<vmem>>, vector<1x16xf32>,
        %get3A_139 = vector.shape_cast %get3A_138 : vector<1x16xf32> to vector<16xf32>
        %get3A_140 = arith.index_cast %add3A_53 : i32 to index
        %get3A_141 = arith.constant 96 : index
        %get3A_142 = tpu.vector_load %arg10[%get3A_140, %get3A_141] {strides = array<i32>} : memref<128x256xf32, #tpu.memory_space<vmem>>, vector<1x16xf32>,
        %get3A_143 = vector.shape_cast %get3A_142 : vector<1x16xf32> to vector<16xf32>
        %add3A_144 = arith.addf %get3A_139, %get3A_143 : vector<16xf32>
        %swap3A_145 = arith.index_cast %add3A_53 : i32 to index
        %swap3A_146 = arith.constant 96 : index
        %swap3A_147 = tpu.vector_load %arg9[%swap3A_145, %swap3A_146] {strides = array<i32>} : memref<128x256xf32, #tpu.memory_space<vmem>>, vector<1x16xf32>,
        %swap3A_148 = vector.shape_cast %swap3A_147 : vector<1x16xf32> to vector<16xf32>
        %swap3A_149 = vector.shape_cast %add3A_144 : vector<16xf32> to vector<1x16xf32>
        tpu.vector_store %arg9[%swap3A_145, %swap3A_146], %swap3A_149 {strides = array<i32>} : memref<128x256xf32, #tpu.memory_space<vmem>>, vector<1x16xf32>,
        %get3A_150 = arith.index_cast %add3A_53 : i32 to index
        %get3A_151 = arith.constant 112 : index
        %get3A_152 = tpu.vector_load %arg9[%get3A_150, %get3A_151] {strides = array<i32>} : memref<128x256xf32, #tpu.memory_space<vmem>>, vector<1x16xf32>,
        %get3A_153 = vector.shape_cast %get3A_152 : vector<1x16xf32> to vector<16xf32>
        %get3A_154 = arith.index_cast %add3A_53 : i32 to index
        %get3A_155 = arith.constant 112 : index
        %get3A_156 = tpu.vector_load %arg10[%get3A_154, %get3A_155] {strides = array<i32>} : memref<128x256xf32, #tpu.memory_space<vmem>>, vector<1x16xf32>,
        %get3A_157 = vector.shape_cast %get3A_156 : vector<1x16xf32> to vector<16xf32>
        %add3A_158 = arith.addf %get3A_153, %get3A_157 : vector<16xf32>
        %swap3A_159 = arith.index_cast %add3A_53 : i32 to index
        %swap3A_160 = arith.constant 112 : index
        %swap3A_161 = tpu.vector_load %arg9[%swap3A_159, %swap3A_160] {strides = array<i32>} : memref<128x256xf32, #tpu.memory_space<vmem>>, vector<1x16xf32>,
        %swap3A_162 = vector.shape_cast %swap3A_161 : vector<1x16xf32> to vector<16xf32>
        %swap3A_163 = vector.shape_cast %add3A_158 : vector<16xf32> to vector<1x16xf32>
        tpu.vector_store %arg9[%swap3A_159, %swap3A_160], %swap3A_163 {strides = array<i32>} : memref<128x256xf32, #tpu.memory_space<vmem>>, vector<1x16xf32>,
        %get3A_164 = arith.index_cast %add3A_53 : i32 to index
        %get3A_165 = arith.constant 128 : index
        %get3A_166 = tpu.vector_load %arg9[%get3A_164, %get3A_165] {strides = array<i32>} : memref<128x256xf32, #tpu.memory_space<vmem>>, vector<1x16xf32>,
        %get3A_167 = vector.shape_cast %get3A_166 : vector<1x16xf32> to vector<16xf32>
        %get3A_168 = arith.index_cast %add3A_53 : i32 to index
        %get3A_169 = arith.constant 128 : index
        %get3A_170 = tpu.vector_load %arg10[%get3A_168, %get3A_169] {strides = array<i32>} : memref<128x256xf32, #tpu.memory_space<vmem>>, vector<1x16xf32>,
        %get3A_171 = vector.shape_cast %get3A_170 : vector<1x16xf32> to vector<16xf32>
        %add3A_172 = arith.addf %get3A_167, %get3A_171 : vector<16xf32>
        %swap3A_173 = arith.index_cast %add3A_53 : i32 to index
        %swap3A_174 = arith.constant 128 : index
        %swap3A_175 = tpu.vector_load %arg9[%swap3A_173, %swap3A_174] {strides = array<i32>} : memref<128x256xf32, #tpu.memory_space<vmem>>, vector<1x16xf32>,
        %swap3A_176 = vector.shape_cast %swap3A_175 : vector<1x16xf32> to vector<16xf32>
        %swap3A_177 = vector.shape_cast %add3A_172 : vector<16xf32> to vector<1x16xf32>
        tpu.vector_store %arg9[%swap3A_173, %swap3A_174], %swap3A_177 {strides = array<i32>} : memref<128x256xf32, #tpu.memory_space<vmem>>, vector<1x16xf32>,
      }
      %scan3A_48 = arith.constant 128 : i32
      "tpu.region"() ({
        %run_scoped3A = tpu.sem_alloc : memref<!tpu.dma_semaphore, #tpu.memory_space<semaphore_mem>>
        %dma_start3A_49 = arith.constant 0 : i32
        %dma_start3A_50 = tpu.memref_slice %arg6[%add3A_31, %dma_start3A_49] : memref<320000x256xf32, #tpu.memory_space<hbm>> -> memref<128x256xf32, #tpu.memory_space<hbm>>
        %dma_start3A_51 = arith.constant 0 : i32
        %dma_start3A_52 = tpu.memref_slice %arg6[%add3A_31, %dma_start3A_51] : memref<320000x256xf32, #tpu.memory_space<hbm>> -> memref<128x256xf32, #tpu.memory_space<hbm>>
        tpu.enqueue_dma source(%arg9 : memref<128x256xf32, #tpu.memory_space<vmem>>) target(%dma_start3A_52 : memref<128x256xf32, #tpu.memory_space<hbm>>) target_semaphore(%run_scoped3A : memref<!tpu.dma_semaphore, #tpu.memory_space<semaphore_mem>>)
        %dma_wait3A_53 = arith.constant 0 : i32
        %dma_wait3A_54 = tpu.memref_slice %arg6[%add3A_31, %dma_wait3A_53] : memref<320000x256xf32, #tpu.memory_space<hbm>> -> memref<128x256xf32, #tpu.memory_space<hbm>>
        %dma_wait3A_55 = arith.constant 0 : i32
        %dma_wait3A_56 = tpu.memref_slice %arg6[%add3A_31, %dma_wait3A_55] : memref<320000x256xf32, #tpu.memory_space<hbm>> -> memref<128x256xf32, #tpu.memory_space<hbm>>
        tpu.wait_dma2 semaphore(%run_scoped3A : memref<!tpu.dma_semaphore, #tpu.memory_space<semaphore_mem>>) src(%arg9 : memref<128x256xf32, #tpu.memory_space<vmem>>) dst(%dma_wait3A_56 : memref<128x256xf32, #tpu.memory_space<hbm>>)
        tpu.yield
      }) : () -> ()
    }
    %scan3A_6 = arith.constant 78 : i32
    %add3A_7 = arith.constant 9984 : i32
    %add3A_8 = arith.addi %mul3A_2, %add3A_7 : i32
    "tpu.region"() ({
      %run_scoped3A = tpu.sem_alloc : memref<!tpu.dma_semaphore, #tpu.memory_space<semaphore_mem>>
      %dma_start3A_24 = tpu.memref_slice %arg4[%add3A_8] : memref<320000xi32, #tpu.memory_space<hbm>> -> memref<16xi32, #tpu.memory_space<hbm>>
      %dma_start3A_25 = tpu.memref_slice %arg4[%add3A_8] : memref<320000xi32, #tpu.memory_space<hbm>> -> memref<16xi32, #tpu.memory_space<hbm>>
      tpu.enqueue_dma source(%dma_start3A_25 : memref<16xi32, #tpu.memory_space<hbm>>) target(%arg11 : memref<16xi32, #tpu.memory_space<vmem>>) target_semaphore(%run_scoped3A : memref<!tpu.dma_semaphore, #tpu.memory_space<semaphore_mem>>)
      %dma_wait3A_26 = tpu.memref_slice %arg4[%add3A_8] : memref<320000xi32, #tpu.memory_space<hbm>> -> memref<16xi32, #tpu.memory_space<hbm>>
      %dma_wait3A_27 = tpu.memref_slice %arg4[%add3A_8] : memref<320000xi32, #tpu.memory_space<hbm>> -> memref<16xi32, #tpu.memory_space<hbm>>
      tpu.wait_dma2 semaphore(%run_scoped3A : memref<!tpu.dma_semaphore, #tpu.memory_space<semaphore_mem>>) src(%dma_wait3A_27 : memref<16xi32, #tpu.memory_space<hbm>>) dst(%arg11 : memref<16xi32, #tpu.memory_space<vmem>>)
      tpu.yield
    }) : () -> ()
    "tpu.region"() ({
      %run_scoped3A = tpu.sem_alloc : memref<!tpu.dma_semaphore, #tpu.memory_space<semaphore_mem>>
      %dma_start3A_24 = tpu.memref_slice %arg5[%add3A_8] : memref<320000xi32, #tpu.memory_space<hbm>> -> memref<16xi32, #tpu.memory_space<hbm>>
      %dma_start3A_25 = tpu.memref_slice %arg5[%add3A_8] : memref<320000xi32, #tpu.memory_space<hbm>> -> memref<16xi32, #tpu.memory_space<hbm>>
      tpu.enqueue_dma source(%dma_start3A_25 : memref<16xi32, #tpu.memory_space<hbm>>) target(%arg12 : memref<16xi32, #tpu.memory_space<vmem>>) target_semaphore(%run_scoped3A : memref<!tpu.dma_semaphore, #tpu.memory_space<semaphore_mem>>)
      %dma_wait3A_26 = tpu.memref_slice %arg5[%add3A_8] : memref<320000xi32, #tpu.memory_space<hbm>> -> memref<16xi32, #tpu.memory_space<hbm>>
      %dma_wait3A_27 = tpu.memref_slice %arg5[%add3A_8] : memref<320000xi32, #tpu.memory_space<hbm>> -> memref<16xi32, #tpu.memory_space<hbm>>
      tpu.wait_dma2 semaphore(%run_scoped3A : memref<!tpu.dma_semaphore, #tpu.memory_space<semaphore_mem>>) src(%dma_wait3A_27 : memref<16xi32, #tpu.memory_space<hbm>>) dst(%arg12 : memref<16xi32, #tpu.memory_space<vmem>>)
      tpu.yield
    }) : () -> ()
    %dma_start3A = arith.constant 0 : i32
    %dma_start3A_9 = arith.constant 0 : i32
    %dma_start3A_10 = tpu.memref_slice %arg2[%dma_start3A, %dma_start3A_9] : memref<10000x256xf32, #tpu.memory_space<hbm>> -> memref<10000x256xf32, #tpu.memory_space<hbm>>
    tpu.enqueue_indirect_dma source(%dma_start3A_10 : memref<10000x256xf32, #tpu.memory_space<hbm>>) target(%arg13 : memref<16x256xf32, #tpu.memory_space<vmem>>) offsets(%arg11 : memref<16xi32, #tpu.memory_space<vmem>>) semaphore(%arg15 : memref<!tpu.dma_semaphore, #tpu.memory_space<semaphore_mem>>)
    %dma_start3A_11 = arith.constant 0 : i32
    %dma_start3A_12 = arith.constant 0 : i32
    %dma_start3A_13 = tpu.memref_slice %arg3[%dma_start3A_11, %dma_start3A_12] : memref<10000x256xf32, #tpu.memory_space<hbm>> -> memref<10000x256xf32, #tpu.memory_space<hbm>>
    tpu.enqueue_indirect_dma source(%dma_start3A_13 : memref<10000x256xf32, #tpu.memory_space<hbm>>) target(%arg14 : memref<16x256xf32, #tpu.memory_space<vmem>>) offsets(%arg12 : memref<16xi32, #tpu.memory_space<vmem>>) semaphore(%arg16 : memref<!tpu.dma_semaphore, #tpu.memory_space<semaphore_mem>>)
    %dma_wait3A = arith.constant 0 : i32
    %dma_wait3A_14 = arith.constant 0 : i32
    %dma_wait3A_15 = tpu.memref_slice %arg2[%dma_wait3A, %dma_wait3A_14] : memref<10000x256xf32, #tpu.memory_space<hbm>> -> memref<10000x256xf32, #tpu.memory_space<hbm>>
    tpu.wait_indirect_dma semaphore(%arg15 : memref<!tpu.dma_semaphore, #tpu.memory_space<semaphore_mem>>) src(%dma_wait3A_15 : memref<10000x256xf32, #tpu.memory_space<hbm>>) dst(%arg13 : memref<16x256xf32, #tpu.memory_space<vmem>>)
    %dma_wait3A_16 = arith.constant 0 : i32
    %dma_wait3A_17 = arith.constant 0 : i32
    %dma_wait3A_18 = tpu.memref_slice %arg3[%dma_wait3A_16, %dma_wait3A_17] : memref<10000x256xf32, #tpu.memory_space<hbm>> -> memref<10000x256xf32, #tpu.memory_space<hbm>>
    tpu.wait_indirect_dma semaphore(%arg16 : memref<!tpu.dma_semaphore, #tpu.memory_space<semaphore_mem>>) src(%dma_wait3A_18 : memref<10000x256xf32, #tpu.memory_space<hbm>>) dst(%arg14 : memref<16x256xf32, #tpu.memory_space<vmem>>)
    %scan3A_19 = arith.constant 0 : i32
    %scan3A_20 = arith.constant 16 : i32
    %scan3A_21 = arith.addi %scan3A_19, %scan3A_20 : i32
    %scan3A_22 = arith.constant 1 : i32
    scf.for %scan3A_24 = %scan3A_19 to %scan3A_21 step %scan3A_22  : i32 {
      %mul3A_25 = arith.constant 1 : i32
      %mul3A_26 = arith.muli %scan3A_24, %mul3A_25 : i32
      %add3A_27 = arith.constant 0 : i32
      %add3A_28 = arith.addi %add3A_27, %mul3A_26 : i32
      %get3A = arith.index_cast %add3A_28 : i32 to index
      %get3A_29 = arith.constant 0 : index
      %get3A_30 = tpu.vector_load %arg13[%get3A, %get3A_29] {strides = array<i32>} : memref<16x256xf32, #tpu.memory_space<vmem>>, vector<1x16xf32>,
      %get3A_31 = vector.shape_cast %get3A_30 : vector<1x16xf32> to vector<16xf32>
      %get3A_32 = arith.index_cast %add3A_28 : i32 to index
      %get3A_33 = arith.constant 0 : index
      %get3A_34 = tpu.vector_load %arg14[%get3A_32, %get3A_33] {strides = array<i32>} : memref<16x256xf32, #tpu.memory_space<vmem>>, vector<1x16xf32>,
      %get3A_35 = vector.shape_cast %get3A_34 : vector<1x16xf32> to vector<16xf32>
      %add3A_36 = arith.addf %get3A_31, %get3A_35 : vector<16xf32>
      %swap3A = arith.index_cast %add3A_28 : i32 to index
      %swap3A_37 = arith.constant 0 : index
      %swap3A_38 = tpu.vector_load %arg13[%swap3A, %swap3A_37] {strides = array<i32>} : memref<16x256xf32, #tpu.memory_space<vmem>>, vector<1x16xf32>,
      %swap3A_39 = vector.shape_cast %swap3A_38 : vector<1x16xf32> to vector<16xf32>
      %swap3A_40 = vector.shape_cast %add3A_36 : vector<16xf32> to vector<1x16xf32>
      tpu.vector_store %arg13[%swap3A, %swap3A_37], %swap3A_40 {strides = array<i32>} : memref<16x256xf32, #tpu.memory_space<vmem>>, vector<1x16xf32>,
      %get3A_41 = arith.index_cast %add3A_28 : i32 to index
      %get3A_42 = arith.constant 16 : index
      %get3A_43 = tpu.vector_load %arg13[%get3A_41, %get3A_42] {strides = array<i32>} : memref<16x256xf32, #tpu.memory_space<vmem>>, vector<1x16xf32>,
      %get3A_44 = vector.shape_cast %get3A_43 : vector<1x16xf32> to vector<16xf32>
      %get3A_45 = arith.index_cast %add3A_28 : i32 to index
      %get3A_46 = arith.constant 16 : index
      %get3A_47 = tpu.vector_load %arg14[%get3A_45, %get3A_46] {strides = array<i32>} : memref<16x256xf32, #tpu.memory_space<vmem>>, vector<1x16xf32>,
      %get3A_48 = vector.shape_cast %get3A_47 : vector<1x16xf32> to vector<16xf32>
      %add3A_49 = arith.addf %get3A_44, %get3A_48 : vector<16xf32>
      %swap3A_50 = arith.index_cast %add3A_28 : i32 to index
      %swap3A_51 = arith.constant 16 : index
      %swap3A_52 = tpu.vector_load %arg13[%swap3A_50, %swap3A_51] {strides = array<i32>} : memref<16x256xf32, #tpu.memory_space<vmem>>, vector<1x16xf32>,
      %swap3A_53 = vector.shape_cast %swap3A_52 : vector<1x16xf32> to vector<16xf32>
      %swap3A_54 = vector.shape_cast %add3A_49 : vector<16xf32> to vector<1x16xf32>
      tpu.vector_store %arg13[%swap3A_50, %swap3A_51], %swap3A_54 {strides = array<i32>} : memref<16x256xf32, #tpu.memory_space<vmem>>, vector<1x16xf32>,
      %get3A_55 = arith.index_cast %add3A_28 : i32 to index
      %get3A_56 = arith.constant 32 : index
      %get3A_57 = tpu.vector_load %arg13[%get3A_55, %get3A_56] {strides = array<i32>} : memref<16x256xf32, #tpu.memory_space<vmem>>, vector<1x16xf32>,
      %get3A_58 = vector.shape_cast %get3A_57 : vector<1x16xf32> to vector<16xf32>
      %get3A_59 = arith.index_cast %add3A_28 : i32 to index
      %get3A_60 = arith.constant 32 : index
      %get3A_61 = tpu.vector_load %arg14[%get3A_59, %get3A_60] {strides = array<i32>} : memref<16x256xf32, #tpu.memory_space<vmem>>, vector<1x16xf32>,
      %get3A_62 = vector.shape_cast %get3A_61 : vector<1x16xf32> to vector<16xf32>
      %add3A_63 = arith.addf %get3A_58, %get3A_62 : vector<16xf32>
      %swap3A_64 = arith.index_cast %add3A_28 : i32 to index
      %swap3A_65 = arith.constant 32 : index
      %swap3A_66 = tpu.vector_load %arg13[%swap3A_64, %swap3A_65] {strides = array<i32>} : memref<16x256xf32, #tpu.memory_space<vmem>>, vector<1x16xf32>,
      %swap3A_67 = vector.shape_cast %swap3A_66 : vector<1x16xf32> to vector<16xf32>
      %swap3A_68 = vector.shape_cast %add3A_63 : vector<16xf32> to vector<1x16xf32>
      tpu.vector_store %arg13[%swap3A_64, %swap3A_65], %swap3A_68 {strides = array<i32>} : memref<16x256xf32, #tpu.memory_space<vmem>>, vector<1x16xf32>,
      %get3A_69 = arith.index_cast %add3A_28 : i32 to index
      %get3A_70 = arith.constant 48 : index
      %get3A_71 = tpu.vector_load %arg13[%get3A_69, %get3A_70] {strides = array<i32>} : memref<16x256xf32, #tpu.memory_space<vmem>>, vector<1x16xf32>,
      %get3A_72 = vector.shape_cast %get3A_71 : vector<1x16xf32> to vector<16xf32>
      %get3A_73 = arith.index_cast %add3A_28 : i32 to index
      %get3A_74 = arith.constant 48 : index
      %get3A_75 = tpu.vector_load %arg14[%get3A_73, %get3A_74] {strides = array<i32>} : memref<16x256xf32, #tpu.memory_space<vmem>>, vector<1x16xf32>,
      %get3A_76 = vector.shape_cast %get3A_75 : vector<1x16xf32> to vector<16xf32>
      %add3A_77 = arith.addf %get3A_72, %get3A_76 : vector<16xf32>
      %swap3A_78 = arith.index_cast %add3A_28 : i32 to index
      %swap3A_79 = arith.constant 48 : index
      %swap3A_80 = tpu.vector_load %arg13[%swap3A_78, %swap3A_79] {strides = array<i32>} : memref<16x256xf32, #tpu.memory_space<vmem>>, vector<1x16xf32>,
      %swap3A_81 = vector.shape_cast %swap3A_80 : vector<1x16xf32> to vector<16xf32>
      %swap3A_82 = vector.shape_cast %add3A_77 : vector<16xf32> to vector<1x16xf32>
      tpu.vector_store %arg13[%swap3A_78, %swap3A_79], %swap3A_82 {strides = array<i32>} : memref<16x256xf32, #tpu.memory_space<vmem>>, vector<1x16xf32>,
      %get3A_83 = arith.index_cast %add3A_28 : i32 to index
      %get3A_84 = arith.constant 64 : index
      %get3A_85 = tpu.vector_load %arg13[%get3A_83, %get3A_84] {strides = array<i32>} : memref<16x256xf32, #tpu.memory_space<vmem>>, vector<1x16xf32>,
      %get3A_86 = vector.shape_cast %get3A_85 : vector<1x16xf32> to vector<16xf32>
      %get3A_87 = arith.index_cast %add3A_28 : i32 to index
      %get3A_88 = arith.constant 64 : index
      %get3A_89 = tpu.vector_load %arg14[%get3A_87, %get3A_88] {strides = array<i32>} : memref<16x256xf32, #tpu.memory_space<vmem>>, vector<1x16xf32>,
      %get3A_90 = vector.shape_cast %get3A_89 : vector<1x16xf32> to vector<16xf32>
      %add3A_91 = arith.addf %get3A_86, %get3A_90 : vector<16xf32>
      %swap3A_92 = arith.index_cast %add3A_28 : i32 to index
      %swap3A_93 = arith.constant 64 : index
      %swap3A_94 = tpu.vector_load %arg13[%swap3A_92, %swap3A_93] {strides = array<i32>} : memref<16x256xf32, #tpu.memory_space<vmem>>, vector<1x16xf32>,
      %swap3A_95 = vector.shape_cast %swap3A_94 : vector<1x16xf32> to vector<16xf32>
      %swap3A_96 = vector.shape_cast %add3A_91 : vector<16xf32> to vector<1x16xf32>
      tpu.vector_store %arg13[%swap3A_92, %swap3A_93], %swap3A_96 {strides = array<i32>} : memref<16x256xf32, #tpu.memory_space<vmem>>, vector<1x16xf32>,
      %get3A_97 = arith.index_cast %add3A_28 : i32 to index
      %get3A_98 = arith.constant 80 : index
      %get3A_99 = tpu.vector_load %arg13[%get3A_97, %get3A_98] {strides = array<i32>} : memref<16x256xf32, #tpu.memory_space<vmem>>, vector<1x16xf32>,
      %get3A_100 = vector.shape_cast %get3A_99 : vector<1x16xf32> to vector<16xf32>
      %get3A_101 = arith.index_cast %add3A_28 : i32 to index
      %get3A_102 = arith.constant 80 : index
      %get3A_103 = tpu.vector_load %arg14[%get3A_101, %get3A_102] {strides = array<i32>} : memref<16x256xf32, #tpu.memory_space<vmem>>, vector<1x16xf32>,
      %get3A_104 = vector.shape_cast %get3A_103 : vector<1x16xf32> to vector<16xf32>
      %add3A_105 = arith.addf %get3A_100, %get3A_104 : vector<16xf32>
      %swap3A_106 = arith.index_cast %add3A_28 : i32 to index
      %swap3A_107 = arith.constant 80 : index
      %swap3A_108 = tpu.vector_load %arg13[%swap3A_106, %swap3A_107] {strides = array<i32>} : memref<16x256xf32, #tpu.memory_space<vmem>>, vector<1x16xf32>,
      %swap3A_109 = vector.shape_cast %swap3A_108 : vector<1x16xf32> to vector<16xf32>
      %swap3A_110 = vector.shape_cast %add3A_105 : vector<16xf32> to vector<1x16xf32>
      tpu.vector_store %arg13[%swap3A_106, %swap3A_107], %swap3A_110 {strides = array<i32>} : memref<16x256xf32, #tpu.memory_space<vmem>>, vector<1x16xf32>,
      %get3A_111 = arith.index_cast %add3A_28 : i32 to index
      %get3A_112 = arith.constant 96 : index
      %get3A_113 = tpu.vector_load %arg13[%get3A_111, %get3A_112] {strides = array<i32>} : memref<16x256xf32, #tpu.memory_space<vmem>>, vector<1x16xf32>,
      %get3A_114 = vector.shape_cast %get3A_113 : vector<1x16xf32> to vector<16xf32>
      %get3A_115 = arith.index_cast %add3A_28 : i32 to index
      %get3A_116 = arith.constant 96 : index
      %get3A_117 = tpu.vector_load %arg14[%get3A_115, %get3A_116] {strides = array<i32>} : memref<16x256xf32, #tpu.memory_space<vmem>>, vector<1x16xf32>,
      %get3A_118 = vector.shape_cast %get3A_117 : vector<1x16xf32> to vector<16xf32>
      %add3A_119 = arith.addf %get3A_114, %get3A_118 : vector<16xf32>
      %swap3A_120 = arith.index_cast %add3A_28 : i32 to index
      %swap3A_121 = arith.constant 96 : index
      %swap3A_122 = tpu.vector_load %arg13[%swap3A_120, %swap3A_121] {strides = array<i32>} : memref<16x256xf32, #tpu.memory_space<vmem>>, vector<1x16xf32>,
      %swap3A_123 = vector.shape_cast %swap3A_122 : vector<1x16xf32> to vector<16xf32>
      %swap3A_124 = vector.shape_cast %add3A_119 : vector<16xf32> to vector<1x16xf32>
      tpu.vector_store %arg13[%swap3A_120, %swap3A_121], %swap3A_124 {strides = array<i32>} : memref<16x256xf32, #tpu.memory_space<vmem>>, vector<1x16xf32>,
      %get3A_125 = arith.index_cast %add3A_28 : i32 to index
      %get3A_126 = arith.constant 112 : index
      %get3A_127 = tpu.vector_load %arg13[%get3A_125, %get3A_126] {strides = array<i32>} : memref<16x256xf32, #tpu.memory_space<vmem>>, vector<1x16xf32>,
      %get3A_128 = vector.shape_cast %get3A_127 : vector<1x16xf32> to vector<16xf32>
      %get3A_129 = arith.index_cast %add3A_28 : i32 to index
      %get3A_130 = arith.constant 112 : index
      %get3A_131 = tpu.vector_load %arg14[%get3A_129, %get3A_130] {strides = array<i32>} : memref<16x256xf32, #tpu.memory_space<vmem>>, vector<1x16xf32>,
      %get3A_132 = vector.shape_cast %get3A_131 : vector<1x16xf32> to vector<16xf32>
      %add3A_133 = arith.addf %get3A_128, %get3A_132 : vector<16xf32>
      %swap3A_134 = arith.index_cast %add3A_28 : i32 to index
      %swap3A_135 = arith.constant 112 : index
      %swap3A_136 = tpu.vector_load %arg13[%swap3A_134, %swap3A_135] {strides = array<i32>} : memref<16x256xf32, #tpu.memory_space<vmem>>, vector<1x16xf32>,
      %swap3A_137 = vector.shape_cast %swap3A_136 : vector<1x16xf32> to vector<16xf32>
      %swap3A_138 = vector.shape_cast %add3A_133 : vector<16xf32> to vector<1x16xf32>
      tpu.vector_store %arg13[%swap3A_134, %swap3A_135], %swap3A_138 {strides = array<i32>} : memref<16x256xf32, #tpu.memory_space<vmem>>, vector<1x16xf32>,
      %get3A_139 = arith.index_cast %add3A_28 : i32 to index
      %get3A_140 = arith.constant 128 : index
      %get3A_141 = tpu.vector_load %arg13[%get3A_139, %get3A_140] {strides = array<i32>} : memref<16x256xf32, #tpu.memory_space<vmem>>, vector<1x16xf32>,
      %get3A_142 = vector.shape_cast %get3A_141 : vector<1x16xf32> to vector<16xf32>
      %get3A_143 = arith.index_cast %add3A_28 : i32 to index
      %get3A_144 = arith.constant 128 : index
      %get3A_145 = tpu.vector_load %arg14[%get3A_143, %get3A_144] {strides = array<i32>} : memref<16x256xf32, #tpu.memory_space<vmem>>, vector<1x16xf32>,
      %get3A_146 = vector.shape_cast %get3A_145 : vector<1x16xf32> to vector<16xf32>
      %add3A_147 = arith.addf %get3A_142, %get3A_146 : vector<16xf32>
      %swap3A_148 = arith.index_cast %add3A_28 : i32 to index
      %swap3A_149 = arith.constant 128 : index
      %swap3A_150 = tpu.vector_load %arg13[%swap3A_148, %swap3A_149] {strides = array<i32>} : memref<16x256xf32, #tpu.memory_space<vmem>>, vector<1x16xf32>,
      %swap3A_151 = vector.shape_cast %swap3A_150 : vector<1x16xf32> to vector<16xf32>
      %swap3A_152 = vector.shape_cast %add3A_147 : vector<16xf32> to vector<1x16xf32>
      tpu.vector_store %arg13[%swap3A_148, %swap3A_149], %swap3A_152 {strides = array<i32>} : memref<16x256xf32, #tpu.memory_space<vmem>>, vector<1x16xf32>,
    }
    %scan3A_23 = arith.constant 16 : i32
    "tpu.region"() ({
      %run_scoped3A = tpu.sem_alloc : memref<!tpu.dma_semaphore, #tpu.memory_space<semaphore_mem>>
      %dma_start3A_24 = arith.constant 0 : i32
      %dma_start3A_25 = tpu.memref_slice %arg6[%add3A_8, %dma_start3A_24] : memref<320000x256xf32, #tpu.memory_space<hbm>> -> memref<16x256xf32, #tpu.memory_space<hbm>>
      %dma_start3A_26 = arith.constant 0 : i32
      %dma_start3A_27 = tpu.memref_slice %arg6[%add3A_8, %dma_start3A_26] : memref<320000x256xf32, #tpu.memory_space<hbm>> -> memref<16x256xf32, #tpu.memory_space<hbm>>
      tpu.enqueue_dma source(%arg13 : memref<16x256xf32, #tpu.memory_space<vmem>>) target(%dma_start3A_27 : memref<16x256xf32, #tpu.memory_space<hbm>>) target_semaphore(%run_scoped3A : memref<!tpu.dma_semaphore, #tpu.memory_space<semaphore_mem>>)
      %dma_wait3A_28 = arith.constant 0 : i32
      %dma_wait3A_29 = tpu.memref_slice %arg6[%add3A_8, %dma_wait3A_28] : memref<320000x256xf32, #tpu.memory_space<hbm>> -> memref<16x256xf32, #tpu.memory_space<hbm>>
      %dma_wait3A_30 = arith.constant 0 : i32
      %dma_wait3A_31 = tpu.memref_slice %arg6[%add3A_8, %dma_wait3A_30] : memref<320000x256xf32, #tpu.memory_space<hbm>> -> memref<16x256xf32, #tpu.memory_space<hbm>>
      tpu.wait_dma2 semaphore(%run_scoped3A : memref<!tpu.dma_semaphore, #tpu.memory_space<semaphore_mem>>) src(%arg13 : memref<16x256xf32, #tpu.memory_space<vmem>>) dst(%dma_wait3A_31 : memref<16x256xf32, #tpu.memory_space<hbm>>)
      tpu.yield
    }) : () -> ()
    return
  }
}

#map = affine_map<(d0, d1) -> (0, 0)>
#map1 = affine_map<(d0, d1) -> (0)>
#map2 = affine_map<(d0, d1) -> (0, 0, 0)>
module attributes {stable_mosaic.version = 14 : i64} {
  func.func @scatter_kernel(%arg0: i32, %arg1: i32, %arg2: memref<320000x16xf32, #tpu.memory_space<hbm>>, %arg3: memref<320000xi32, #tpu.memory_space<hbm>>, %arg4: memref<2x10000x128xf32, #tpu.memory_space<hbm>>, %arg5: memref<10000x128xf32, #tpu.memory_space<vmem_shared>>, %arg6: memref<128xi32, #tpu.memory_space<vmem>>, %arg7: memref<128x16xf32, #tpu.memory_space<vmem>>, %arg8: memref<16xi32, #tpu.memory_space<vmem>>, %arg9: memref<16x16xf32, #tpu.memory_space<vmem>>, %arg10: memref<128x128xf32, #tpu.memory_space<vmem>>, %arg11: memref<16x128xf32, #tpu.memory_space<vmem>>) attributes {dimension_semantics = [#tpu.dimension_semantics<core_parallel>, #tpu.dimension_semantics<subcore_parallel>], iteration_bounds = array<i64: 2, 16>, scalar_prefetch = 0 : i64, scratch_operands = 7 : i64, tpu.core_type = #tpu.core_type<sc_vector_subcore>, window_params = [{transform_indices = #map}, {transform_indices = #map1}, {transform_indices = #map2}]} {
    %mul3A = arith.constant 2 : i32
    %mul3A_0 = arith.muli %arg1, %mul3A : i32
    %add3A = arith.addi %mul3A_0, %arg0 : i32
    %broadcast_in_dim3A = arith.constant 0.000000e+00 : f32
    %broadcast_in_dim3A_1 = vector.broadcast %broadcast_in_dim3A : f32 to vector<16xf32>
    %scan3A = arith.constant 0 : i32
    %scan3A_2 = arith.constant 16 : i32
    %scan3A_3 = arith.addi %scan3A, %scan3A_2 : i32
    %scan3A_4 = arith.constant 1 : i32
    scf.for %scan3A_48 = %scan3A to %scan3A_3 step %scan3A_4  : i32 {
      %mul3A_49 = arith.constant 1 : i32
      %mul3A_50 = arith.muli %scan3A_48, %mul3A_49 : i32
      %add3A_51 = arith.constant 0 : i32
      %add3A_52 = arith.addi %add3A_51, %mul3A_50 : i32
      %swap3A = arith.index_cast %add3A_52 : i32 to index
      %swap3A_53 = arith.constant 0 : index
      %swap3A_54 = tpu.vector_load %arg10[%swap3A, %swap3A_53] {strides = array<i32>} : memref<128x128xf32, #tpu.memory_space<vmem>>, vector<1x16xf32>,
      %swap3A_55 = vector.shape_cast %swap3A_54 : vector<1x16xf32> to vector<16xf32>
      %swap3A_56 = vector.shape_cast %broadcast_in_dim3A_1 : vector<16xf32> to vector<1x16xf32>
      tpu.vector_store %arg10[%swap3A, %swap3A_53], %swap3A_56 {strides = array<i32>} : memref<128x128xf32, #tpu.memory_space<vmem>>, vector<1x16xf32>,
      %swap3A_57 = arith.index_cast %add3A_52 : i32 to index
      %swap3A_58 = arith.constant 16 : index
      %swap3A_59 = tpu.vector_load %arg10[%swap3A_57, %swap3A_58] {strides = array<i32>} : memref<128x128xf32, #tpu.memory_space<vmem>>, vector<1x16xf32>,
      %swap3A_60 = vector.shape_cast %swap3A_59 : vector<1x16xf32> to vector<16xf32>
      %swap3A_61 = vector.shape_cast %broadcast_in_dim3A_1 : vector<16xf32> to vector<1x16xf32>
      tpu.vector_store %arg10[%swap3A_57, %swap3A_58], %swap3A_61 {strides = array<i32>} : memref<128x128xf32, #tpu.memory_space<vmem>>, vector<1x16xf32>,
      %swap3A_62 = arith.index_cast %add3A_52 : i32 to index
      %swap3A_63 = arith.constant 32 : index
      %swap3A_64 = tpu.vector_load %arg10[%swap3A_62, %swap3A_63] {strides = array<i32>} : memref<128x128xf32, #tpu.memory_space<vmem>>, vector<1x16xf32>,
      %swap3A_65 = vector.shape_cast %swap3A_64 : vector<1x16xf32> to vector<16xf32>
      %swap3A_66 = vector.shape_cast %broadcast_in_dim3A_1 : vector<16xf32> to vector<1x16xf32>
      tpu.vector_store %arg10[%swap3A_62, %swap3A_63], %swap3A_66 {strides = array<i32>} : memref<128x128xf32, #tpu.memory_space<vmem>>, vector<1x16xf32>,
      %swap3A_67 = arith.index_cast %add3A_52 : i32 to index
      %swap3A_68 = arith.constant 48 : index
      %swap3A_69 = tpu.vector_load %arg10[%swap3A_67, %swap3A_68] {strides = array<i32>} : memref<128x128xf32, #tpu.memory_space<vmem>>, vector<1x16xf32>,
      %swap3A_70 = vector.shape_cast %swap3A_69 : vector<1x16xf32> to vector<16xf32>
      %swap3A_71 = vector.shape_cast %broadcast_in_dim3A_1 : vector<16xf32> to vector<1x16xf32>
      tpu.vector_store %arg10[%swap3A_67, %swap3A_68], %swap3A_71 {strides = array<i32>} : memref<128x128xf32, #tpu.memory_space<vmem>>, vector<1x16xf32>,
      %swap3A_72 = arith.index_cast %add3A_52 : i32 to index
      %swap3A_73 = arith.constant 64 : index
      %swap3A_74 = tpu.vector_load %arg10[%swap3A_72, %swap3A_73] {strides = array<i32>} : memref<128x128xf32, #tpu.memory_space<vmem>>, vector<1x16xf32>,
      %swap3A_75 = vector.shape_cast %swap3A_74 : vector<1x16xf32> to vector<16xf32>
      %swap3A_76 = vector.shape_cast %broadcast_in_dim3A_1 : vector<16xf32> to vector<1x16xf32>
      tpu.vector_store %arg10[%swap3A_72, %swap3A_73], %swap3A_76 {strides = array<i32>} : memref<128x128xf32, #tpu.memory_space<vmem>>, vector<1x16xf32>,
      %swap3A_77 = arith.index_cast %add3A_52 : i32 to index
      %swap3A_78 = arith.constant 80 : index
      %swap3A_79 = tpu.vector_load %arg10[%swap3A_77, %swap3A_78] {strides = array<i32>} : memref<128x128xf32, #tpu.memory_space<vmem>>, vector<1x16xf32>,
      %swap3A_80 = vector.shape_cast %swap3A_79 : vector<1x16xf32> to vector<16xf32>
      %swap3A_81 = vector.shape_cast %broadcast_in_dim3A_1 : vector<16xf32> to vector<1x16xf32>
      tpu.vector_store %arg10[%swap3A_77, %swap3A_78], %swap3A_81 {strides = array<i32>} : memref<128x128xf32, #tpu.memory_space<vmem>>, vector<1x16xf32>,
      %swap3A_82 = arith.index_cast %add3A_52 : i32 to index
      %swap3A_83 = arith.constant 96 : index
      %swap3A_84 = tpu.vector_load %arg10[%swap3A_82, %swap3A_83] {strides = array<i32>} : memref<128x128xf32, #tpu.memory_space<vmem>>, vector<1x16xf32>,
      %swap3A_85 = vector.shape_cast %swap3A_84 : vector<1x16xf32> to vector<16xf32>
      %swap3A_86 = vector.shape_cast %broadcast_in_dim3A_1 : vector<16xf32> to vector<1x16xf32>
      tpu.vector_store %arg10[%swap3A_82, %swap3A_83], %swap3A_86 {strides = array<i32>} : memref<128x128xf32, #tpu.memory_space<vmem>>, vector<1x16xf32>,
      %swap3A_87 = arith.index_cast %add3A_52 : i32 to index
      %swap3A_88 = arith.constant 112 : index
      %swap3A_89 = tpu.vector_load %arg10[%swap3A_87, %swap3A_88] {strides = array<i32>} : memref<128x128xf32, #tpu.memory_space<vmem>>, vector<1x16xf32>,
      %swap3A_90 = vector.shape_cast %swap3A_89 : vector<1x16xf32> to vector<16xf32>
      %swap3A_91 = vector.shape_cast %broadcast_in_dim3A_1 : vector<16xf32> to vector<1x16xf32>
      tpu.vector_store %arg10[%swap3A_87, %swap3A_88], %swap3A_91 {strides = array<i32>} : memref<128x128xf32, #tpu.memory_space<vmem>>, vector<1x16xf32>,
    }
    %scan3A_5 = arith.constant 16 : i32
    %scan3A_6 = arith.constant 0 : i32
    %scan3A_7 = arith.constant 39 : i32
    %scan3A_8 = arith.addi %scan3A_6, %scan3A_7 : i32
    %scan3A_9 = arith.constant 1 : i32
    scf.for %scan3A_48 = %scan3A_6 to %scan3A_8 step %scan3A_9  : i32 {
      %mul3A_49 = arith.constant 1 : i32
      %mul3A_50 = arith.muli %scan3A_48, %mul3A_49 : i32
      %add3A_51 = arith.constant 0 : i32
      %add3A_52 = arith.addi %add3A_51, %mul3A_50 : i32
      %mul3A_53 = arith.constant 16 : i32
      %mul3A_54 = arith.muli %add3A_52, %mul3A_53 : i32
      %add3A_55 = arith.addi %mul3A_54, %arg1 : i32
      %mul3A_56 = arith.constant 16 : i32
      %mul3A_57 = arith.muli %add3A_55, %mul3A_56 : i32
      "tpu.region"() ({
        %run_scoped3A = tpu.sem_alloc : memref<!tpu.dma_semaphore, #tpu.memory_space<semaphore_mem>>
        %dma_start3A = arith.constant 0 : i32
        %dma_start3A_58 = arith.constant 0 : i32
        %dma_start3A_59 = tpu.memref_slice %arg10[%dma_start3A, %dma_start3A_58] : memref<128x128xf32, #tpu.memory_space<vmem>> -> memref<16x128xf32, #tpu.memory_space<vmem>>
        %dma_start3A_60 = arith.constant 0 : i32
        %dma_start3A_61 = tpu.memref_slice %arg5[%mul3A_57, %dma_start3A_60] : memref<10000x128xf32, #tpu.memory_space<vmem_shared>> -> memref<16x128xf32, #tpu.memory_space<vmem_shared>>
        %dma_start3A_62 = arith.constant 0 : i32
        %dma_start3A_63 = tpu.memref_slice %arg5[%mul3A_57, %dma_start3A_62] : memref<10000x128xf32, #tpu.memory_space<vmem_shared>> -> memref<16x128xf32, #tpu.memory_space<vmem_shared>>
        %dma_start3A_64 = arith.constant 0 : i32
        %dma_start3A_65 = arith.constant 0 : i32
        %dma_start3A_66 = tpu.memref_slice %arg10[%dma_start3A_64, %dma_start3A_65] : memref<128x128xf32, #tpu.memory_space<vmem>> -> memref<16x128xf32, #tpu.memory_space<vmem>>
        tpu.enqueue_dma source(%dma_start3A_66 : memref<16x128xf32, #tpu.memory_space<vmem>>) target(%dma_start3A_63 : memref<16x128xf32, #tpu.memory_space<vmem_shared>>) target_semaphore(%run_scoped3A : memref<!tpu.dma_semaphore, #tpu.memory_space<semaphore_mem>>)
        %dma_wait3A = arith.constant 0 : i32
        %dma_wait3A_67 = arith.constant 0 : i32
        %dma_wait3A_68 = tpu.memref_slice %arg10[%dma_wait3A, %dma_wait3A_67] : memref<128x128xf32, #tpu.memory_space<vmem>> -> memref<16x128xf32, #tpu.memory_space<vmem>>
        %dma_wait3A_69 = arith.constant 0 : i32
        %dma_wait3A_70 = tpu.memref_slice %arg5[%mul3A_57, %dma_wait3A_69] : memref<10000x128xf32, #tpu.memory_space<vmem_shared>> -> memref<16x128xf32, #tpu.memory_space<vmem_shared>>
        %dma_wait3A_71 = arith.constant 0 : i32
        %dma_wait3A_72 = tpu.memref_slice %arg5[%mul3A_57, %dma_wait3A_71] : memref<10000x128xf32, #tpu.memory_space<vmem_shared>> -> memref<16x128xf32, #tpu.memory_space<vmem_shared>>
        %dma_wait3A_73 = arith.constant 0 : i32
        %dma_wait3A_74 = arith.constant 0 : i32
        %dma_wait3A_75 = tpu.memref_slice %arg10[%dma_wait3A_73, %dma_wait3A_74] : memref<128x128xf32, #tpu.memory_space<vmem>> -> memref<16x128xf32, #tpu.memory_space<vmem>>
        tpu.wait_dma2 semaphore(%run_scoped3A : memref<!tpu.dma_semaphore, #tpu.memory_space<semaphore_mem>>) src(%dma_wait3A_75 : memref<16x128xf32, #tpu.memory_space<vmem>>) dst(%dma_wait3A_72 : memref<16x128xf32, #tpu.memory_space<vmem_shared>>)
        tpu.yield
      }) : () -> ()
    }
    %scan3A_10 = arith.constant 39 : i32
    %lt3A = arith.constant 1 : i32
    %lt3A_11 = arith.cmpi slt, %arg1, %lt3A : i32
    %convert_element_type3A = arith.extui %lt3A_11 : i1 to i32
    %cond3A = arith.constant 0 : i32
    %cond3A_12 = arith.cmpi ne, %convert_element_type3A, %cond3A : i32
    scf.if %cond3A_12 {
      %add3A_48 = arith.constant 624 : i32
      %add3A_49 = arith.addi %add3A_48, %arg1 : i32
      %mul3A_50 = arith.constant 16 : i32
      %mul3A_51 = arith.muli %add3A_49, %mul3A_50 : i32
      "tpu.region"() ({
        %run_scoped3A = tpu.sem_alloc : memref<!tpu.dma_semaphore, #tpu.memory_space<semaphore_mem>>
        %dma_start3A = arith.constant 0 : i32
        %dma_start3A_52 = arith.constant 0 : i32
        %dma_start3A_53 = tpu.memref_slice %arg10[%dma_start3A, %dma_start3A_52] : memref<128x128xf32, #tpu.memory_space<vmem>> -> memref<16x128xf32, #tpu.memory_space<vmem>>
        %dma_start3A_54 = arith.constant 0 : i32
        %dma_start3A_55 = tpu.memref_slice %arg5[%mul3A_51, %dma_start3A_54] : memref<10000x128xf32, #tpu.memory_space<vmem_shared>> -> memref<16x128xf32, #tpu.memory_space<vmem_shared>>
        %dma_start3A_56 = arith.constant 0 : i32
        %dma_start3A_57 = tpu.memref_slice %arg5[%mul3A_51, %dma_start3A_56] : memref<10000x128xf32, #tpu.memory_space<vmem_shared>> -> memref<16x128xf32, #tpu.memory_space<vmem_shared>>
        %dma_start3A_58 = arith.constant 0 : i32
        %dma_start3A_59 = arith.constant 0 : i32
        %dma_start3A_60 = tpu.memref_slice %arg10[%dma_start3A_58, %dma_start3A_59] : memref<128x128xf32, #tpu.memory_space<vmem>> -> memref<16x128xf32, #tpu.memory_space<vmem>>
        tpu.enqueue_dma source(%dma_start3A_60 : memref<16x128xf32, #tpu.memory_space<vmem>>) target(%dma_start3A_57 : memref<16x128xf32, #tpu.memory_space<vmem_shared>>) target_semaphore(%run_scoped3A : memref<!tpu.dma_semaphore, #tpu.memory_space<semaphore_mem>>)
        %dma_wait3A = arith.constant 0 : i32
        %dma_wait3A_61 = arith.constant 0 : i32
        %dma_wait3A_62 = tpu.memref_slice %arg10[%dma_wait3A, %dma_wait3A_61] : memref<128x128xf32, #tpu.memory_space<vmem>> -> memref<16x128xf32, #tpu.memory_space<vmem>>
        %dma_wait3A_63 = arith.constant 0 : i32
        %dma_wait3A_64 = tpu.memref_slice %arg5[%mul3A_51, %dma_wait3A_63] : memref<10000x128xf32, #tpu.memory_space<vmem_shared>> -> memref<16x128xf32, #tpu.memory_space<vmem_shared>>
        %dma_wait3A_65 = arith.constant 0 : i32
        %dma_wait3A_66 = tpu.memref_slice %arg5[%mul3A_51, %dma_wait3A_65] : memref<10000x128xf32, #tpu.memory_space<vmem_shared>> -> memref<16x128xf32, #tpu.memory_space<vmem_shared>>
        %dma_wait3A_67 = arith.constant 0 : i32
        %dma_wait3A_68 = arith.constant 0 : i32
        %dma_wait3A_69 = tpu.memref_slice %arg10[%dma_wait3A_67, %dma_wait3A_68] : memref<128x128xf32, #tpu.memory_space<vmem>> -> memref<16x128xf32, #tpu.memory_space<vmem>>
        tpu.wait_dma2 semaphore(%run_scoped3A : memref<!tpu.dma_semaphore, #tpu.memory_space<semaphore_mem>>) src(%dma_wait3A_69 : memref<16x128xf32, #tpu.memory_space<vmem>>) dst(%dma_wait3A_66 : memref<16x128xf32, #tpu.memory_space<vmem_shared>>)
        tpu.yield
      }) : () -> ()
    } else {
    }
    %scan3A_13 = arith.constant 0 : i32
    %scan3A_14 = arith.constant 112 : i32
    %scan3A_15 = arith.addi %scan3A_13, %scan3A_14 : i32
    %scan3A_16 = arith.constant 1 : i32
    scf.for %scan3A_48 = %scan3A_13 to %scan3A_15 step %scan3A_16  : i32 {
      %mul3A_49 = arith.constant 1 : i32
      %mul3A_50 = arith.muli %scan3A_48, %mul3A_49 : i32
      %add3A_51 = arith.constant 16 : i32
      %add3A_52 = arith.addi %add3A_51, %mul3A_50 : i32
      %swap3A = arith.index_cast %add3A_52 : i32 to index
      %swap3A_53 = arith.constant 0 : index
      %swap3A_54 = tpu.vector_load %arg10[%swap3A, %swap3A_53] {strides = array<i32>} : memref<128x128xf32, #tpu.memory_space<vmem>>, vector<1x16xf32>,
      %swap3A_55 = vector.shape_cast %swap3A_54 : vector<1x16xf32> to vector<16xf32>
      %swap3A_56 = vector.shape_cast %broadcast_in_dim3A_1 : vector<16xf32> to vector<1x16xf32>
      tpu.vector_store %arg10[%swap3A, %swap3A_53], %swap3A_56 {strides = array<i32>} : memref<128x128xf32, #tpu.memory_space<vmem>>, vector<1x16xf32>,
      %swap3A_57 = arith.index_cast %add3A_52 : i32 to index
      %swap3A_58 = arith.constant 16 : index
      %swap3A_59 = tpu.vector_load %arg10[%swap3A_57, %swap3A_58] {strides = array<i32>} : memref<128x128xf32, #tpu.memory_space<vmem>>, vector<1x16xf32>,
      %swap3A_60 = vector.shape_cast %swap3A_59 : vector<1x16xf32> to vector<16xf32>
      %swap3A_61 = vector.shape_cast %broadcast_in_dim3A_1 : vector<16xf32> to vector<1x16xf32>
      tpu.vector_store %arg10[%swap3A_57, %swap3A_58], %swap3A_61 {strides = array<i32>} : memref<128x128xf32, #tpu.memory_space<vmem>>, vector<1x16xf32>,
      %swap3A_62 = arith.index_cast %add3A_52 : i32 to index
      %swap3A_63 = arith.constant 32 : index
      %swap3A_64 = tpu.vector_load %arg10[%swap3A_62, %swap3A_63] {strides = array<i32>} : memref<128x128xf32, #tpu.memory_space<vmem>>, vector<1x16xf32>,
      %swap3A_65 = vector.shape_cast %swap3A_64 : vector<1x16xf32> to vector<16xf32>
      %swap3A_66 = vector.shape_cast %broadcast_in_dim3A_1 : vector<16xf32> to vector<1x16xf32>
      tpu.vector_store %arg10[%swap3A_62, %swap3A_63], %swap3A_66 {strides = array<i32>} : memref<128x128xf32, #tpu.memory_space<vmem>>, vector<1x16xf32>,
      %swap3A_67 = arith.index_cast %add3A_52 : i32 to index
      %swap3A_68 = arith.constant 48 : index
      %swap3A_69 = tpu.vector_load %arg10[%swap3A_67, %swap3A_68] {strides = array<i32>} : memref<128x128xf32, #tpu.memory_space<vmem>>, vector<1x16xf32>,
      %swap3A_70 = vector.shape_cast %swap3A_69 : vector<1x16xf32> to vector<16xf32>
      %swap3A_71 = vector.shape_cast %broadcast_in_dim3A_1 : vector<16xf32> to vector<1x16xf32>
      tpu.vector_store %arg10[%swap3A_67, %swap3A_68], %swap3A_71 {strides = array<i32>} : memref<128x128xf32, #tpu.memory_space<vmem>>, vector<1x16xf32>,
      %swap3A_72 = arith.index_cast %add3A_52 : i32 to index
      %swap3A_73 = arith.constant 64 : index
      %swap3A_74 = tpu.vector_load %arg10[%swap3A_72, %swap3A_73] {strides = array<i32>} : memref<128x128xf32, #tpu.memory_space<vmem>>, vector<1x16xf32>,
      %swap3A_75 = vector.shape_cast %swap3A_74 : vector<1x16xf32> to vector<16xf32>
      %swap3A_76 = vector.shape_cast %broadcast_in_dim3A_1 : vector<16xf32> to vector<1x16xf32>
      tpu.vector_store %arg10[%swap3A_72, %swap3A_73], %swap3A_76 {strides = array<i32>} : memref<128x128xf32, #tpu.memory_space<vmem>>, vector<1x16xf32>,
      %swap3A_77 = arith.index_cast %add3A_52 : i32 to index
      %swap3A_78 = arith.constant 80 : index
      %swap3A_79 = tpu.vector_load %arg10[%swap3A_77, %swap3A_78] {strides = array<i32>} : memref<128x128xf32, #tpu.memory_space<vmem>>, vector<1x16xf32>,
      %swap3A_80 = vector.shape_cast %swap3A_79 : vector<1x16xf32> to vector<16xf32>
      %swap3A_81 = vector.shape_cast %broadcast_in_dim3A_1 : vector<16xf32> to vector<1x16xf32>
      tpu.vector_store %arg10[%swap3A_77, %swap3A_78], %swap3A_81 {strides = array<i32>} : memref<128x128xf32, #tpu.memory_space<vmem>>, vector<1x16xf32>,
      %swap3A_82 = arith.index_cast %add3A_52 : i32 to index
      %swap3A_83 = arith.constant 96 : index
      %swap3A_84 = tpu.vector_load %arg10[%swap3A_82, %swap3A_83] {strides = array<i32>} : memref<128x128xf32, #tpu.memory_space<vmem>>, vector<1x16xf32>,
      %swap3A_85 = vector.shape_cast %swap3A_84 : vector<1x16xf32> to vector<16xf32>
      %swap3A_86 = vector.shape_cast %broadcast_in_dim3A_1 : vector<16xf32> to vector<1x16xf32>
      tpu.vector_store %arg10[%swap3A_82, %swap3A_83], %swap3A_86 {strides = array<i32>} : memref<128x128xf32, #tpu.memory_space<vmem>>, vector<1x16xf32>,
      %swap3A_87 = arith.index_cast %add3A_52 : i32 to index
      %swap3A_88 = arith.constant 112 : index
      %swap3A_89 = tpu.vector_load %arg10[%swap3A_87, %swap3A_88] {strides = array<i32>} : memref<128x128xf32, #tpu.memory_space<vmem>>, vector<1x16xf32>,
      %swap3A_90 = vector.shape_cast %swap3A_89 : vector<1x16xf32> to vector<16xf32>
      %swap3A_91 = vector.shape_cast %broadcast_in_dim3A_1 : vector<16xf32> to vector<1x16xf32>
      tpu.vector_store %arg10[%swap3A_87, %swap3A_88], %swap3A_91 {strides = array<i32>} : memref<128x128xf32, #tpu.memory_space<vmem>>, vector<1x16xf32>,
    }
    %scan3A_17 = arith.constant 112 : i32
    %scan3A_18 = arith.constant 0 : i32
    %scan3A_19 = arith.constant 16 : i32
    %scan3A_20 = arith.addi %scan3A_18, %scan3A_19 : i32
    %scan3A_21 = arith.constant 1 : i32
    scf.for %scan3A_48 = %scan3A_18 to %scan3A_20 step %scan3A_21  : i32 {
      %mul3A_49 = arith.constant 1 : i32
      %mul3A_50 = arith.muli %scan3A_48, %mul3A_49 : i32
      %add3A_51 = arith.constant 0 : i32
      %add3A_52 = arith.addi %add3A_51, %mul3A_50 : i32
      %swap3A = arith.index_cast %add3A_52 : i32 to index
      %swap3A_53 = arith.constant 0 : index
      %swap3A_54 = tpu.vector_load %arg11[%swap3A, %swap3A_53] {strides = array<i32>} : memref<16x128xf32, #tpu.memory_space<vmem>>, vector<1x16xf32>,
      %swap3A_55 = vector.shape_cast %swap3A_54 : vector<1x16xf32> to vector<16xf32>
      %swap3A_56 = vector.shape_cast %broadcast_in_dim3A_1 : vector<16xf32> to vector<1x16xf32>
      tpu.vector_store %arg11[%swap3A, %swap3A_53], %swap3A_56 {strides = array<i32>} : memref<16x128xf32, #tpu.memory_space<vmem>>, vector<1x16xf32>,
      %swap3A_57 = arith.index_cast %add3A_52 : i32 to index
      %swap3A_58 = arith.constant 16 : index
      %swap3A_59 = tpu.vector_load %arg11[%swap3A_57, %swap3A_58] {strides = array<i32>} : memref<16x128xf32, #tpu.memory_space<vmem>>, vector<1x16xf32>,
      %swap3A_60 = vector.shape_cast %swap3A_59 : vector<1x16xf32> to vector<16xf32>
      %swap3A_61 = vector.shape_cast %broadcast_in_dim3A_1 : vector<16xf32> to vector<1x16xf32>
      tpu.vector_store %arg11[%swap3A_57, %swap3A_58], %swap3A_61 {strides = array<i32>} : memref<16x128xf32, #tpu.memory_space<vmem>>, vector<1x16xf32>,
      %swap3A_62 = arith.index_cast %add3A_52 : i32 to index
      %swap3A_63 = arith.constant 32 : index
      %swap3A_64 = tpu.vector_load %arg11[%swap3A_62, %swap3A_63] {strides = array<i32>} : memref<16x128xf32, #tpu.memory_space<vmem>>, vector<1x16xf32>,
      %swap3A_65 = vector.shape_cast %swap3A_64 : vector<1x16xf32> to vector<16xf32>
      %swap3A_66 = vector.shape_cast %broadcast_in_dim3A_1 : vector<16xf32> to vector<1x16xf32>
      tpu.vector_store %arg11[%swap3A_62, %swap3A_63], %swap3A_66 {strides = array<i32>} : memref<16x128xf32, #tpu.memory_space<vmem>>, vector<1x16xf32>,
      %swap3A_67 = arith.index_cast %add3A_52 : i32 to index
      %swap3A_68 = arith.constant 48 : index
      %swap3A_69 = tpu.vector_load %arg11[%swap3A_67, %swap3A_68] {strides = array<i32>} : memref<16x128xf32, #tpu.memory_space<vmem>>, vector<1x16xf32>,
      %swap3A_70 = vector.shape_cast %swap3A_69 : vector<1x16xf32> to vector<16xf32>
      %swap3A_71 = vector.shape_cast %broadcast_in_dim3A_1 : vector<16xf32> to vector<1x16xf32>
      tpu.vector_store %arg11[%swap3A_67, %swap3A_68], %swap3A_71 {strides = array<i32>} : memref<16x128xf32, #tpu.memory_space<vmem>>, vector<1x16xf32>,
      %swap3A_72 = arith.index_cast %add3A_52 : i32 to index
      %swap3A_73 = arith.constant 64 : index
      %swap3A_74 = tpu.vector_load %arg11[%swap3A_72, %swap3A_73] {strides = array<i32>} : memref<16x128xf32, #tpu.memory_space<vmem>>, vector<1x16xf32>,
      %swap3A_75 = vector.shape_cast %swap3A_74 : vector<1x16xf32> to vector<16xf32>
      %swap3A_76 = vector.shape_cast %broadcast_in_dim3A_1 : vector<16xf32> to vector<1x16xf32>
      tpu.vector_store %arg11[%swap3A_72, %swap3A_73], %swap3A_76 {strides = array<i32>} : memref<16x128xf32, #tpu.memory_space<vmem>>, vector<1x16xf32>,
      %swap3A_77 = arith.index_cast %add3A_52 : i32 to index
      %swap3A_78 = arith.constant 80 : index
      %swap3A_79 = tpu.vector_load %arg11[%swap3A_77, %swap3A_78] {strides = array<i32>} : memref<16x128xf32, #tpu.memory_space<vmem>>, vector<1x16xf32>,
      %swap3A_80 = vector.shape_cast %swap3A_79 : vector<1x16xf32> to vector<16xf32>
      %swap3A_81 = vector.shape_cast %broadcast_in_dim3A_1 : vector<16xf32> to vector<1x16xf32>
      tpu.vector_store %arg11[%swap3A_77, %swap3A_78], %swap3A_81 {strides = array<i32>} : memref<16x128xf32, #tpu.memory_space<vmem>>, vector<1x16xf32>,
      %swap3A_82 = arith.index_cast %add3A_52 : i32 to index
      %swap3A_83 = arith.constant 96 : index
      %swap3A_84 = tpu.vector_load %arg11[%swap3A_82, %swap3A_83] {strides = array<i32>} : memref<16x128xf32, #tpu.memory_space<vmem>>, vector<1x16xf32>,
      %swap3A_85 = vector.shape_cast %swap3A_84 : vector<1x16xf32> to vector<16xf32>
      %swap3A_86 = vector.shape_cast %broadcast_in_dim3A_1 : vector<16xf32> to vector<1x16xf32>
      tpu.vector_store %arg11[%swap3A_82, %swap3A_83], %swap3A_86 {strides = array<i32>} : memref<16x128xf32, #tpu.memory_space<vmem>>, vector<1x16xf32>,
      %swap3A_87 = arith.index_cast %add3A_52 : i32 to index
      %swap3A_88 = arith.constant 112 : index
      %swap3A_89 = tpu.vector_load %arg11[%swap3A_87, %swap3A_88] {strides = array<i32>} : memref<16x128xf32, #tpu.memory_space<vmem>>, vector<1x16xf32>,
      %swap3A_90 = vector.shape_cast %swap3A_89 : vector<1x16xf32> to vector<16xf32>
      %swap3A_91 = vector.shape_cast %broadcast_in_dim3A_1 : vector<16xf32> to vector<1x16xf32>
      tpu.vector_store %arg11[%swap3A_87, %swap3A_88], %swap3A_91 {strides = array<i32>} : memref<16x128xf32, #tpu.memory_space<vmem>>, vector<1x16xf32>,
    }
    %scan3A_22 = arith.constant 16 : i32
    %barrier3A = arith.constant 0 : index
    tpu.barrier barrier_id(%barrier3A)
    %mul3A_23 = arith.constant 10000 : i32
    %mul3A_24 = arith.muli %add3A, %mul3A_23 : i32
    %scan3A_25 = arith.constant 0 : i32
    %scan3A_26 = arith.constant 78 : i32
    %scan3A_27 = arith.addi %scan3A_25, %scan3A_26 : i32
    %scan3A_28 = arith.constant 1 : i32
    scf.for %scan3A_48 = %scan3A_25 to %scan3A_27 step %scan3A_28  : i32 {
      %mul3A_49 = arith.constant 1 : i32
      %mul3A_50 = arith.muli %scan3A_48, %mul3A_49 : i32
      %add3A_51 = arith.constant 0 : i32
      %add3A_52 = arith.addi %add3A_51, %mul3A_50 : i32
      %mul3A_53 = arith.constant 128 : i32
      %mul3A_54 = arith.muli %add3A_52, %mul3A_53 : i32
      %add3A_55 = arith.addi %mul3A_24, %mul3A_54 : i32
      "tpu.region"() ({
        %run_scoped3A = tpu.sem_alloc : memref<!tpu.dma_semaphore, #tpu.memory_space<semaphore_mem>>
        %dma_start3A = tpu.memref_slice %arg3[%add3A_55] : memref<320000xi32, #tpu.memory_space<hbm>> -> memref<128xi32, #tpu.memory_space<hbm>>
        %dma_start3A_61 = tpu.memref_slice %arg3[%add3A_55] : memref<320000xi32, #tpu.memory_space<hbm>> -> memref<128xi32, #tpu.memory_space<hbm>>
        tpu.enqueue_dma source(%dma_start3A_61 : memref<128xi32, #tpu.memory_space<hbm>>) target(%arg6 : memref<128xi32, #tpu.memory_space<vmem>>) target_semaphore(%run_scoped3A : memref<!tpu.dma_semaphore, #tpu.memory_space<semaphore_mem>>)
        %dma_wait3A = tpu.memref_slice %arg3[%add3A_55] : memref<320000xi32, #tpu.memory_space<hbm>> -> memref<128xi32, #tpu.memory_space<hbm>>
        %dma_wait3A_62 = tpu.memref_slice %arg3[%add3A_55] : memref<320000xi32, #tpu.memory_space<hbm>> -> memref<128xi32, #tpu.memory_space<hbm>>
        tpu.wait_dma2 semaphore(%run_scoped3A : memref<!tpu.dma_semaphore, #tpu.memory_space<semaphore_mem>>) src(%dma_wait3A_62 : memref<128xi32, #tpu.memory_space<hbm>>) dst(%arg6 : memref<128xi32, #tpu.memory_space<vmem>>)
        tpu.yield
      }) : () -> ()
      "tpu.region"() ({
        %run_scoped3A = tpu.sem_alloc : memref<!tpu.dma_semaphore, #tpu.memory_space<semaphore_mem>>
        %dma_start3A = arith.constant 0 : i32
        %dma_start3A_61 = tpu.memref_slice %arg2[%add3A_55, %dma_start3A] : memref<320000x16xf32, #tpu.memory_space<hbm>> -> memref<128x16xf32, #tpu.memory_space<hbm>>
        %dma_start3A_62 = arith.constant 0 : i32
        %dma_start3A_63 = tpu.memref_slice %arg2[%add3A_55, %dma_start3A_62] : memref<320000x16xf32, #tpu.memory_space<hbm>> -> memref<128x16xf32, #tpu.memory_space<hbm>>
        tpu.enqueue_dma source(%dma_start3A_63 : memref<128x16xf32, #tpu.memory_space<hbm>>) target(%arg7 : memref<128x16xf32, #tpu.memory_space<vmem>>) target_semaphore(%run_scoped3A : memref<!tpu.dma_semaphore, #tpu.memory_space<semaphore_mem>>)
        %dma_wait3A = arith.constant 0 : i32
        %dma_wait3A_64 = tpu.memref_slice %arg2[%add3A_55, %dma_wait3A] : memref<320000x16xf32, #tpu.memory_space<hbm>> -> memref<128x16xf32, #tpu.memory_space<hbm>>
        %dma_wait3A_65 = arith.constant 0 : i32
        %dma_wait3A_66 = tpu.memref_slice %arg2[%add3A_55, %dma_wait3A_65] : memref<320000x16xf32, #tpu.memory_space<hbm>> -> memref<128x16xf32, #tpu.memory_space<hbm>>
        tpu.wait_dma2 semaphore(%run_scoped3A : memref<!tpu.dma_semaphore, #tpu.memory_space<semaphore_mem>>) src(%dma_wait3A_66 : memref<128x16xf32, #tpu.memory_space<hbm>>) dst(%arg7 : memref<128x16xf32, #tpu.memory_space<vmem>>)
        tpu.yield
      }) : () -> ()
      %scan3A_56 = arith.constant 0 : i32
      %scan3A_57 = arith.constant 128 : i32
      %scan3A_58 = arith.addi %scan3A_56, %scan3A_57 : i32
      %scan3A_59 = arith.constant 1 : i32
      scf.for %scan3A_61 = %scan3A_56 to %scan3A_58 step %scan3A_59  : i32 {
        %mul3A_62 = arith.constant 1 : i32
        %mul3A_63 = arith.muli %scan3A_61, %mul3A_62 : i32
        %add3A_64 = arith.constant 0 : i32
        %add3A_65 = arith.addi %add3A_64, %mul3A_63 : i32
        %get3A = arith.index_cast %add3A_65 : i32 to index
        %get3A_66 = arith.constant 0 : index
        %get3A_67 = tpu.vector_load %arg7[%get3A, %get3A_66] {strides = array<i32>} : memref<128x16xf32, #tpu.memory_space<vmem>>, vector<1x16xf32>,
        %get3A_68 = vector.shape_cast %get3A_67 : vector<1x16xf32> to vector<16xf32>
        %swap3A = arith.index_cast %add3A_65 : i32 to index
        %swap3A_69 = arith.constant 0 : index
        %swap3A_70 = tpu.vector_load %arg10[%swap3A, %swap3A_69] {strides = array<i32>} : memref<128x128xf32, #tpu.memory_space<vmem>>, vector<1x16xf32>,
        %swap3A_71 = vector.shape_cast %swap3A_70 : vector<1x16xf32> to vector<16xf32>
        %swap3A_72 = vector.shape_cast %get3A_68 : vector<16xf32> to vector<1x16xf32>
        tpu.vector_store %arg10[%swap3A, %swap3A_69], %swap3A_72 {strides = array<i32>} : memref<128x128xf32, #tpu.memory_space<vmem>>, vector<1x16xf32>,
      }
      %scan3A_60 = arith.constant 128 : i32
      "tpu.region"() ({
        %run_scoped3A = tpu.sem_alloc : memref<!tpu.dma_semaphore, #tpu.memory_space<semaphore_mem>>
        %dma_start3A = arith.constant 0 : i32
        %dma_start3A_61 = arith.constant 0 : i32
        %dma_start3A_62 = tpu.memref_slice %arg5[%dma_start3A, %dma_start3A_61] : memref<10000x128xf32, #tpu.memory_space<vmem_shared>> -> memref<10000x128xf32, #tpu.memory_space<vmem_shared>>
        tpu.enqueue_indirect_dma source(%arg10 : memref<128x128xf32, #tpu.memory_space<vmem>>) target(%dma_start3A_62 : memref<10000x128xf32, #tpu.memory_space<vmem_shared>>) offsets(%arg6 : memref<128xi32, #tpu.memory_space<vmem>>) semaphore(%run_scoped3A : memref<!tpu.dma_semaphore, #tpu.memory_space<semaphore_mem>>) {add = true}
        %dma_wait3A = arith.constant 0 : i32
        %dma_wait3A_63 = arith.constant 0 : i32
        %dma_wait3A_64 = tpu.memref_slice %arg5[%dma_wait3A, %dma_wait3A_63] : memref<10000x128xf32, #tpu.memory_space<vmem_shared>> -> memref<10000x128xf32, #tpu.memory_space<vmem_shared>>
        tpu.wait_indirect_dma semaphore(%run_scoped3A : memref<!tpu.dma_semaphore, #tpu.memory_space<semaphore_mem>>) src(%arg10 : memref<128x128xf32, #tpu.memory_space<vmem>>) dst(%dma_wait3A_64 : memref<10000x128xf32, #tpu.memory_space<vmem_shared>>)
        tpu.yield
      }) : () -> ()
    }
    %scan3A_29 = arith.constant 78 : i32
    %add3A_30 = arith.constant 9984 : i32
    %add3A_31 = arith.addi %mul3A_24, %add3A_30 : i32
    "tpu.region"() ({
      %run_scoped3A = tpu.sem_alloc : memref<!tpu.dma_semaphore, #tpu.memory_space<semaphore_mem>>
      %dma_start3A = tpu.memref_slice %arg3[%add3A_31] : memref<320000xi32, #tpu.memory_space<hbm>> -> memref<16xi32, #tpu.memory_space<hbm>>
      %dma_start3A_48 = tpu.memref_slice %arg3[%add3A_31] : memref<320000xi32, #tpu.memory_space<hbm>> -> memref<16xi32, #tpu.memory_space<hbm>>
      tpu.enqueue_dma source(%dma_start3A_48 : memref<16xi32, #tpu.memory_space<hbm>>) target(%arg8 : memref<16xi32, #tpu.memory_space<vmem>>) target_semaphore(%run_scoped3A : memref<!tpu.dma_semaphore, #tpu.memory_space<semaphore_mem>>)
      %dma_wait3A = tpu.memref_slice %arg3[%add3A_31] : memref<320000xi32, #tpu.memory_space<hbm>> -> memref<16xi32, #tpu.memory_space<hbm>>
      %dma_wait3A_49 = tpu.memref_slice %arg3[%add3A_31] : memref<320000xi32, #tpu.memory_space<hbm>> -> memref<16xi32, #tpu.memory_space<hbm>>
      tpu.wait_dma2 semaphore(%run_scoped3A : memref<!tpu.dma_semaphore, #tpu.memory_space<semaphore_mem>>) src(%dma_wait3A_49 : memref<16xi32, #tpu.memory_space<hbm>>) dst(%arg8 : memref<16xi32, #tpu.memory_space<vmem>>)
      tpu.yield
    }) : () -> ()
    "tpu.region"() ({
      %run_scoped3A = tpu.sem_alloc : memref<!tpu.dma_semaphore, #tpu.memory_space<semaphore_mem>>
      %dma_start3A = arith.constant 0 : i32
      %dma_start3A_48 = tpu.memref_slice %arg2[%add3A_31, %dma_start3A] : memref<320000x16xf32, #tpu.memory_space<hbm>> -> memref<16x16xf32, #tpu.memory_space<hbm>>
      %dma_start3A_49 = arith.constant 0 : i32
      %dma_start3A_50 = tpu.memref_slice %arg2[%add3A_31, %dma_start3A_49] : memref<320000x16xf32, #tpu.memory_space<hbm>> -> memref<16x16xf32, #tpu.memory_space<hbm>>
      tpu.enqueue_dma source(%dma_start3A_50 : memref<16x16xf32, #tpu.memory_space<hbm>>) target(%arg9 : memref<16x16xf32, #tpu.memory_space<vmem>>) target_semaphore(%run_scoped3A : memref<!tpu.dma_semaphore, #tpu.memory_space<semaphore_mem>>)
      %dma_wait3A = arith.constant 0 : i32
      %dma_wait3A_51 = tpu.memref_slice %arg2[%add3A_31, %dma_wait3A] : memref<320000x16xf32, #tpu.memory_space<hbm>> -> memref<16x16xf32, #tpu.memory_space<hbm>>
      %dma_wait3A_52 = arith.constant 0 : i32
      %dma_wait3A_53 = tpu.memref_slice %arg2[%add3A_31, %dma_wait3A_52] : memref<320000x16xf32, #tpu.memory_space<hbm>> -> memref<16x16xf32, #tpu.memory_space<hbm>>
      tpu.wait_dma2 semaphore(%run_scoped3A : memref<!tpu.dma_semaphore, #tpu.memory_space<semaphore_mem>>) src(%dma_wait3A_53 : memref<16x16xf32, #tpu.memory_space<hbm>>) dst(%arg9 : memref<16x16xf32, #tpu.memory_space<vmem>>)
      tpu.yield
    }) : () -> ()
    %scan3A_32 = arith.constant 0 : i32
    %scan3A_33 = arith.constant 16 : i32
    %scan3A_34 = arith.addi %scan3A_32, %scan3A_33 : i32
    %scan3A_35 = arith.constant 1 : i32
    scf.for %scan3A_48 = %scan3A_32 to %scan3A_34 step %scan3A_35  : i32 {
      %mul3A_49 = arith.constant 1 : i32
      %mul3A_50 = arith.muli %scan3A_48, %mul3A_49 : i32
      %add3A_51 = arith.constant 0 : i32
      %add3A_52 = arith.addi %add3A_51, %mul3A_50 : i32
      %get3A = arith.index_cast %add3A_52 : i32 to index
      %get3A_53 = arith.constant 0 : index
      %get3A_54 = tpu.vector_load %arg9[%get3A, %get3A_53] {strides = array<i32>} : memref<16x16xf32, #tpu.memory_space<vmem>>, vector<1x16xf32>,
      %get3A_55 = vector.shape_cast %get3A_54 : vector<1x16xf32> to vector<16xf32>
      %swap3A = arith.index_cast %add3A_52 : i32 to index
      %swap3A_56 = arith.constant 0 : index
      %swap3A_57 = tpu.vector_load %arg11[%swap3A, %swap3A_56] {strides = array<i32>} : memref<16x128xf32, #tpu.memory_space<vmem>>, vector<1x16xf32>,
      %swap3A_58 = vector.shape_cast %swap3A_57 : vector<1x16xf32> to vector<16xf32>
      %swap3A_59 = vector.shape_cast %get3A_55 : vector<16xf32> to vector<1x16xf32>
      tpu.vector_store %arg11[%swap3A, %swap3A_56], %swap3A_59 {strides = array<i32>} : memref<16x128xf32, #tpu.memory_space<vmem>>, vector<1x16xf32>,
    }
    %scan3A_36 = arith.constant 16 : i32
    "tpu.region"() ({
      %run_scoped3A = tpu.sem_alloc : memref<!tpu.dma_semaphore, #tpu.memory_space<semaphore_mem>>
      %dma_start3A = arith.constant 0 : i32
      %dma_start3A_48 = arith.constant 0 : i32
      %dma_start3A_49 = tpu.memref_slice %arg5[%dma_start3A, %dma_start3A_48] : memref<10000x128xf32, #tpu.memory_space<vmem_shared>> -> memref<10000x128xf32, #tpu.memory_space<vmem_shared>>
      tpu.enqueue_indirect_dma source(%arg11 : memref<16x128xf32, #tpu.memory_space<vmem>>) target(%dma_start3A_49 : memref<10000x128xf32, #tpu.memory_space<vmem_shared>>) offsets(%arg8 : memref<16xi32, #tpu.memory_space<vmem>>) semaphore(%run_scoped3A : memref<!tpu.dma_semaphore, #tpu.memory_space<semaphore_mem>>) {add = true}
      %dma_wait3A = arith.constant 0 : i32
      %dma_wait3A_50 = arith.constant 0 : i32
      %dma_wait3A_51 = tpu.memref_slice %arg5[%dma_wait3A, %dma_wait3A_50] : memref<10000x128xf32, #tpu.memory_space<vmem_shared>> -> memref<10000x128xf32, #tpu.memory_space<vmem_shared>>
      tpu.wait_indirect_dma semaphore(%run_scoped3A : memref<!tpu.dma_semaphore, #tpu.memory_space<semaphore_mem>>) src(%arg11 : memref<16x128xf32, #tpu.memory_space<vmem>>) dst(%dma_wait3A_51 : memref<10000x128xf32, #tpu.memory_space<vmem_shared>>)
      tpu.yield
    }) : () -> ()
    %barrier3A_37 = arith.constant 0 : index
    tpu.barrier barrier_id(%barrier3A_37)
    %scan3A_38 = arith.constant 0 : i32
    %scan3A_39 = arith.constant 39 : i32
    %scan3A_40 = arith.addi %scan3A_38, %scan3A_39 : i32
    %scan3A_41 = arith.constant 1 : i32
    scf.for %scan3A_48 = %scan3A_38 to %scan3A_40 step %scan3A_41  : i32 {
      %mul3A_49 = arith.constant 1 : i32
      %mul3A_50 = arith.muli %scan3A_48, %mul3A_49 : i32
      %add3A_51 = arith.constant 0 : i32
      %add3A_52 = arith.addi %add3A_51, %mul3A_50 : i32
      %mul3A_53 = arith.constant 16 : i32
      %mul3A_54 = arith.muli %add3A_52, %mul3A_53 : i32
      %add3A_55 = arith.addi %mul3A_54, %arg1 : i32
      %mul3A_56 = arith.constant 16 : i32
      %mul3A_57 = arith.muli %add3A_55, %mul3A_56 : i32
      "tpu.region"() ({
        %run_scoped3A = tpu.sem_alloc : memref<!tpu.dma_semaphore, #tpu.memory_space<semaphore_mem>>
        %dma_start3A = arith.constant 0 : i32
        %dma_start3A_58 = tpu.memref_slice %arg4[%arg0, %mul3A_57, %dma_start3A] : memref<2x10000x128xf32, #tpu.memory_space<hbm>> -> memref<1x16x128xf32, #tpu.memory_space<hbm>>
        %dma_start3A_59 = tpu.memref_squeeze %dma_start3A_58 : memref<1x16x128xf32, #tpu.memory_space<hbm>> -> memref<16x128xf32, #tpu.memory_space<hbm>>
        %dma_start3A_60 = arith.constant 0 : i32
        %dma_start3A_61 = tpu.memref_slice %arg5[%mul3A_57, %dma_start3A_60] : memref<10000x128xf32, #tpu.memory_space<vmem_shared>> -> memref<16x128xf32, #tpu.memory_space<vmem_shared>>
        tpu.enqueue_dma source(%dma_start3A_61 : memref<16x128xf32, #tpu.memory_space<vmem_shared>>) target(%dma_start3A_59 : memref<16x128xf32, #tpu.memory_space<hbm>>) target_semaphore(%run_scoped3A : memref<!tpu.dma_semaphore, #tpu.memory_space<semaphore_mem>>)
        %dma_wait3A = arith.constant 0 : i32
        %dma_wait3A_62 = tpu.memref_slice %arg4[%arg0, %mul3A_57, %dma_wait3A] : memref<2x10000x128xf32, #tpu.memory_space<hbm>> -> memref<1x16x128xf32, #tpu.memory_space<hbm>>
        %dma_wait3A_63 = tpu.memref_squeeze %dma_wait3A_62 : memref<1x16x128xf32, #tpu.memory_space<hbm>> -> memref<16x128xf32, #tpu.memory_space<hbm>>
        %dma_wait3A_64 = arith.constant 0 : i32
        %dma_wait3A_65 = tpu.memref_slice %arg5[%mul3A_57, %dma_wait3A_64] : memref<10000x128xf32, #tpu.memory_space<vmem_shared>> -> memref<16x128xf32, #tpu.memory_space<vmem_shared>>
        tpu.wait_dma2 semaphore(%run_scoped3A : memref<!tpu.dma_semaphore, #tpu.memory_space<semaphore_mem>>) src(%dma_wait3A_65 : memref<16x128xf32, #tpu.memory_space<vmem_shared>>) dst(%dma_wait3A_63 : memref<16x128xf32, #tpu.memory_space<hbm>>)
        tpu.yield
      }) : () -> ()
    }
    %scan3A_42 = arith.constant 39 : i32
    %lt3A_43 = arith.constant 1 : i32
    %lt3A_44 = arith.cmpi slt, %arg1, %lt3A_43 : i32
    %convert_element_type3A_45 = arith.extui %lt3A_44 : i1 to i32
    %cond3A_46 = arith.constant 0 : i32
    %cond3A_47 = arith.cmpi ne, %convert_element_type3A_45, %cond3A_46 : i32
    scf.if %cond3A_47 {
      %add3A_48 = arith.constant 624 : i32
      %add3A_49 = arith.addi %add3A_48, %arg1 : i32
      %mul3A_50 = arith.constant 16 : i32
      %mul3A_51 = arith.muli %add3A_49, %mul3A_50 : i32
      "tpu.region"() ({
        %run_scoped3A = tpu.sem_alloc : memref<!tpu.dma_semaphore, #tpu.memory_space<semaphore_mem>>
        %dma_start3A = arith.constant 0 : i32
        %dma_start3A_52 = tpu.memref_slice %arg4[%arg0, %mul3A_51, %dma_start3A] : memref<2x10000x128xf32, #tpu.memory_space<hbm>> -> memref<1x16x128xf32, #tpu.memory_space<hbm>>
        %dma_start3A_53 = tpu.memref_squeeze %dma_start3A_52 : memref<1x16x128xf32, #tpu.memory_space<hbm>> -> memref<16x128xf32, #tpu.memory_space<hbm>>
        %dma_start3A_54 = arith.constant 0 : i32
        %dma_start3A_55 = tpu.memref_slice %arg5[%mul3A_51, %dma_start3A_54] : memref<10000x128xf32, #tpu.memory_space<vmem_shared>> -> memref<16x128xf32, #tpu.memory_space<vmem_shared>>
        tpu.enqueue_dma source(%dma_start3A_55 : memref<16x128xf32, #tpu.memory_space<vmem_shared>>) target(%dma_start3A_53 : memref<16x128xf32, #tpu.memory_space<hbm>>) target_semaphore(%run_scoped3A : memref<!tpu.dma_semaphore, #tpu.memory_space<semaphore_mem>>)
        %dma_wait3A = arith.constant 0 : i32
        %dma_wait3A_56 = tpu.memref_slice %arg4[%arg0, %mul3A_51, %dma_wait3A] : memref<2x10000x128xf32, #tpu.memory_space<hbm>> -> memref<1x16x128xf32, #tpu.memory_space<hbm>>
        %dma_wait3A_57 = tpu.memref_squeeze %dma_wait3A_56 : memref<1x16x128xf32, #tpu.memory_space<hbm>> -> memref<16x128xf32, #tpu.memory_space<hbm>>
        %dma_wait3A_58 = arith.constant 0 : i32
        %dma_wait3A_59 = tpu.memref_slice %arg5[%mul3A_51, %dma_wait3A_58] : memref<10000x128xf32, #tpu.memory_space<vmem_shared>> -> memref<16x128xf32, #tpu.memory_space<vmem_shared>>
        tpu.wait_dma2 semaphore(%run_scoped3A : memref<!tpu.dma_semaphore, #tpu.memory_space<semaphore_mem>>) src(%dma_wait3A_59 : memref<16x128xf32, #tpu.memory_space<vmem_shared>>) dst(%dma_wait3A_57 : memref<16x128xf32, #tpu.memory_space<hbm>>)
        tpu.yield
      }) : () -> ()
    } else {
    }
    return
  }
}

module attributes {stable_mosaic.version = 14 : i64} {
  func.func @_prep_body(%arg0: i32, %arg1: memref<2000x128xf32, #tpu.memory_space<vmem>>, %arg2: memref<2000x4xf32, #tpu.memory_space<vmem>>, %arg3: memref<128x128xf32, #tpu.memory_space<vmem>>, %arg4: memref<128x128xf32, #tpu.memory_space<vmem>>, %arg5: memref<2000x256xf32, #tpu.memory_space<vmem>>, %arg6: memref<2000x256xf32, #tpu.memory_space<vmem>>) attributes {dimension_semantics = [#tpu.dimension_semantics<arbitrary>], iteration_bounds = array<i64: 5>, scalar_prefetch = 0 : i64, scratch_operands = 0 : i64, tpu.core_type = #tpu.core_type<tc>, window_params = [{transform_indices = @transform_0, window_bounds = array<i64: 2000, 128>}, {transform_indices = @transform_1, window_bounds = array<i64: 2000, 4>}, {pipeline_mode = #tpu.pipeline_mode<synchronous>, transform_indices = @transform_2, window_bounds = array<i64: 128, 128>}, {pipeline_mode = #tpu.pipeline_mode<synchronous>, transform_indices = @transform_3, window_bounds = array<i64: 128, 128>}, {transform_indices = @transform_4, window_bounds = array<i64: 2000, 256>}, {transform_indices = @transform_5, window_bounds = array<i64: 2000, 256>}]} {
    %get3A = arith.constant 0 : index
    %get3A_0 = arith.constant 0 : index
    %get3A_1 = vector.load %arg1[%get3A, %get3A_0] : memref<2000x128xf32, #tpu.memory_space<vmem>>, vector<2000x128xf32>
    %get3A_2 = arith.constant 0 : index
    %get3A_3 = arith.constant 0 : index
    %get3A_4 = vector.load %arg2[%get3A_2, %get3A_3] : memref<2000x4xf32, #tpu.memory_space<vmem>>, vector<2000x4xf32>
    %get3A_5 = arith.constant 0 : index
    %get3A_6 = arith.constant 0 : index
    %get3A_7 = vector.load %arg3[%get3A_5, %get3A_6] : memref<128x128xf32, #tpu.memory_space<vmem>>, vector<128x128xf32>
    %dot_general3A = arith.constant dense<0.000000e+00> : vector<2000x128xf32>
    %dot_general3A_8 = tpu.matmul %get3A_1, %get3A_7, %dot_general3A {dimension_numbers = #tpu.dot_dimension_numbers<[1], [0], [0], [1], [0, 0, 1, 1], [], []>, transpose_lhs_hint = false} : vector<2000x128xf32>, vector<128x128xf32>, vector<2000x128xf32> -> vector<2000x128xf32>
    %get3A_9 = arith.constant 0 : index
    %get3A_10 = arith.constant 0 : index
    %get3A_11 = vector.load %arg4[%get3A_9, %get3A_10] : memref<128x128xf32, #tpu.memory_space<vmem>>, vector<128x128xf32>
    %dot_general3A_12 = arith.constant dense<0.000000e+00> : vector<2000x128xf32>
    %dot_general3A_13 = tpu.matmul %get3A_1, %get3A_11, %dot_general3A_12 {dimension_numbers = #tpu.dot_dimension_numbers<[1], [0], [0], [1], [0, 0, 1, 1], [], []>, transpose_lhs_hint = false} : vector<2000x128xf32>, vector<128x128xf32>, vector<2000x128xf32> -> vector<2000x128xf32>
    %slice3A = vector.extract_strided_slice %get3A_4 {offsets = [0, 0], sizes = [2000, 1], strides = [1, 1]} : vector<2000x4xf32> to vector<2000x1xf32>
    %integer_pow3A = arith.mulf %slice3A, %slice3A : vector<2000x1xf32>
    %slice3A_14 = vector.extract_strided_slice %get3A_4 {offsets = [0, 1], sizes = [2000, 1], strides = [1, 1]} : vector<2000x4xf32> to vector<2000x1xf32>
    %integer_pow3A_15 = arith.mulf %slice3A_14, %slice3A_14 : vector<2000x1xf32>
    %sub3A = arith.subf %integer_pow3A, %integer_pow3A_15 : vector<2000x1xf32>
    %slice3A_16 = vector.extract_strided_slice %get3A_4 {offsets = [0, 2], sizes = [2000, 1], strides = [1, 1]} : vector<2000x4xf32> to vector<2000x1xf32>
    %integer_pow3A_17 = arith.mulf %slice3A_16, %slice3A_16 : vector<2000x1xf32>
    %sub3A_18 = arith.subf %sub3A, %integer_pow3A_17 : vector<2000x1xf32>
    %slice3A_19 = vector.extract_strided_slice %get3A_4 {offsets = [0, 3], sizes = [2000, 1], strides = [1, 1]} : vector<2000x4xf32> to vector<2000x1xf32>
    %integer_pow3A_20 = arith.mulf %slice3A_19, %slice3A_19 : vector<2000x1xf32>
    %sub3A_21 = arith.subf %sub3A_18, %integer_pow3A_20 : vector<2000x1xf32>
    %broadcast_in_dim3A = arith.constant 0.000000e+00 : f32
    %broadcast_in_dim3A_22 = vector.broadcast %broadcast_in_dim3A : f32 to vector<2000x123xf32>
    %concatenate3A = tpu.concatenate %dot_general3A_8, %get3A_4, %sub3A_21, %broadcast_in_dim3A_22 in 1 : vector<2000x128xf32>, vector<2000x4xf32>, vector<2000x1xf32>, vector<2000x123xf32> -> vector<2000x256xf32>
    %swap3A = arith.constant 0 : index
    %swap3A_23 = arith.constant 0 : index
    %swap3A_24 = vector.load %arg5[%swap3A, %swap3A_23] : memref<2000x256xf32, #tpu.memory_space<vmem>>, vector<2000x256xf32>
    tpu.vector_store %arg5[%swap3A, %swap3A_23], %concatenate3A {strides = array<i32>} : memref<2000x256xf32, #tpu.memory_space<vmem>>, vector<2000x256xf32>,
    %neg3A = arith.constant 0.000000e+00 : f32
    %neg3A_25 = vector.broadcast %neg3A : f32 to vector<2000x4xf32>
    %neg3A_26 = arith.subf %neg3A_25, %get3A_4 : vector<2000x4xf32>
    %concatenate3A_27 = tpu.concatenate %dot_general3A_13, %neg3A_26, %sub3A_21, %broadcast_in_dim3A_22 in 1 : vector<2000x128xf32>, vector<2000x4xf32>, vector<2000x1xf32>, vector<2000x123xf32> -> vector<2000x256xf32>
    %swap3A_28 = arith.constant 0 : index
    %swap3A_29 = arith.constant 0 : index
    %swap3A_30 = vector.load %arg6[%swap3A_28, %swap3A_29] : memref<2000x256xf32, #tpu.memory_space<vmem>>, vector<2000x256xf32>
    tpu.vector_store %arg6[%swap3A_28, %swap3A_29], %concatenate3A_27 {strides = array<i32>} : memref<2000x256xf32, #tpu.memory_space<vmem>>, vector<2000x256xf32>,
    return
  }
  func.func @transform_0(%arg0: i32) -> (i32, i32) {
    %c0_i32 = arith.constant 0 : i32
    %c0_i32_0 = arith.constant 0 : i32
    return %arg0, %c0_i32 : i32, i32
  }
  func.func @transform_1(%arg0: i32) -> (i32, i32) {
    %c0_i32 = arith.constant 0 : i32
    %c0_i32_0 = arith.constant 0 : i32
    return %arg0, %c0_i32 : i32, i32
  }
  func.func @transform_2(%arg0: i32) -> (i32, i32) {
    %c0_i32 = arith.constant 0 : i32
    %c0_i32_0 = arith.constant 0 : i32
    %c0_i32_1 = arith.constant 0 : i32
    return %c0_i32, %c0_i32_0 : i32, i32
  }
  func.func @transform_3(%arg0: i32) -> (i32, i32) {
    %c0_i32 = arith.constant 0 : i32
    %c0_i32_0 = arith.constant 0 : i32
    %c0_i32_1 = arith.constant 0 : i32
    return %c0_i32, %c0_i32_0 : i32, i32
  }
  func.func @transform_4(%arg0: i32) -> (i32, i32) {
    %c0_i32 = arith.constant 0 : i32
    %c0_i32_0 = arith.constant 0 : i32
    return %arg0, %c0_i32 : i32, i32
  }
  func.func @transform_5(%arg0: i32) -> (i32, i32) {
    %c0_i32 = arith.constant 0 : i32
    %c0_i32_0 = arith.constant 0 : i32
    return %arg0, %c0_i32 : i32, i32
  }
}

module attributes {stable_mosaic.version = 14 : i64} {
  func.func @_stats_body(%arg0: i32, %arg1: memref<2560x256xf32, #tpu.memory_space<vmem>>, %arg2: memref<1x128xf32, #tpu.memory_space<vmem>>, %arg3: memref<1x128xf32, #tpu.memory_space<vmem>>, %arg4: memref<1x128xf32, #tpu.memory_space<vmem>>, %arg5: memref<1x128xf32, #tpu.memory_space<vmem>>, %arg6: memref<2x128xf32, #tpu.memory_space<vmem>>, %arg7: memref<2x128xf32, #tpu.memory_space<vmem>>) attributes {dimension_semantics = [#tpu.dimension_semantics<arbitrary>], iteration_bounds = array<i64: 125>, scalar_prefetch = 0 : i64, scratch_operands = 1 : i64, tpu.core_type = #tpu.core_type<tc>, window_params = [{transform_indices = @transform_0, window_bounds = array<i64: 2560, 256>}, {pipeline_mode = #tpu.pipeline_mode<synchronous>, transform_indices = @transform_1, window_bounds = array<i64: 1, 128>}, {pipeline_mode = #tpu.pipeline_mode<synchronous>, transform_indices = @transform_2, window_bounds = array<i64: 1, 128>}, {pipeline_mode = #tpu.pipeline_mode<synchronous>, transform_indices = @transform_3, window_bounds = array<i64: 1, 128>}, {pipeline_mode = #tpu.pipeline_mode<synchronous>, transform_indices = @transform_4, window_bounds = array<i64: 1, 128>}, {pipeline_mode = #tpu.pipeline_mode<synchronous>, transform_indices = @transform_5, window_bounds = array<i64: 2, 128>}]} {
    %eq3A = arith.constant 0 : i32
    %eq3A_0 = arith.cmpi eq, %arg0, %eq3A : i32
    %convert_element_type3A = arith.extui %eq3A_0 : i1 to i32
    %cond3A = arith.constant 0 : i32
    %cond3A_1 = arith.cmpi ne, %convert_element_type3A, %cond3A : i32
    scf.if %cond3A_1 {
      %broadcast_in_dim3A_89 = arith.constant 0.000000e+00 : f32
      %broadcast_in_dim3A_90 = vector.broadcast %broadcast_in_dim3A_89 : f32 to vector<2x128xf32>
      %swap3A_91 = arith.constant 0 : index
      %swap3A_92 = arith.constant 0 : index
      %swap3A_93 = vector.load %arg7[%swap3A_91, %swap3A_92] : memref<2x128xf32, #tpu.memory_space<vmem>>, vector<2x128xf32>
      tpu.vector_store %arg7[%swap3A_91, %swap3A_92], %broadcast_in_dim3A_90 {strides = array<i32>} : memref<2x128xf32, #tpu.memory_space<vmem>>, vector<2x128xf32>,
    } else {
    }
    %get3A = arith.constant 0 : index
    %get3A_2 = arith.constant 0 : index
    %get3A_3 = vector.load %arg1[%get3A, %get3A_2] : memref<2560x256xf32, #tpu.memory_space<vmem>>, vector<2560x256xf32>
    %get3A_4 = arith.constant 0 : index
    %get3A_5 = arith.constant 0 : index
    %get3A_6 = vector.load %arg2[%get3A_4, %get3A_5] : memref<1x128xf32, #tpu.memory_space<vmem>>, vector<1x128xf32>
    %get3A_7 = arith.constant 0 : index
    %get3A_8 = arith.constant 0 : index
    %get3A_9 = vector.load %arg3[%get3A_7, %get3A_8] : memref<1x128xf32, #tpu.memory_space<vmem>>, vector<1x128xf32>
    %slice3A = vector.extract_strided_slice %get3A_3 {offsets = [0, 0], sizes = [2560, 128], strides = [1, 1]} : vector<2560x256xf32> to vector<2560x128xf32>
    %slice3A_10 = vector.extract_strided_slice %get3A_3 {offsets = [0, 128], sizes = [2560, 4], strides = [1, 1]} : vector<2560x256xf32> to vector<2560x4xf32>
    %slice3A_11 = vector.extract_strided_slice %get3A_3 {offsets = [0, 132], sizes = [2560, 1], strides = [1, 1]} : vector<2560x256xf32> to vector<2560x1xf32>
    %slice3A_12 = vector.extract_strided_slice %slice3A_10 {offsets = [0, 0], sizes = [2560, 1], strides = [1, 1]} : vector<2560x4xf32> to vector<2560x1xf32>
    %integer_pow3A = arith.mulf %slice3A_12, %slice3A_12 : vector<2560x1xf32>
    %slice3A_13 = vector.extract_strided_slice %slice3A_10 {offsets = [0, 1], sizes = [2560, 1], strides = [1, 1]} : vector<2560x4xf32> to vector<2560x1xf32>
    %integer_pow3A_14 = arith.mulf %slice3A_13, %slice3A_13 : vector<2560x1xf32>
    %sub3A = arith.subf %integer_pow3A, %integer_pow3A_14 : vector<2560x1xf32>
    %slice3A_15 = vector.extract_strided_slice %slice3A_10 {offsets = [0, 2], sizes = [2560, 1], strides = [1, 1]} : vector<2560x4xf32> to vector<2560x1xf32>
    %integer_pow3A_16 = arith.mulf %slice3A_15, %slice3A_15 : vector<2560x1xf32>
    %sub3A_17 = arith.subf %sub3A, %integer_pow3A_16 : vector<2560x1xf32>
    %slice3A_18 = vector.extract_strided_slice %slice3A_10 {offsets = [0, 3], sizes = [2560, 1], strides = [1, 1]} : vector<2560x4xf32> to vector<2560x1xf32>
    %integer_pow3A_19 = arith.mulf %slice3A_18, %slice3A_18 : vector<2560x1xf32>
    %sub3A_20 = arith.subf %sub3A_17, %integer_pow3A_19 : vector<2560x1xf32>
    %sub3A_21 = arith.subf %slice3A_11, %sub3A_20 : vector<2560x1xf32>
    %mul3A = arith.constant 5.000000e-01 : f32
    %mul3A_22 = vector.broadcast %mul3A : f32 to vector<2560x1xf32>
    %mul3A_23 = arith.mulf %mul3A_22, %sub3A_21 : vector<2560x1xf32>
    %sign3A = tpu.bitcast %sub3A_20 : vector<2560x1xf32> -> vector<2560x1xi32>
    %sign3A_24 = arith.constant -2147483648 : i32
    %sign3A_25 = vector.broadcast %sign3A_24 : i32 to vector<2560x1xi32>
    %sign3A_26 = arith.andi %sign3A, %sign3A_25 : vector<2560x1xi32>
    %sign3A_27 = arith.constant 1065353216 : i32
    %sign3A_28 = vector.broadcast %sign3A_27 : i32 to vector<2560x1xi32>
    %sign3A_29 = arith.ori %sign3A_28, %sign3A_26 : vector<2560x1xi32>
    %sign3A_30 = tpu.bitcast %sign3A_29 : vector<2560x1xi32> -> vector<2560x1xf32>
    %sign3A_31 = math.absf %sub3A_20 : vector<2560x1xf32>
    %sign3A_32 = arith.constant 0.000000e+00 : f32
    %sign3A_33 = vector.broadcast %sign3A_32 : f32 to vector<2560x1xf32>
    %sign3A_34 = arith.cmpf ogt, %sign3A_31, %sign3A_33 : vector<2560x1xf32>
    %sign3A_35 = arith.select %sign3A_34, %sign3A_30, %sub3A_20 : vector<2560x1xi1>, vector<2560x1xf32>
    %abs3A = math.absf %sub3A_20 : vector<2560x1xf32>
    %add3A = arith.constant 1.000000e+00 : f32
    %add3A_36 = vector.broadcast %add3A : f32 to vector<2560x1xf32>
    %add3A_37 = arith.addf %abs3A, %add3A_36 : vector<2560x1xf32>
    %log3A = math.log %add3A_37 : vector<2560x1xf32>
    %mul3A_38 = arith.mulf %sign3A_35, %log3A : vector<2560x1xf32>
    %mul3A_39 = vector.broadcast %mul3A_38 : vector<2560x1xf32> to vector<2560x128xf32>
    %mul3A_40 = vector.broadcast %get3A_6 : vector<1x128xf32> to vector<2560x128xf32>
    %mul3A_41 = arith.mulf %mul3A_39, %mul3A_40 : vector<2560x128xf32>
    %add3A_42 = arith.addf %slice3A, %mul3A_41 : vector<2560x128xf32>
    %sign3A_43 = tpu.bitcast %mul3A_23 : vector<2560x1xf32> -> vector<2560x1xi32>
    %sign3A_44 = arith.constant -2147483648 : i32
    %sign3A_45 = vector.broadcast %sign3A_44 : i32 to vector<2560x1xi32>
    %sign3A_46 = arith.andi %sign3A_43, %sign3A_45 : vector<2560x1xi32>
    %sign3A_47 = arith.constant 1065353216 : i32
    %sign3A_48 = vector.broadcast %sign3A_47 : i32 to vector<2560x1xi32>
    %sign3A_49 = arith.ori %sign3A_48, %sign3A_46 : vector<2560x1xi32>
    %sign3A_50 = tpu.bitcast %sign3A_49 : vector<2560x1xi32> -> vector<2560x1xf32>
    %sign3A_51 = math.absf %mul3A_23 : vector<2560x1xf32>
    %sign3A_52 = arith.constant 0.000000e+00 : f32
    %sign3A_53 = vector.broadcast %sign3A_52 : f32 to vector<2560x1xf32>
    %sign3A_54 = arith.cmpf ogt, %sign3A_51, %sign3A_53 : vector<2560x1xf32>
    %sign3A_55 = arith.select %sign3A_54, %sign3A_50, %mul3A_23 : vector<2560x1xi1>, vector<2560x1xf32>
    %abs3A_56 = math.absf %mul3A_23 : vector<2560x1xf32>
    %add3A_57 = arith.constant 1.000000e+00 : f32
    %add3A_58 = vector.broadcast %add3A_57 : f32 to vector<2560x1xf32>
    %add3A_59 = arith.addf %abs3A_56, %add3A_58 : vector<2560x1xf32>
    %log3A_60 = math.log %add3A_59 : vector<2560x1xf32>
    %mul3A_61 = arith.mulf %sign3A_55, %log3A_60 : vector<2560x1xf32>
    %mul3A_62 = vector.broadcast %mul3A_61 : vector<2560x1xf32> to vector<2560x128xf32>
    %mul3A_63 = vector.broadcast %get3A_9 : vector<1x128xf32> to vector<2560x128xf32>
    %mul3A_64 = arith.mulf %mul3A_62, %mul3A_63 : vector<2560x128xf32>
    %add3A_65 = arith.addf %add3A_42, %mul3A_64 : vector<2560x128xf32>
    %get3A_66 = arith.constant 0 : index
    %get3A_67 = arith.constant 0 : index
    %get3A_68 = vector.load %arg7[%get3A_66, %get3A_67] : memref<2x128xf32, #tpu.memory_space<vmem>>, vector<1x128xf32>
    %reduce_sum3A = arith.constant dense<0.000000e+00> : vector<128xf32>
    %reduce_sum3A_69 = vector.multi_reduction <add>, %add3A_65, %reduce_sum3A [0] : vector<2560x128xf32> to vector<128xf32>
    %broadcast_in_dim3A = vector.shape_cast %reduce_sum3A_69 : vector<128xf32> to vector<1x128xf32>
    %add3A_70 = arith.addf %get3A_68, %broadcast_in_dim3A : vector<1x128xf32>
    %swap3A = arith.constant 0 : index
    %swap3A_71 = arith.constant 0 : index
    %swap3A_72 = vector.load %arg7[%swap3A, %swap3A_71] : memref<2x128xf32, #tpu.memory_space<vmem>>, vector<1x128xf32>
    tpu.vector_store %arg7[%swap3A, %swap3A_71], %add3A_70 {strides = array<i32>} : memref<2x128xf32, #tpu.memory_space<vmem>>, vector<1x128xf32>,
    %get3A_73 = arith.constant 1 : index
    %get3A_74 = arith.constant 0 : index
    %get3A_75 = vector.load %arg7[%get3A_73, %get3A_74] : memref<2x128xf32, #tpu.memory_space<vmem>>, vector<1x128xf32>
    %mul3A_76 = arith.mulf %add3A_65, %add3A_65 : vector<2560x128xf32>
    %reduce_sum3A_77 = arith.constant dense<0.000000e+00> : vector<128xf32>
    %reduce_sum3A_78 = vector.multi_reduction <add>, %mul3A_76, %reduce_sum3A_77 [0] : vector<2560x128xf32> to vector<128xf32>
    %broadcast_in_dim3A_79 = vector.shape_cast %reduce_sum3A_78 : vector<128xf32> to vector<1x128xf32>
    %add3A_80 = arith.addf %get3A_75, %broadcast_in_dim3A_79 : vector<1x128xf32>
    %swap3A_81 = arith.constant 1 : index
    %swap3A_82 = arith.constant 0 : index
    %swap3A_83 = vector.load %arg7[%swap3A_81, %swap3A_82] : memref<2x128xf32, #tpu.memory_space<vmem>>, vector<1x128xf32>
    tpu.vector_store %arg7[%swap3A_81, %swap3A_82], %add3A_80 {strides = array<i32>} : memref<2x128xf32, #tpu.memory_space<vmem>>, vector<1x128xf32>,
    %eq3A_84 = arith.constant 124 : i32
    %eq3A_85 = arith.cmpi eq, %arg0, %eq3A_84 : i32
    %convert_element_type3A_86 = arith.extui %eq3A_85 : i1 to i32
    %cond3A_87 = arith.constant 0 : i32
    %cond3A_88 = arith.cmpi ne, %convert_element_type3A_86, %cond3A_87 : i32
    scf.if %cond3A_88 {
      %get3A_89 = arith.constant 0 : index
      %get3A_90 = arith.constant 0 : index
      %get3A_91 = vector.load %arg7[%get3A_89, %get3A_90] : memref<2x128xf32, #tpu.memory_space<vmem>>, vector<1x128xf32>
      %mul3A_92 = arith.constant 3.125000e-06 : f32
      %mul3A_93 = vector.broadcast %mul3A_92 : f32 to vector<1x128xf32>
      %mul3A_94 = arith.mulf %get3A_91, %mul3A_93 : vector<1x128xf32>
      %get3A_95 = arith.constant 1 : index
      %get3A_96 = arith.constant 0 : index
      %get3A_97 = vector.load %arg7[%get3A_95, %get3A_96] : memref<2x128xf32, #tpu.memory_space<vmem>>, vector<1x128xf32>
      %mul3A_98 = arith.constant 3.125000e-06 : f32
      %mul3A_99 = vector.broadcast %mul3A_98 : f32 to vector<1x128xf32>
      %mul3A_100 = arith.mulf %get3A_97, %mul3A_99 : vector<1x128xf32>
      %mul3A_101 = arith.mulf %mul3A_94, %mul3A_94 : vector<1x128xf32>
      %sub3A_102 = arith.subf %mul3A_100, %mul3A_101 : vector<1x128xf32>
      %get3A_103 = arith.constant 0 : index
      %get3A_104 = arith.constant 0 : index
      %get3A_105 = vector.load %arg4[%get3A_103, %get3A_104] : memref<1x128xf32, #tpu.memory_space<vmem>>, vector<1x128xf32>
      %add3A_106 = arith.constant 9.99999974E-6 : f32
      %add3A_107 = vector.broadcast %add3A_106 : f32 to vector<1x128xf32>
      %add3A_108 = arith.addf %sub3A_102, %add3A_107 : vector<1x128xf32>
      %rsqrt3A = math.rsqrt %add3A_108 : vector<1x128xf32>
      %mul3A_109 = arith.mulf %get3A_105, %rsqrt3A : vector<1x128xf32>
      %get3A_110 = arith.constant 0 : index
      %get3A_111 = arith.constant 0 : index
      %get3A_112 = vector.load %arg5[%get3A_110, %get3A_111] : memref<1x128xf32, #tpu.memory_space<vmem>>, vector<1x128xf32>
      %mul3A_113 = arith.mulf %mul3A_94, %mul3A_109 : vector<1x128xf32>
      %sub3A_114 = arith.subf %get3A_112, %mul3A_113 : vector<1x128xf32>
      %concatenate3A = tpu.concatenate %mul3A_109, %sub3A_114 in 0 : vector<1x128xf32>, vector<1x128xf32> -> vector<2x128xf32>
      %swap3A_115 = arith.constant 0 : index
      %swap3A_116 = arith.constant 0 : index
      %swap3A_117 = vector.load %arg6[%swap3A_115, %swap3A_116] : memref<2x128xf32, #tpu.memory_space<vmem>>, vector<2x128xf32>
      tpu.vector_store %arg6[%swap3A_115, %swap3A_116], %concatenate3A {strides = array<i32>} : memref<2x128xf32, #tpu.memory_space<vmem>>, vector<2x128xf32>,
    } else {
    }
    return
  }
  func.func @transform_0(%arg0: i32) -> (i32, i32) {
    %c0_i32 = arith.constant 0 : i32
    %c0_i32_0 = arith.constant 0 : i32
    return %arg0, %c0_i32 : i32, i32
  }
  func.func @transform_1(%arg0: i32) -> (i32, i32) {
    %c0_i32 = arith.constant 0 : i32
    %c0_i32_0 = arith.constant 0 : i32
    %c0_i32_1 = arith.constant 0 : i32
    return %c0_i32, %c0_i32_0 : i32, i32
  }
  func.func @transform_2(%arg0: i32) -> (i32, i32) {
    %c0_i32 = arith.constant 0 : i32
    %c0_i32_0 = arith.constant 0 : i32
    %c0_i32_1 = arith.constant 0 : i32
    return %c0_i32, %c0_i32_0 : i32, i32
  }
  func.func @transform_3(%arg0: i32) -> (i32, i32) {
    %c0_i32 = arith.constant 0 : i32
    %c0_i32_0 = arith.constant 0 : i32
    %c0_i32_1 = arith.constant 0 : i32
    return %c0_i32, %c0_i32_0 : i32, i32
  }
  func.func @transform_4(%arg0: i32) -> (i32, i32) {
    %c0_i32 = arith.constant 0 : i32
    %c0_i32_0 = arith.constant 0 : i32
    %c0_i32_1 = arith.constant 0 : i32
    return %c0_i32, %c0_i32_0 : i32, i32
  }
  func.func @transform_5(%arg0: i32) -> (i32, i32) {
    %c0_i32 = arith.constant 0 : i32
    %c0_i32_0 = arith.constant 0 : i32
    %c0_i32_1 = arith.constant 0 : i32
    return %c0_i32, %c0_i32_0 : i32, i32
  }
}

module attributes {stable_mosaic.version = 14 : i64} {
  func.func @_mlp_body(%arg0: i32, %arg1: memref<2560x256xf32, #tpu.memory_space<vmem>>, %arg2: memref<1x128xf32, #tpu.memory_space<vmem>>, %arg3: memref<1x128xf32, #tpu.memory_space<vmem>>, %arg4: memref<2x128xf32, #tpu.memory_space<vmem>>, %arg5: memref<128x128xf32, #tpu.memory_space<vmem>>, %arg6: memref<1x128xf32, #tpu.memory_space<vmem>>, %arg7: memref<1x128xf32, #tpu.memory_space<vmem>>, %arg8: memref<1x1xf32, #tpu.memory_space<vmem>>, %arg9: memref<128x128xf32, #tpu.memory_space<vmem>>, %arg10: memref<1x128xf32, #tpu.memory_space<vmem>>, %arg11: memref<1x128xf32, #tpu.memory_space<vmem>>, %arg12: memref<2560x128xf32, #tpu.memory_space<vmem>>, %arg13: memref<2560x16xf32, #tpu.memory_space<vmem>>) attributes {dimension_semantics = [#tpu.dimension_semantics<arbitrary>], iteration_bounds = array<i64: 125>, scalar_prefetch = 0 : i64, scratch_operands = 0 : i64, tpu.core_type = #tpu.core_type<tc>, window_params = [{transform_indices = @transform_0, window_bounds = array<i64: 2560, 256>}, {pipeline_mode = #tpu.pipeline_mode<synchronous>, transform_indices = @transform_1, window_bounds = array<i64: 1, 128>}, {pipeline_mode = #tpu.pipeline_mode<synchronous>, transform_indices = @transform_2, window_bounds = array<i64: 1, 128>}, {pipeline_mode = #tpu.pipeline_mode<synchronous>, transform_indices = @transform_3, window_bounds = array<i64: 2, 128>}, {pipeline_mode = #tpu.pipeline_mode<synchronous>, transform_indices = @transform_4, window_bounds = array<i64: 128, 128>}, {pipeline_mode = #tpu.pipeline_mode<synchronous>, transform_indices = @transform_5, window_bounds = array<i64: 1, 128>}, {pipeline_mode = #tpu.pipeline_mode<synchronous>, transform_indices = @transform_6, window_bounds = array<i64: 1, 128>}, {pipeline_mode = #tpu.pipeline_mode<synchronous>, transform_indices = @transform_7, window_bounds = array<i64: 1, 1>}, {pipeline_mode = #tpu.pipeline_mode<synchronous>, transform_indices = @transform_8, window_bounds = array<i64: 128, 128>}, {pipeline_mode = #tpu.pipeline_mode<synchronous>, transform_indices = @transform_9, window_bounds = array<i64: 1, 128>}, {pipeline_mode = #tpu.pipeline_mode<synchronous>, transform_indices = @transform_10, window_bounds = array<i64: 1, 128>}, {transform_indices = @transform_11, window_bounds = array<i64: 2560, 128>}, {transform_indices = @transform_12, window_bounds = array<i64: 2560, 16>}]} {
    %get3A = arith.constant 0 : index
    %get3A_0 = arith.constant 0 : index
    %get3A_1 = vector.load %arg1[%get3A, %get3A_0] : memref<2560x256xf32, #tpu.memory_space<vmem>>, vector<2560x256xf32>
    %get3A_2 = arith.constant 0 : index
    %get3A_3 = arith.constant 0 : index
    %get3A_4 = vector.load %arg2[%get3A_2, %get3A_3] : memref<1x128xf32, #tpu.memory_space<vmem>>, vector<1x128xf32>
    %get3A_5 = arith.constant 0 : index
    %get3A_6 = arith.constant 0 : index
    %get3A_7 = vector.load %arg3[%get3A_5, %get3A_6] : memref<1x128xf32, #tpu.memory_space<vmem>>, vector<1x128xf32>
    %slice3A = vector.extract_strided_slice %get3A_1 {offsets = [0, 0], sizes = [2560, 128], strides = [1, 1]} : vector<2560x256xf32> to vector<2560x128xf32>
    %slice3A_8 = vector.extract_strided_slice %get3A_1 {offsets = [0, 128], sizes = [2560, 4], strides = [1, 1]} : vector<2560x256xf32> to vector<2560x4xf32>
    %slice3A_9 = vector.extract_strided_slice %get3A_1 {offsets = [0, 132], sizes = [2560, 1], strides = [1, 1]} : vector<2560x256xf32> to vector<2560x1xf32>
    %slice3A_10 = vector.extract_strided_slice %slice3A_8 {offsets = [0, 0], sizes = [2560, 1], strides = [1, 1]} : vector<2560x4xf32> to vector<2560x1xf32>
    %integer_pow3A = arith.mulf %slice3A_10, %slice3A_10 : vector<2560x1xf32>
    %slice3A_11 = vector.extract_strided_slice %slice3A_8 {offsets = [0, 1], sizes = [2560, 1], strides = [1, 1]} : vector<2560x4xf32> to vector<2560x1xf32>
    %integer_pow3A_12 = arith.mulf %slice3A_11, %slice3A_11 : vector<2560x1xf32>
    %sub3A = arith.subf %integer_pow3A, %integer_pow3A_12 : vector<2560x1xf32>
    %slice3A_13 = vector.extract_strided_slice %slice3A_8 {offsets = [0, 2], sizes = [2560, 1], strides = [1, 1]} : vector<2560x4xf32> to vector<2560x1xf32>
    %integer_pow3A_14 = arith.mulf %slice3A_13, %slice3A_13 : vector<2560x1xf32>
    %sub3A_15 = arith.subf %sub3A, %integer_pow3A_14 : vector<2560x1xf32>
    %slice3A_16 = vector.extract_strided_slice %slice3A_8 {offsets = [0, 3], sizes = [2560, 1], strides = [1, 1]} : vector<2560x4xf32> to vector<2560x1xf32>
    %integer_pow3A_17 = arith.mulf %slice3A_16, %slice3A_16 : vector<2560x1xf32>
    %sub3A_18 = arith.subf %sub3A_15, %integer_pow3A_17 : vector<2560x1xf32>
    %sub3A_19 = arith.subf %slice3A_9, %sub3A_18 : vector<2560x1xf32>
    %mul3A = arith.constant 5.000000e-01 : f32
    %mul3A_20 = vector.broadcast %mul3A : f32 to vector<2560x1xf32>
    %mul3A_21 = arith.mulf %mul3A_20, %sub3A_19 : vector<2560x1xf32>
    %sign3A = tpu.bitcast %sub3A_18 : vector<2560x1xf32> -> vector<2560x1xi32>
    %sign3A_22 = arith.constant -2147483648 : i32
    %sign3A_23 = vector.broadcast %sign3A_22 : i32 to vector<2560x1xi32>
    %sign3A_24 = arith.andi %sign3A, %sign3A_23 : vector<2560x1xi32>
    %sign3A_25 = arith.constant 1065353216 : i32
    %sign3A_26 = vector.broadcast %sign3A_25 : i32 to vector<2560x1xi32>
    %sign3A_27 = arith.ori %sign3A_26, %sign3A_24 : vector<2560x1xi32>
    %sign3A_28 = tpu.bitcast %sign3A_27 : vector<2560x1xi32> -> vector<2560x1xf32>
    %sign3A_29 = math.absf %sub3A_18 : vector<2560x1xf32>
    %sign3A_30 = arith.constant 0.000000e+00 : f32
    %sign3A_31 = vector.broadcast %sign3A_30 : f32 to vector<2560x1xf32>
    %sign3A_32 = arith.cmpf ogt, %sign3A_29, %sign3A_31 : vector<2560x1xf32>
    %sign3A_33 = arith.select %sign3A_32, %sign3A_28, %sub3A_18 : vector<2560x1xi1>, vector<2560x1xf32>
    %abs3A = math.absf %sub3A_18 : vector<2560x1xf32>
    %add3A = arith.constant 1.000000e+00 : f32
    %add3A_34 = vector.broadcast %add3A : f32 to vector<2560x1xf32>
    %add3A_35 = arith.addf %abs3A, %add3A_34 : vector<2560x1xf32>
    %log3A = math.log %add3A_35 : vector<2560x1xf32>
    %mul3A_36 = arith.mulf %sign3A_33, %log3A : vector<2560x1xf32>
    %mul3A_37 = vector.broadcast %mul3A_36 : vector<2560x1xf32> to vector<2560x128xf32>
    %mul3A_38 = vector.broadcast %get3A_4 : vector<1x128xf32> to vector<2560x128xf32>
    %mul3A_39 = arith.mulf %mul3A_37, %mul3A_38 : vector<2560x128xf32>
    %add3A_40 = arith.addf %slice3A, %mul3A_39 : vector<2560x128xf32>
    %sign3A_41 = tpu.bitcast %mul3A_21 : vector<2560x1xf32> -> vector<2560x1xi32>
    %sign3A_42 = arith.constant -2147483648 : i32
    %sign3A_43 = vector.broadcast %sign3A_42 : i32 to vector<2560x1xi32>
    %sign3A_44 = arith.andi %sign3A_41, %sign3A_43 : vector<2560x1xi32>
    %sign3A_45 = arith.constant 1065353216 : i32
    %sign3A_46 = vector.broadcast %sign3A_45 : i32 to vector<2560x1xi32>
    %sign3A_47 = arith.ori %sign3A_46, %sign3A_44 : vector<2560x1xi32>
    %sign3A_48 = tpu.bitcast %sign3A_47 : vector<2560x1xi32> -> vector<2560x1xf32>
    %sign3A_49 = math.absf %mul3A_21 : vector<2560x1xf32>
    %sign3A_50 = arith.constant 0.000000e+00 : f32
    %sign3A_51 = vector.broadcast %sign3A_50 : f32 to vector<2560x1xf32>
    %sign3A_52 = arith.cmpf ogt, %sign3A_49, %sign3A_51 : vector<2560x1xf32>
    %sign3A_53 = arith.select %sign3A_52, %sign3A_48, %mul3A_21 : vector<2560x1xi1>, vector<2560x1xf32>
    %abs3A_54 = math.absf %mul3A_21 : vector<2560x1xf32>
    %add3A_55 = arith.constant 1.000000e+00 : f32
    %add3A_56 = vector.broadcast %add3A_55 : f32 to vector<2560x1xf32>
    %add3A_57 = arith.addf %abs3A_54, %add3A_56 : vector<2560x1xf32>
    %log3A_58 = math.log %add3A_57 : vector<2560x1xf32>
    %mul3A_59 = arith.mulf %sign3A_53, %log3A_58 : vector<2560x1xf32>
    %mul3A_60 = vector.broadcast %mul3A_59 : vector<2560x1xf32> to vector<2560x128xf32>
    %mul3A_61 = vector.broadcast %get3A_7 : vector<1x128xf32> to vector<2560x128xf32>
    %mul3A_62 = arith.mulf %mul3A_60, %mul3A_61 : vector<2560x128xf32>
    %add3A_63 = arith.addf %add3A_40, %mul3A_62 : vector<2560x128xf32>
    %get3A_64 = arith.constant 0 : index
    %get3A_65 = arith.constant 0 : index
    %get3A_66 = vector.load %arg4[%get3A_64, %get3A_65] : memref<2x128xf32, #tpu.memory_space<vmem>>, vector<1x128xf32>
    %mul3A_67 = vector.broadcast %get3A_66 : vector<1x128xf32> to vector<2560x128xf32>
    %mul3A_68 = arith.mulf %add3A_63, %mul3A_67 : vector<2560x128xf32>
    %get3A_69 = arith.constant 1 : index
    %get3A_70 = arith.constant 0 : index
    %get3A_71 = vector.load %arg4[%get3A_69, %get3A_70] : memref<2x128xf32, #tpu.memory_space<vmem>>, vector<1x128xf32>
    %add3A_72 = vector.broadcast %get3A_71 : vector<1x128xf32> to vector<2560x128xf32>
    %add3A_73 = arith.addf %mul3A_68, %add3A_72 : vector<2560x128xf32>
    %max3A = arith.constant 0.000000e+00 : f32
    %max3A_74 = vector.broadcast %max3A : f32 to vector<2560x128xf32>
    %max3A_75 = arith.maximumf %add3A_73, %max3A_74 : vector<2560x128xf32>
    %get3A_76 = arith.constant 0 : index
    %get3A_77 = arith.constant 0 : index
    %get3A_78 = vector.load %arg5[%get3A_76, %get3A_77] : memref<128x128xf32, #tpu.memory_space<vmem>>, vector<128x128xf32>
    %dot_general3A = arith.constant dense<0.000000e+00> : vector<2560x128xf32>
    %dot_general3A_79 = tpu.matmul %max3A_75, %get3A_78, %dot_general3A {dimension_numbers = #tpu.dot_dimension_numbers<[1], [0], [0], [1], [0, 0, 1, 1], [], []>, transpose_lhs_hint = false} : vector<2560x128xf32>, vector<128x128xf32>, vector<2560x128xf32> -> vector<2560x128xf32>
    %get3A_80 = arith.constant 0 : index
    %get3A_81 = arith.constant 0 : index
    %get3A_82 = vector.load %arg6[%get3A_80, %get3A_81] : memref<1x128xf32, #tpu.memory_space<vmem>>, vector<1x128xf32>
    %add3A_83 = vector.broadcast %get3A_82 : vector<1x128xf32> to vector<2560x128xf32>
    %add3A_84 = arith.addf %dot_general3A_79, %add3A_83 : vector<2560x128xf32>
    %max3A_85 = arith.constant 0.000000e+00 : f32
    %max3A_86 = vector.broadcast %max3A_85 : f32 to vector<2560x128xf32>
    %max3A_87 = arith.maximumf %add3A_84, %max3A_86 : vector<2560x128xf32>
    %get3A_88 = arith.constant 0 : index
    %get3A_89 = arith.constant 0 : index
    %get3A_90 = vector.load %arg7[%get3A_88, %get3A_89] : memref<1x128xf32, #tpu.memory_space<vmem>>, vector<1x128xf32>
    %mul3A_91 = vector.broadcast %get3A_90 : vector<1x128xf32> to vector<2560x128xf32>
    %mul3A_92 = arith.mulf %max3A_87, %mul3A_91 : vector<2560x128xf32>
    %reduce_sum3A = arith.constant dense<0.000000e+00> : vector<2560xf32>
    %reduce_sum3A_93 = vector.multi_reduction <add>, %mul3A_92, %reduce_sum3A [1] : vector<2560x128xf32> to vector<2560xf32>
    %broadcast_in_dim3A = vector.shape_cast %reduce_sum3A_93 : vector<2560xf32> to vector<2560x1xf32>
    %get3A_94 = arith.constant 0 : index
    %get3A_95 = arith.constant 0 : index
    %get3A_96 = vector.load %arg8[%get3A_94, %get3A_95] : memref<1x1xf32, #tpu.memory_space<vmem>>, vector<1x1xf32>
    %get3A_97 = vector.extract %get3A_96[0, 0] : f32 from vector<1x1xf32>
    %add3A_98 = vector.broadcast %get3A_97 : f32 to vector<2560x1xf32>
    %add3A_99 = arith.addf %broadcast_in_dim3A, %add3A_98 : vector<2560x1xf32>
    %logistic3A = arith.negf %add3A_99 : vector<2560x1xf32>
    %logistic3A_100 = math.exp %logistic3A : vector<2560x1xf32>
    %logistic3A_101 = arith.constant 1.000000e+00 : f32
    %logistic3A_102 = vector.broadcast %logistic3A_101 : f32 to vector<2560x1xf32>
    %logistic3A_103 = arith.addf %logistic3A_102, %logistic3A_100 : vector<2560x1xf32>
    %logistic3A_104 = arith.divf %logistic3A_102, %logistic3A_103 : vector<2560x1xf32>
    %mul3A_105 = vector.broadcast %logistic3A_104 : vector<2560x1xf32> to vector<2560x128xf32>
    %mul3A_106 = arith.mulf %max3A_87, %mul3A_105 : vector<2560x128xf32>
    %swap3A = arith.constant 0 : index
    %swap3A_107 = arith.constant 0 : index
    %swap3A_108 = vector.load %arg12[%swap3A, %swap3A_107] : memref<2560x128xf32, #tpu.memory_space<vmem>>, vector<2560x128xf32>
    tpu.vector_store %arg12[%swap3A, %swap3A_107], %mul3A_106 {strides = array<i32>} : memref<2560x128xf32, #tpu.memory_space<vmem>>, vector<2560x128xf32>,
    %get3A_109 = arith.constant 0 : index
    %get3A_110 = arith.constant 0 : index
    %get3A_111 = vector.load %arg9[%get3A_109, %get3A_110] : memref<128x128xf32, #tpu.memory_space<vmem>>, vector<128x128xf32>
    %dot_general3A_112 = arith.constant dense<0.000000e+00> : vector<2560x128xf32>
    %dot_general3A_113 = tpu.matmul %mul3A_106, %get3A_111, %dot_general3A_112 {dimension_numbers = #tpu.dot_dimension_numbers<[1], [0], [0], [1], [0, 0, 1, 1], [], []>, transpose_lhs_hint = false} : vector<2560x128xf32>, vector<128x128xf32>, vector<2560x128xf32> -> vector<2560x128xf32>
    %get3A_114 = arith.constant 0 : index
    %get3A_115 = arith.constant 0 : index
    %get3A_116 = vector.load %arg10[%get3A_114, %get3A_115] : memref<1x128xf32, #tpu.memory_space<vmem>>, vector<1x128xf32>
    %add3A_117 = vector.broadcast %get3A_116 : vector<1x128xf32> to vector<2560x128xf32>
    %add3A_118 = arith.addf %dot_general3A_113, %add3A_117 : vector<2560x128xf32>
    %max3A_119 = arith.constant 0.000000e+00 : f32
    %max3A_120 = vector.broadcast %max3A_119 : f32 to vector<2560x128xf32>
    %max3A_121 = arith.maximumf %add3A_118, %max3A_120 : vector<2560x128xf32>
    %get3A_122 = arith.constant 0 : index
    %get3A_123 = arith.constant 0 : index
    %get3A_124 = vector.load %arg11[%get3A_122, %get3A_123] : memref<1x128xf32, #tpu.memory_space<vmem>>, vector<1x128xf32>
    %mul3A_125 = vector.broadcast %get3A_124 : vector<1x128xf32> to vector<2560x128xf32>
    %mul3A_126 = arith.mulf %max3A_121, %mul3A_125 : vector<2560x128xf32>
    %reduce_sum3A_127 = arith.constant dense<0.000000e+00> : vector<2560xf32>
    %reduce_sum3A_128 = vector.multi_reduction <add>, %mul3A_126, %reduce_sum3A_127 [1] : vector<2560x128xf32> to vector<2560xf32>
    %broadcast_in_dim3A_129 = vector.shape_cast %reduce_sum3A_128 : vector<2560xf32> to vector<2560x1xf32>
    %mul3A_130 = vector.broadcast %broadcast_in_dim3A_129 : vector<2560x1xf32> to vector<2560x4xf32>
    %mul3A_131 = arith.mulf %slice3A_8, %mul3A_130 : vector<2560x4xf32>
    %jit3A = arith.constant -1.000000e+02 : f32
    %jit3A_132 = arith.constant 1.000000e+02 : f32
    %max3A_133 = vector.broadcast %jit3A : f32 to vector<2560x4xf32>
    %max3A_134 = arith.maximumf %max3A_133, %mul3A_131 : vector<2560x4xf32>
    %min3A = vector.broadcast %jit3A_132 : f32 to vector<2560x4xf32>
    %min3A_135 = arith.minimumf %min3A, %max3A_134 : vector<2560x4xf32>
    %broadcast_in_dim3A_136 = arith.constant 1.000000e+00 : f32
    %broadcast_in_dim3A_137 = vector.broadcast %broadcast_in_dim3A_136 : f32 to vector<2560x1xf32>
    %broadcast_in_dim3A_138 = arith.constant 0.000000e+00 : f32
    %broadcast_in_dim3A_139 = vector.broadcast %broadcast_in_dim3A_138 : f32 to vector<2560x11xf32>
    %concatenate3A = tpu.concatenate %min3A_135, %broadcast_in_dim3A_137, %broadcast_in_dim3A_139 in 1 : vector<2560x4xf32>, vector<2560x1xf32>, vector<2560x11xf32> -> vector<2560x16xf32>
    %swap3A_140 = arith.constant 0 : index
    %swap3A_141 = arith.constant 0 : index
    %swap3A_142 = vector.load %arg13[%swap3A_140, %swap3A_141] : memref<2560x16xf32, #tpu.memory_space<vmem>>, vector<2560x16xf32>
    tpu.vector_store %arg13[%swap3A_140, %swap3A_141], %concatenate3A {strides = array<i32>} : memref<2560x16xf32, #tpu.memory_space<vmem>>, vector<2560x16xf32>,
    return
  }
  func.func @transform_0(%arg0: i32) -> (i32, i32) {
    %c0_i32 = arith.constant 0 : i32
    %c0_i32_0 = arith.constant 0 : i32
    return %arg0, %c0_i32 : i32, i32
  }
  func.func @transform_1(%arg0: i32) -> (i32, i32) {
    %c0_i32 = arith.constant 0 : i32
    %c0_i32_0 = arith.constant 0 : i32
    %c0_i32_1 = arith.constant 0 : i32
    return %c0_i32, %c0_i32_0 : i32, i32
  }
  func.func @transform_2(%arg0: i32) -> (i32, i32) {
    %c0_i32 = arith.constant 0 : i32
    %c0_i32_0 = arith.constant 0 : i32
    %c0_i32_1 = arith.constant 0 : i32
    return %c0_i32, %c0_i32_0 : i32, i32
  }
  func.func @transform_3(%arg0: i32) -> (i32, i32) {
    %c0_i32 = arith.constant 0 : i32
    %c0_i32_0 = arith.constant 0 : i32
    %c0_i32_1 = arith.constant 0 : i32
    return %c0_i32, %c0_i32_0 : i32, i32
  }
  func.func @transform_4(%arg0: i32) -> (i32, i32) {
    %c0_i32 = arith.constant 0 : i32
    %c0_i32_0 = arith.constant 0 : i32
    %c0_i32_1 = arith.constant 0 : i32
    return %c0_i32, %c0_i32_0 : i32, i32
  }
  func.func @transform_5(%arg0: i32) -> (i32, i32) {
    %c0_i32 = arith.constant 0 : i32
    %c0_i32_0 = arith.constant 0 : i32
    %c0_i32_1 = arith.constant 0 : i32
    return %c0_i32, %c0_i32_0 : i32, i32
  }
  func.func @transform_6(%arg0: i32) -> (i32, i32) {
    %c0_i32 = arith.constant 0 : i32
    %c0_i32_0 = arith.constant 0 : i32
    %c0_i32_1 = arith.constant 0 : i32
    return %c0_i32, %c0_i32_0 : i32, i32
  }
  func.func @transform_7(%arg0: i32) -> (i32, i32) {
    %c0_i32 = arith.constant 0 : i32
    %c0_i32_0 = arith.constant 0 : i32
    %c0_i32_1 = arith.constant 0 : i32
    return %c0_i32, %c0_i32_0 : i32, i32
  }
  func.func @transform_8(%arg0: i32) -> (i32, i32) {
    %c0_i32 = arith.constant 0 : i32
    %c0_i32_0 = arith.constant 0 : i32
    %c0_i32_1 = arith.constant 0 : i32
    return %c0_i32, %c0_i32_0 : i32, i32
  }
  func.func @transform_9(%arg0: i32) -> (i32, i32) {
    %c0_i32 = arith.constant 0 : i32
    %c0_i32_0 = arith.constant 0 : i32
    %c0_i32_1 = arith.constant 0 : i32
    return %c0_i32, %c0_i32_0 : i32, i32
  }
  func.func @transform_10(%arg0: i32) -> (i32, i32) {
    %c0_i32 = arith.constant 0 : i32
    %c0_i32_0 = arith.constant 0 : i32
    %c0_i32_1 = arith.constant 0 : i32
    return %c0_i32, %c0_i32_0 : i32, i32
  }
  func.func @transform_11(%arg0: i32) -> (i32, i32) {
    %c0_i32 = arith.constant 0 : i32
    %c0_i32_0 = arith.constant 0 : i32
    return %arg0, %c0_i32 : i32, i32
  }
  func.func @transform_12(%arg0: i32) -> (i32, i32) {
    %c0_i32 = arith.constant 0 : i32
    %c0_i32_0 = arith.constant 0 : i32
    return %arg0, %c0_i32 : i32, i32
  }
}

module attributes {stable_mosaic.version = 14 : i64} {
  func.func @_node1_body(%arg0: i32, %arg1: memref<2000x128xf32, #tpu.memory_space<vmem>>, %arg2: memref<2x2000x128xf32, #tpu.memory_space<vmem>>, %arg3: memref<2000x2xf32, #tpu.memory_space<vmem>>, %arg4: memref<128x128xf32, #tpu.memory_space<vmem>>, %arg5: memref<128x128xf32, #tpu.memory_space<vmem>>, %arg6: memref<2x128xf32, #tpu.memory_space<vmem>>, %arg7: memref<1x128xf32, #tpu.memory_space<vmem>>, %arg8: memref<1x128xf32, #tpu.memory_space<vmem>>, %arg9: memref<1x128xf32, #tpu.memory_space<vmem>>, %arg10: memref<2000x128xf32, #tpu.memory_space<vmem>>, %arg11: memref<2x128xf32, #tpu.memory_space<vmem>>, %arg12: memref<2x128xf32, #tpu.memory_space<vmem>>) attributes {dimension_semantics = [#tpu.dimension_semantics<arbitrary>], iteration_bounds = array<i64: 5>, scalar_prefetch = 0 : i64, scratch_operands = 1 : i64, tpu.core_type = #tpu.core_type<tc>, window_params = [{transform_indices = @transform_0, window_bounds = array<i64: 2000, 128>}, {transform_indices = @transform_1, window_bounds = array<i64: 2, 2000, 128>}, {transform_indices = @transform_2, window_bounds = array<i64: 2000, 2>}, {pipeline_mode = #tpu.pipeline_mode<synchronous>, transform_indices = @transform_3, window_bounds = array<i64: 128, 128>}, {pipeline_mode = #tpu.pipeline_mode<synchronous>, transform_indices = @transform_4, window_bounds = array<i64: 128, 128>}, {pipeline_mode = #tpu.pipeline_mode<synchronous>, transform_indices = @transform_5, window_bounds = array<i64: 2, 128>}, {pipeline_mode = #tpu.pipeline_mode<synchronous>, transform_indices = @transform_6, window_bounds = array<i64: 1, 128>}, {pipeline_mode = #tpu.pipeline_mode<synchronous>, transform_indices = @transform_7, window_bounds = array<i64: 1, 128>}, {pipeline_mode = #tpu.pipeline_mode<synchronous>, transform_indices = @transform_8, window_bounds = array<i64: 1, 128>}, {transform_indices = @transform_9, window_bounds = array<i64: 2000, 128>}, {pipeline_mode = #tpu.pipeline_mode<synchronous>, transform_indices = @transform_10, window_bounds = array<i64: 2, 128>}]} {
    %eq3A = arith.constant 0 : i32
    %eq3A_0 = arith.cmpi eq, %arg0, %eq3A : i32
    %convert_element_type3A = arith.extui %eq3A_0 : i1 to i32
    %cond3A = arith.constant 0 : i32
    %cond3A_1 = arith.cmpi ne, %convert_element_type3A, %cond3A : i32
    scf.if %cond3A_1 {
      %broadcast_in_dim3A_72 = arith.constant 0.000000e+00 : f32
      %broadcast_in_dim3A_73 = vector.broadcast %broadcast_in_dim3A_72 : f32 to vector<2x128xf32>
      %swap3A_74 = arith.constant 0 : index
      %swap3A_75 = arith.constant 0 : index
      %swap3A_76 = vector.load %arg12[%swap3A_74, %swap3A_75] : memref<2x128xf32, #tpu.memory_space<vmem>>, vector<2x128xf32>
      tpu.vector_store %arg12[%swap3A_74, %swap3A_75], %broadcast_in_dim3A_73 {strides = array<i32>} : memref<2x128xf32, #tpu.memory_space<vmem>>, vector<2x128xf32>,
    } else {
    }
    %get3A = arith.constant 0 : index
    %get3A_2 = arith.constant 0 : index
    %get3A_3 = arith.constant 0 : index
    %get3A_4 = vector.load %arg2[%get3A, %get3A_2, %get3A_3] : memref<2x2000x128xf32, #tpu.memory_space<vmem>>, vector<1x2000x128xf32>
    %get3A_5 = vector.shape_cast %get3A_4 : vector<1x2000x128xf32> to vector<2000x128xf32>
    %get3A_6 = arith.constant 1 : index
    %get3A_7 = arith.constant 0 : index
    %get3A_8 = arith.constant 0 : index
    %get3A_9 = vector.load %arg2[%get3A_6, %get3A_7, %get3A_8] : memref<2x2000x128xf32, #tpu.memory_space<vmem>>, vector<1x2000x128xf32>
    %get3A_10 = vector.shape_cast %get3A_9 : vector<1x2000x128xf32> to vector<2000x128xf32>
    %add3A = arith.addf %get3A_5, %get3A_10 : vector<2000x128xf32>
    %get3A_11 = arith.constant 0 : index
    %get3A_12 = arith.constant 0 : index
    %get3A_13 = vector.load %arg3[%get3A_11, %get3A_12] : memref<2000x2xf32, #tpu.memory_space<vmem>>, vector<2000x2xf32>
    %get3A_14 = arith.constant 0 : index
    %get3A_15 = arith.constant 0 : index
    %get3A_16 = vector.load %arg1[%get3A_14, %get3A_15] : memref<2000x128xf32, #tpu.memory_space<vmem>>, vector<2000x128xf32>
    %get3A_17 = arith.constant 0 : index
    %get3A_18 = arith.constant 0 : index
    %get3A_19 = vector.load %arg4[%get3A_17, %get3A_18] : memref<128x128xf32, #tpu.memory_space<vmem>>, vector<128x128xf32>
    %dot_general3A = arith.constant dense<0.000000e+00> : vector<2000x128xf32>
    %dot_general3A_20 = tpu.matmul %get3A_16, %get3A_19, %dot_general3A {dimension_numbers = #tpu.dot_dimension_numbers<[1], [0], [0], [1], [0, 0, 1, 1], [], []>, transpose_lhs_hint = false} : vector<2000x128xf32>, vector<128x128xf32>, vector<2000x128xf32> -> vector<2000x128xf32>
    %get3A_21 = arith.constant 0 : index
    %get3A_22 = arith.constant 0 : index
    %get3A_23 = vector.load %arg5[%get3A_21, %get3A_22] : memref<128x128xf32, #tpu.memory_space<vmem>>, vector<128x128xf32>
    %dot_general3A_24 = arith.constant dense<0.000000e+00> : vector<2000x128xf32>
    %dot_general3A_25 = tpu.matmul %add3A, %get3A_23, %dot_general3A_24 {dimension_numbers = #tpu.dot_dimension_numbers<[1], [0], [0], [1], [0, 0, 1, 1], [], []>, transpose_lhs_hint = false} : vector<2000x128xf32>, vector<128x128xf32>, vector<2000x128xf32> -> vector<2000x128xf32>
    %add3A_26 = arith.addf %dot_general3A_20, %dot_general3A_25 : vector<2000x128xf32>
    %slice3A = vector.extract_strided_slice %get3A_13 {offsets = [0, 0], sizes = [2000, 1], strides = [1, 1]} : vector<2000x2xf32> to vector<2000x1xf32>
    %get3A_27 = arith.constant 0 : index
    %get3A_28 = arith.constant 0 : index
    %get3A_29 = vector.load %arg6[%get3A_27, %get3A_28] : memref<2x128xf32, #tpu.memory_space<vmem>>, vector<1x128xf32>
    %mul3A = vector.broadcast %slice3A : vector<2000x1xf32> to vector<2000x128xf32>
    %mul3A_30 = vector.broadcast %get3A_29 : vector<1x128xf32> to vector<2000x128xf32>
    %mul3A_31 = arith.mulf %mul3A, %mul3A_30 : vector<2000x128xf32>
    %add3A_32 = arith.addf %add3A_26, %mul3A_31 : vector<2000x128xf32>
    %slice3A_33 = vector.extract_strided_slice %get3A_13 {offsets = [0, 1], sizes = [2000, 1], strides = [1, 1]} : vector<2000x2xf32> to vector<2000x1xf32>
    %get3A_34 = arith.constant 1 : index
    %get3A_35 = arith.constant 0 : index
    %get3A_36 = vector.load %arg6[%get3A_34, %get3A_35] : memref<2x128xf32, #tpu.memory_space<vmem>>, vector<1x128xf32>
    %mul3A_37 = vector.broadcast %slice3A_33 : vector<2000x1xf32> to vector<2000x128xf32>
    %mul3A_38 = vector.broadcast %get3A_36 : vector<1x128xf32> to vector<2000x128xf32>
    %mul3A_39 = arith.mulf %mul3A_37, %mul3A_38 : vector<2000x128xf32>
    %add3A_40 = arith.addf %add3A_32, %mul3A_39 : vector<2000x128xf32>
    %get3A_41 = arith.constant 0 : index
    %get3A_42 = arith.constant 0 : index
    %get3A_43 = vector.load %arg7[%get3A_41, %get3A_42] : memref<1x128xf32, #tpu.memory_space<vmem>>, vector<1x128xf32>
    %add3A_44 = vector.broadcast %get3A_43 : vector<1x128xf32> to vector<2000x128xf32>
    %add3A_45 = arith.addf %add3A_40, %add3A_44 : vector<2000x128xf32>
    %swap3A = arith.constant 0 : index
    %swap3A_46 = arith.constant 0 : index
    %swap3A_47 = vector.load %arg10[%swap3A, %swap3A_46] : memref<2000x128xf32, #tpu.memory_space<vmem>>, vector<2000x128xf32>
    tpu.vector_store %arg10[%swap3A, %swap3A_46], %add3A_45 {strides = array<i32>} : memref<2000x128xf32, #tpu.memory_space<vmem>>, vector<2000x128xf32>,
    %get3A_48 = arith.constant 0 : index
    %get3A_49 = arith.constant 0 : index
    %get3A_50 = vector.load %arg12[%get3A_48, %get3A_49] : memref<2x128xf32, #tpu.memory_space<vmem>>, vector<1x128xf32>
    %reduce_sum3A = arith.constant dense<0.000000e+00> : vector<128xf32>
    %reduce_sum3A_51 = vector.multi_reduction <add>, %add3A_45, %reduce_sum3A [0] : vector<2000x128xf32> to vector<128xf32>
    %broadcast_in_dim3A = vector.shape_cast %reduce_sum3A_51 : vector<128xf32> to vector<1x128xf32>
    %add3A_52 = arith.addf %get3A_50, %broadcast_in_dim3A : vector<1x128xf32>
    %swap3A_53 = arith.constant 0 : index
    %swap3A_54 = arith.constant 0 : index
    %swap3A_55 = vector.load %arg12[%swap3A_53, %swap3A_54] : memref<2x128xf32, #tpu.memory_space<vmem>>, vector<1x128xf32>
    tpu.vector_store %arg12[%swap3A_53, %swap3A_54], %add3A_52 {strides = array<i32>} : memref<2x128xf32, #tpu.memory_space<vmem>>, vector<1x128xf32>,
    %get3A_56 = arith.constant 1 : index
    %get3A_57 = arith.constant 0 : index
    %get3A_58 = vector.load %arg12[%get3A_56, %get3A_57] : memref<2x128xf32, #tpu.memory_space<vmem>>, vector<1x128xf32>
    %mul3A_59 = arith.mulf %add3A_45, %add3A_45 : vector<2000x128xf32>
    %reduce_sum3A_60 = arith.constant dense<0.000000e+00> : vector<128xf32>
    %reduce_sum3A_61 = vector.multi_reduction <add>, %mul3A_59, %reduce_sum3A_60 [0] : vector<2000x128xf32> to vector<128xf32>
    %broadcast_in_dim3A_62 = vector.shape_cast %reduce_sum3A_61 : vector<128xf32> to vector<1x128xf32>
    %add3A_63 = arith.addf %get3A_58, %broadcast_in_dim3A_62 : vector<1x128xf32>
    %swap3A_64 = arith.constant 1 : index
    %swap3A_65 = arith.constant 0 : index
    %swap3A_66 = vector.load %arg12[%swap3A_64, %swap3A_65] : memref<2x128xf32, #tpu.memory_space<vmem>>, vector<1x128xf32>
    tpu.vector_store %arg12[%swap3A_64, %swap3A_65], %add3A_63 {strides = array<i32>} : memref<2x128xf32, #tpu.memory_space<vmem>>, vector<1x128xf32>,
    %eq3A_67 = arith.constant 4 : i32
    %eq3A_68 = arith.cmpi eq, %arg0, %eq3A_67 : i32
    %convert_element_type3A_69 = arith.extui %eq3A_68 : i1 to i32
    %cond3A_70 = arith.constant 0 : i32
    %cond3A_71 = arith.cmpi ne, %convert_element_type3A_69, %cond3A_70 : i32
    scf.if %cond3A_71 {
      %get3A_72 = arith.constant 0 : index
      %get3A_73 = arith.constant 0 : index
      %get3A_74 = vector.load %arg12[%get3A_72, %get3A_73] : memref<2x128xf32, #tpu.memory_space<vmem>>, vector<1x128xf32>
      %mul3A_75 = arith.constant 9.99999974E-5 : f32
      %mul3A_76 = vector.broadcast %mul3A_75 : f32 to vector<1x128xf32>
      %mul3A_77 = arith.mulf %get3A_74, %mul3A_76 : vector<1x128xf32>
      %get3A_78 = arith.constant 1 : index
      %get3A_79 = arith.constant 0 : index
      %get3A_80 = vector.load %arg12[%get3A_78, %get3A_79] : memref<2x128xf32, #tpu.memory_space<vmem>>, vector<1x128xf32>
      %mul3A_81 = arith.constant 9.99999974E-5 : f32
      %mul3A_82 = vector.broadcast %mul3A_81 : f32 to vector<1x128xf32>
      %mul3A_83 = arith.mulf %get3A_80, %mul3A_82 : vector<1x128xf32>
      %mul3A_84 = arith.mulf %mul3A_77, %mul3A_77 : vector<1x128xf32>
      %sub3A = arith.subf %mul3A_83, %mul3A_84 : vector<1x128xf32>
      %get3A_85 = arith.constant 0 : index
      %get3A_86 = arith.constant 0 : index
      %get3A_87 = vector.load %arg8[%get3A_85, %get3A_86] : memref<1x128xf32, #tpu.memory_space<vmem>>, vector<1x128xf32>
      %add3A_88 = arith.constant 9.99999974E-6 : f32
      %add3A_89 = vector.broadcast %add3A_88 : f32 to vector<1x128xf32>
      %add3A_90 = arith.addf %sub3A, %add3A_89 : vector<1x128xf32>
      %rsqrt3A = math.rsqrt %add3A_90 : vector<1x128xf32>
      %mul3A_91 = arith.mulf %get3A_87, %rsqrt3A : vector<1x128xf32>
      %get3A_92 = arith.constant 0 : index
      %get3A_93 = arith.constant 0 : index
      %get3A_94 = vector.load %arg9[%get3A_92, %get3A_93] : memref<1x128xf32, #tpu.memory_space<vmem>>, vector<1x128xf32>
      %mul3A_95 = arith.mulf %mul3A_77, %mul3A_91 : vector<1x128xf32>
      %sub3A_96 = arith.subf %get3A_94, %mul3A_95 : vector<1x128xf32>
      %concatenate3A = tpu.concatenate %mul3A_91, %sub3A_96 in 0 : vector<1x128xf32>, vector<1x128xf32> -> vector<2x128xf32>
      %swap3A_97 = arith.constant 0 : index
      %swap3A_98 = arith.constant 0 : index
      %swap3A_99 = vector.load %arg11[%swap3A_97, %swap3A_98] : memref<2x128xf32, #tpu.memory_space<vmem>>, vector<2x128xf32>
      tpu.vector_store %arg11[%swap3A_97, %swap3A_98], %concatenate3A {strides = array<i32>} : memref<2x128xf32, #tpu.memory_space<vmem>>, vector<2x128xf32>,
    } else {
    }
    return
  }
  func.func @transform_0(%arg0: i32) -> (i32, i32) {
    %c0_i32 = arith.constant 0 : i32
    %c0_i32_0 = arith.constant 0 : i32
    return %arg0, %c0_i32 : i32, i32
  }
  func.func @transform_1(%arg0: i32) -> (i32, i32, i32) {
    %c0_i32 = arith.constant 0 : i32
    %c0_i32_0 = arith.constant 0 : i32
    %c0_i32_1 = arith.constant 0 : i32
    return %c0_i32, %arg0, %c0_i32_0 : i32, i32, i32
  }
  func.func @transform_2(%arg0: i32) -> (i32, i32) {
    %c0_i32 = arith.constant 0 : i32
    %c0_i32_0 = arith.constant 0 : i32
    return %arg0, %c0_i32 : i32, i32
  }
  func.func @transform_3(%arg0: i32) -> (i32, i32) {
    %c0_i32 = arith.constant 0 : i32
    %c0_i32_0 = arith.constant 0 : i32
    %c0_i32_1 = arith.constant 0 : i32
    return %c0_i32, %c0_i32_0 : i32, i32
  }
  func.func @transform_4(%arg0: i32) -> (i32, i32) {
    %c0_i32 = arith.constant 0 : i32
    %c0_i32_0 = arith.constant 0 : i32
    %c0_i32_1 = arith.constant 0 : i32
    return %c0_i32, %c0_i32_0 : i32, i32
  }
  func.func @transform_5(%arg0: i32) -> (i32, i32) {
    %c0_i32 = arith.constant 0 : i32
    %c0_i32_0 = arith.constant 0 : i32
    %c0_i32_1 = arith.constant 0 : i32
    return %c0_i32, %c0_i32_0 : i32, i32
  }
  func.func @transform_6(%arg0: i32) -> (i32, i32) {
    %c0_i32 = arith.constant 0 : i32
    %c0_i32_0 = arith.constant 0 : i32
    %c0_i32_1 = arith.constant 0 : i32
    return %c0_i32, %c0_i32_0 : i32, i32
  }
  func.func @transform_7(%arg0: i32) -> (i32, i32) {
    %c0_i32 = arith.constant 0 : i32
    %c0_i32_0 = arith.constant 0 : i32
    %c0_i32_1 = arith.constant 0 : i32
    return %c0_i32, %c0_i32_0 : i32, i32
  }
  func.func @transform_8(%arg0: i32) -> (i32, i32) {
    %c0_i32 = arith.constant 0 : i32
    %c0_i32_0 = arith.constant 0 : i32
    %c0_i32_1 = arith.constant 0 : i32
    return %c0_i32, %c0_i32_0 : i32, i32
  }
  func.func @transform_9(%arg0: i32) -> (i32, i32) {
    %c0_i32 = arith.constant 0 : i32
    %c0_i32_0 = arith.constant 0 : i32
    return %arg0, %c0_i32 : i32, i32
  }
  func.func @transform_10(%arg0: i32) -> (i32, i32) {
    %c0_i32 = arith.constant 0 : i32
    %c0_i32_0 = arith.constant 0 : i32
    %c0_i32_1 = arith.constant 0 : i32
    return %c0_i32, %c0_i32_0 : i32, i32
  }
}

module attributes {stable_mosaic.version = 14 : i64} {
  func.func @_node2_body(%arg0: i32, %arg1: memref<2000x128xf32, #tpu.memory_space<vmem>>, %arg2: memref<2x128xf32, #tpu.memory_space<vmem>>, %arg3: memref<2000x128xf32, #tpu.memory_space<vmem>>, %arg4: memref<128x128xf32, #tpu.memory_space<vmem>>, %arg5: memref<1x128xf32, #tpu.memory_space<vmem>>, %arg6: memref<2000x4xf32, #tpu.memory_space<vmem>>, %arg7: memref<2x2000x128xf32, #tpu.memory_space<vmem>>, %arg8: memref<2000x128xf32, #tpu.memory_space<vmem>>, %arg9: memref<2000x4xf32, #tpu.memory_space<vmem>>) attributes {dimension_semantics = [#tpu.dimension_semantics<arbitrary>], iteration_bounds = array<i64: 5>, scalar_prefetch = 0 : i64, scratch_operands = 0 : i64, tpu.core_type = #tpu.core_type<tc>, window_params = [{transform_indices = @transform_0, window_bounds = array<i64: 2000, 128>}, {pipeline_mode = #tpu.pipeline_mode<synchronous>, transform_indices = @transform_1, window_bounds = array<i64: 2, 128>}, {transform_indices = @transform_2, window_bounds = array<i64: 2000, 128>}, {pipeline_mode = #tpu.pipeline_mode<synchronous>, transform_indices = @transform_3, window_bounds = array<i64: 128, 128>}, {pipeline_mode = #tpu.pipeline_mode<synchronous>, transform_indices = @transform_4, window_bounds = array<i64: 1, 128>}, {transform_indices = @transform_5, window_bounds = array<i64: 2000, 4>}, {transform_indices = @transform_6, window_bounds = array<i64: 2, 2000, 128>}, {transform_indices = @transform_7, window_bounds = array<i64: 2000, 128>}, {transform_indices = @transform_8, window_bounds = array<i64: 2000, 4>}]} {
    %get3A = arith.constant 0 : index
    %get3A_0 = arith.constant 0 : index
    %get3A_1 = vector.load %arg1[%get3A, %get3A_0] : memref<2000x128xf32, #tpu.memory_space<vmem>>, vector<2000x128xf32>
    %get3A_2 = arith.constant 0 : index
    %get3A_3 = arith.constant 0 : index
    %get3A_4 = vector.load %arg2[%get3A_2, %get3A_3] : memref<2x128xf32, #tpu.memory_space<vmem>>, vector<1x128xf32>
    %mul3A = vector.broadcast %get3A_4 : vector<1x128xf32> to vector<2000x128xf32>
    %mul3A_5 = arith.mulf %get3A_1, %mul3A : vector<2000x128xf32>
    %get3A_6 = arith.constant 1 : index
    %get3A_7 = arith.constant 0 : index
    %get3A_8 = vector.load %arg2[%get3A_6, %get3A_7] : memref<2x128xf32, #tpu.memory_space<vmem>>, vector<1x128xf32>
    %add3A = vector.broadcast %get3A_8 : vector<1x128xf32> to vector<2000x128xf32>
    %add3A_9 = arith.addf %mul3A_5, %add3A : vector<2000x128xf32>
    %max3A = arith.constant 0.000000e+00 : f32
    %max3A_10 = vector.broadcast %max3A : f32 to vector<2000x128xf32>
    %max3A_11 = arith.maximumf %add3A_9, %max3A_10 : vector<2000x128xf32>
    %get3A_12 = arith.constant 0 : index
    %get3A_13 = arith.constant 0 : index
    %get3A_14 = vector.load %arg3[%get3A_12, %get3A_13] : memref<2000x128xf32, #tpu.memory_space<vmem>>, vector<2000x128xf32>
    %get3A_15 = arith.constant 0 : index
    %get3A_16 = arith.constant 0 : index
    %get3A_17 = vector.load %arg4[%get3A_15, %get3A_16] : memref<128x128xf32, #tpu.memory_space<vmem>>, vector<128x128xf32>
    %dot_general3A = arith.constant dense<0.000000e+00> : vector<2000x128xf32>
    %dot_general3A_18 = tpu.matmul %max3A_11, %get3A_17, %dot_general3A {dimension_numbers = #tpu.dot_dimension_numbers<[1], [0], [0], [1], [0, 0, 1, 1], [], []>, transpose_lhs_hint = false} : vector<2000x128xf32>, vector<128x128xf32>, vector<2000x128xf32> -> vector<2000x128xf32>
    %add3A_19 = arith.addf %get3A_14, %dot_general3A_18 : vector<2000x128xf32>
    %get3A_20 = arith.constant 0 : index
    %get3A_21 = arith.constant 0 : index
    %get3A_22 = vector.load %arg5[%get3A_20, %get3A_21] : memref<1x128xf32, #tpu.memory_space<vmem>>, vector<1x128xf32>
    %add3A_23 = vector.broadcast %get3A_22 : vector<1x128xf32> to vector<2000x128xf32>
    %add3A_24 = arith.addf %add3A_19, %add3A_23 : vector<2000x128xf32>
    %swap3A = arith.constant 0 : index
    %swap3A_25 = arith.constant 0 : index
    %swap3A_26 = vector.load %arg8[%swap3A, %swap3A_25] : memref<2000x128xf32, #tpu.memory_space<vmem>>, vector<2000x128xf32>
    tpu.vector_store %arg8[%swap3A, %swap3A_25], %add3A_24 {strides = array<i32>} : memref<2000x128xf32, #tpu.memory_space<vmem>>, vector<2000x128xf32>,
    %get3A_27 = arith.constant 0 : index
    %get3A_28 = arith.constant 0 : index
    %get3A_29 = arith.constant 0 : index
    %get3A_30 = vector.load %arg7[%get3A_27, %get3A_28, %get3A_29] : memref<2x2000x128xf32, #tpu.memory_space<vmem>>, vector<1x2000x128xf32>
    %get3A_31 = vector.shape_cast %get3A_30 : vector<1x2000x128xf32> to vector<2000x128xf32>
    %get3A_32 = arith.constant 1 : index
    %get3A_33 = arith.constant 0 : index
    %get3A_34 = arith.constant 0 : index
    %get3A_35 = vector.load %arg7[%get3A_32, %get3A_33, %get3A_34] : memref<2x2000x128xf32, #tpu.memory_space<vmem>>, vector<1x2000x128xf32>
    %get3A_36 = vector.shape_cast %get3A_35 : vector<1x2000x128xf32> to vector<2000x128xf32>
    %add3A_37 = arith.addf %get3A_31, %get3A_36 : vector<2000x128xf32>
    %slice3A = vector.extract_strided_slice %add3A_37 {offsets = [0, 4], sizes = [2000, 1], strides = [1, 1]} : vector<2000x128xf32> to vector<2000x1xf32>
    %max3A_38 = arith.constant 1.000000e+00 : f32
    %max3A_39 = vector.broadcast %max3A_38 : f32 to vector<2000x1xf32>
    %max3A_40 = arith.maximumf %slice3A, %max3A_39 : vector<2000x1xf32>
    %get3A_41 = arith.constant 0 : index
    %get3A_42 = arith.constant 0 : index
    %get3A_43 = vector.load %arg6[%get3A_41, %get3A_42] : memref<2000x4xf32, #tpu.memory_space<vmem>>, vector<2000x4xf32>
    %slice3A_44 = vector.extract_strided_slice %add3A_37 {offsets = [0, 0], sizes = [2000, 4], strides = [1, 1]} : vector<2000x128xf32> to vector<2000x4xf32>
    %div3A = vector.broadcast %max3A_40 : vector<2000x1xf32> to vector<2000x4xf32>
    %div3A_45 = arith.divf %slice3A_44, %div3A : vector<2000x4xf32>
    %add3A_46 = arith.addf %get3A_43, %div3A_45 : vector<2000x4xf32>
    %swap3A_47 = arith.constant 0 : index
    %swap3A_48 = arith.constant 0 : index
    %swap3A_49 = vector.load %arg9[%swap3A_47, %swap3A_48] : memref<2000x4xf32, #tpu.memory_space<vmem>>, vector<2000x4xf32>
    tpu.vector_store %arg9[%swap3A_47, %swap3A_48], %add3A_46 {strides = array<i32>} : memref<2000x4xf32, #tpu.memory_space<vmem>>, vector<2000x4xf32>,
    return
  }
  func.func @transform_0(%arg0: i32) -> (i32, i32) {
    %c0_i32 = arith.constant 0 : i32
    %c0_i32_0 = arith.constant 0 : i32
    return %arg0, %c0_i32 : i32, i32
  }
  func.func @transform_1(%arg0: i32) -> (i32, i32) {
    %c0_i32 = arith.constant 0 : i32
    %c0_i32_0 = arith.constant 0 : i32
    %c0_i32_1 = arith.constant 0 : i32
    return %c0_i32, %c0_i32_0 : i32, i32
  }
  func.func @transform_2(%arg0: i32) -> (i32, i32) {
    %c0_i32 = arith.constant 0 : i32
    %c0_i32_0 = arith.constant 0 : i32
    return %arg0, %c0_i32 : i32, i32
  }
  func.func @transform_3(%arg0: i32) -> (i32, i32) {
    %c0_i32 = arith.constant 0 : i32
    %c0_i32_0 = arith.constant 0 : i32
    %c0_i32_1 = arith.constant 0 : i32
    return %c0_i32, %c0_i32_0 : i32, i32
  }
  func.func @transform_4(%arg0: i32) -> (i32, i32) {
    %c0_i32 = arith.constant 0 : i32
    %c0_i32_0 = arith.constant 0 : i32
    %c0_i32_1 = arith.constant 0 : i32
    return %c0_i32, %c0_i32_0 : i32, i32
  }
  func.func @transform_5(%arg0: i32) -> (i32, i32) {
    %c0_i32 = arith.constant 0 : i32
    %c0_i32_0 = arith.constant 0 : i32
    return %arg0, %c0_i32 : i32, i32
  }
  func.func @transform_6(%arg0: i32) -> (i32, i32, i32) {
    %c0_i32 = arith.constant 0 : i32
    %c0_i32_0 = arith.constant 0 : i32
    %c0_i32_1 = arith.constant 0 : i32
    return %c0_i32, %arg0, %c0_i32_0 : i32, i32, i32
  }
  func.func @transform_7(%arg0: i32) -> (i32, i32) {
    %c0_i32 = arith.constant 0 : i32
    %c0_i32_0 = arith.constant 0 : i32
    return %arg0, %c0_i32 : i32, i32
  }
  func.func @transform_8(%arg0: i32) -> (i32, i32) {
    %c0_i32 = arith.constant 0 : i32
    %c0_i32_0 = arith.constant 0 : i32
    return %arg0, %c0_i32 : i32, i32
  }
}

</mosaic_0001>

<sc_bundles>
// kernel: kernel.10.cloned.1.call-start
scs
__scs_entry_jumppad:
0x0: {  	(pc) =	sbr.rel $0x88, $3  }
0x1: {  	(tag) =	ssettag $0x0;
	lr =	simm.s32 $0x1  }
0x2: {  	[smem:$0x3F8D] =	sst lr;
	_ =	strace $0xD0000000  }
0x3: {  	_ = 	snop  }
0x4: {  	_ = 	snop  }
0x5: {  	_ = 	snop  }
0x6: {  	_ = 	snop  }
0x7: {  	_ = 	snop  }
__scs_overlays_trampoline_lowered:
0x8: {  	[smem:$0x3F9C] =	sst s0  }
0x9: {  	[smem:$0x3F9D] =	sst s1  }
0xa: {  	[smem:$0x3F9E] =	sst s2  }
0xb: {  	[smem:$0x3F9F] =	sst s3  }
0xc: {  	[smem:$0x3FA0] =	sst s4  }
0xd: {  	[smem:$0x3FA1] =	sst s5  }
0xe: {  	[smem:$0x3FA2] =	sst s6  }
0xf: {  	[smem:$0x3FA3] =	sst s7  }
0x10: {  	[smem:$0x3FA4] =	sst s8  }
0x11: {  	[smem:$0x3FA5] =	sst s9;
	s0 =	simm.s32 @!p0 $0x0  }
0x12: {  	s1 =	sld [smem:$0x3F8B];
	s0 =	simm.s32 @p0 $0x1  }
0x13: {  	[smem:$0x3FA6] =	sst s0;
	s0 =	simm.s32 @!p1 $0x0  }
0x14: {  	s2 =	sld [smem:$0x3F8A];
	s0 =	simm.s32 @p1 $0x1  }
0x15: {  	[smem:$0x3FA7] =	sst s0;
	s0 =	simm.s32 @!p2 $0x0  }
0x16: {  	s3 =	sld [smem:$0x3FDB];
	s0 =	simm.s32 @p2 $0x1  }
0x17: {  	s4 =	simm.s32 $0x1BF5;
	[smem:$0x3FA9] =	sst s0  }
0x18: {  	s0 =	sld [smem:$0x3F8C];
	_ =	swait.ge [sflag:s4], $0x0  }
0x19: {  	s7 =	sld [smem:$0x3F8D]  }
0x1a: {  	s8 =	sadd.s32 $0xFFFFE003, lr  }
0x1b: {  	s9 =	sadd.s32 $0xFFFFFEF7, lr;
	s5 =	simm.s32 $0xFFFFFFFF;
	p2 =	slt.u32 s8, $0xFFFFF086  }
0x1c: {  	p1 =	slt.u32 s9, $0xF7A;
	s5 =	simm.s32 @!p2 $0x0  }
0x1d: {  	s5 =	simm.s32 @p1 $0x1;
	p0 =	seq.s32 s7, s2  }
0x1e: {  	s7 =	smul.u32 @!p0 $0xF7A, s2;
	p2 =	seq.s32 @!p0 s5, $0x0  }
0x1f: {  	s9 =	smul.u32 $0xF7A, s1;
	s8 =	simm.s32 @!p0 $0x1BF5;
	p2 =	por !p2, p0  }
0x20: {  	[sflag:s8] =	ssyncset.s32 @!p0 $0xFFFFF086;
	s6 =	sadd.s32 @!p0 s3, s7;
	s7 =	simm.s32 @!p0 $0x108  }
0x21: {  	s3 =	sadd.s32 s3, s9;
	s6 =	sadd.s32 @!p0 $0x88, s6;
	s7 =	simm.s32 @p2 $0x1082  }
0x22: {  	[simem:s7], [sflag:s8] =	dma.local @!p0 [hbm:s6], $0xF7A  }
0x23: {  	s9 =	sor.u32 $0xD0000000, s2;
	s6 =	simm.s32 $0x108;
	_ =	swait.ge @!p0 [sflag:s8], $0x0  }
0x24: {  	s3 =	sadd.s32 $0x88, s3;
	s6 =	simm.s32 @!p1 $0x1082;
	[sflag:s4] =	ssyncset.s32 $0xFFFFF086  }
0x25: {  	[simem:s6], [sflag:s4] =	dma.local [hbm:s3], $0xF7A  }
0x26: {  	[smem:$0x3F8D] =	sst s1;
	(tag) =	ssettag s2;
	_ =	strace s9  }
0x27: {  	s1 =	sld [smem:$0x3F9D]  }
0x28: {  	s2 =	sld [smem:$0x3F9E]  }
0x29: {  	s4 =	sld [smem:$0x3FA0]  }
0x2a: {  	p0 =	seq.s32 s5, $0x0;
	s5 =	sld [smem:$0x3FA1]  }
0x2b: {  	s6 =	sld [smem:$0x3FA2]  }
0x2c: {  	s7 =	sld [smem:$0x3FA3]  }
0x2d: {  	s3 =	simm.s32 $0x108;
	s8 =	sld [smem:$0x3FA4]  }
0x2e: {  	s3 =	simm.s32 @!p0 $0x1082;
	s9 =	sld [smem:$0x3FA5]  }
0x2f: {  	lr =	sadd.s32 s0, s3;
	s0 =	sld [smem:$0x3F9C]  }
0x30: {  	s3 =	sld [smem:$0x3F9F]  }
0x31: {  	[smem:$0x3FA8] =	sst s10  }
0x32: {  	s10 =	sld [smem:$0x3FA6];
	_ =	sdelay $0x3  }
0x33: {  	p0 =	seq.s32 s10, $0x1;
	s10 =	sld [smem:$0x3FA8];
	_ =	sdelay $0x3  }
0x34: {  	[smem:$0x3FA8] =	sst s10  }
0x35: {  	s10 =	sld [smem:$0x3FA7];
	_ =	sdelay $0x3  }
0x36: {  	p1 =	seq.s32 s10, $0x1;
	s10 =	sld [smem:$0x3FA8];
	_ =	sdelay $0x3  }
0x37: {  	[smem:$0x3FA8] =	sst s10  }
0x38: {  	s10 =	sld [smem:$0x3FA9]  }
0x39: {  	_ = 	snop;
	(pc) =	sbr.ind lr, $3  }
0x3a: {  	_ = 	snop  }
0x3b: {  	_ = 	snop  }
0x3c: {  	p2 =	seq.s32 s10, $0x1;
	s10 =	sld [smem:$0x3FA8]  }
0x3d: {  	_ =	shalt  }
0x3e: {  	_ =	shalt  }
0x3f: {  	_ =	shalt  }
0x40: {  	_ =	shalt  }
0x41: {  	_ =	shalt  }
0x42: {  	_ =	shalt  }
0x43: {  	_ =	shalt  }
0x44: {  	_ =	shalt  }
0x45: {  	_ =	shalt  }
0x46: {  	_ =	shalt  }
0x47: {  	_ =	shalt  }
0x48: {  	_ =	shalt  }
0x49: {  	_ =	shalt  }
0x4a: {  	_ =	shalt  }
0x4b: {  	_ =	shalt  }
0x4c: {  	_ =	shalt  }
0x4d: {  	_ =	shalt  }
0x4e: {  	_ =	shalt  }
0x4f: {  	_ =	shalt  }
0x50: {  	_ =	shalt  }
0x51: {  	_ =	shalt  }
0x52: {  	_ =	shalt  }
0x53: {  	_ =	shalt  }
0x54: {  	_ =	shalt  }
0x55: {  	_ =	shalt  }
0x56: {  	_ =	shalt  }
0x57: {  	_ =	shalt  }
0x58: {  	_ =	shalt  }
0x59: {  	_ =	shalt  }
0x5a: {  	_ =	shalt  }
0x5b: {  	_ =	shalt  }
0x5c: {  	_ =	shalt  }
0x5d: {  	_ =	shalt  }
0x5e: {  	_ =	shalt  }
0x5f: {  	_ =	shalt  }
0x60: {  	_ =	shalt  }
0x61: {  	_ =	shalt  }
0x62: {  	_ =	shalt  }
0x63: {  	_ =	shalt  }
0x64: {  	_ =	shalt  }
0x65: {  	_ =	shalt  }
0x66: {  	_ =	shalt  }
0x67: {  	_ =	shalt  }
0x68: {  	_ =	shalt  }
0x69: {  	_ =	shalt  }
0x6a: {  	_ =	shalt  }
0x6b: {  	_ =	shalt  }
0x6c: {  	_ =	shalt  }
0x6d: {  	_ =	shalt  }
0x6e: {  	_ =	shalt  }
0x6f: {  	_ =	shalt  }
0x70: {  	_ =	shalt  }
0x71: {  	_ =	shalt  }
0x72: {  	_ =	shalt  }
0x73: {  	_ =	shalt  }
0x74: {  	_ =	shalt  }
0x75: {  	_ =	shalt  }
0x76: {  	_ =	shalt  }
0x77: {  	_ =	shalt  }
0x78: {  	_ =	shalt  }
0x79: {  	_ =	shalt  }
0x7a: {  	_ =	shalt  }
0x7b: {  	_ =	shalt  }
0x7c: {  	_ =	shalt  }
0x7d: {  	_ =	shalt  }
0x7e: {  	_ =	shalt  }
0x7f: {  	_ =	shalt  }
0x80: {  	_ =	shalt  }
0x81: {  	_ =	shalt  }
0x82: {  	_ =	shalt  }
0x83: {  	_ =	shalt  }
0x84: {  	_ =	shalt  }
0x85: {  	_ =	shalt  }
0x86: {  	_ =	shalt  }
0x87: {  	_ =	shalt  }
.Lfunc_end0:
.L_simem_size_0:
called_computation_lowered:
.L_overlay_start_0:
0x88: {  	s2 =	sld [smem:$0x3FD9]  }
0x89: {  	s3 =	sld [smem:$0x3FFE];
	_ =	sdelay $0x1  }
0x8a: {  	s1 =	srdreg.scid  }
0x8b: {  	s0 =	sand.u32 $0x1, s1  }
0x8c: {  	s14 =	sshll.u32 s0, $0xA;
	s2 =	sadd.s32 s3, s2  }
0x8d: {  	s2 =	sadd.s32 s2, s14  }
0x8e: {  	[smem:$0x3FB4] =	sst s2  }
0x8f: {  	_ = 	snop  }
0x90: {  	s2 =	sld [smem:$0x3FD0];
	_ =	sdelay $0x2  }
0x91: {  	s15 =	simm.s32 $0xB;
	s4 =	simm.s32 $0x10  }
0x92: {  	[smem:s4], [sflag:s15] =	dma.local [hbm:s2], $0x1  }
0x93: {  	_ =	swait.eq [sflag:s15], $0x1  }
0x94: {  	[sflag:s15] =	ssyncset.done $0x0  }
0x95: {  	[sflag:s15] =	ssyncadd.s32 $0xFFFFFFFF  }
0x96: {  	s16 =	sld [smem:$0x12];
	(tm) =	ssettm $0x1  }
0x97: {  	s17 =	sld [smem:$0x3FFB];
	_ =	sdelay $0x3  }
0x98: {  	_ =	strace s17  }
0x99: {  	s3 =	sld [smem:$0x3FFC];
	_ =	sdelay $0x3  }
0x9a: {  	_ =	strace s3  }
0x9b: {  	s3 =	sld [smem:$0x3FFD];
	_ =	sdelay $0x3  }
0x9c: {  	_ =	strace s3  }
0x9d: {  	_ =	strace $0x8FFFFFFF  }
0x9e: {  	s18 =	sld [smem:$0x3FDB];
	_ =	sdelay $0x1  }
0x9f: {  	s19 =	simm.s32 $_scs_section_size  }
0xa0: {  	s5 =	simm.s32 $_size__tile_overlayer_lowered;
	s6 =	simm.s32 $_tile_overlayer_lowered  }
0xa1: {  	s22 =	simm.s32 $0x1BFF;
	s21 =	sshll.u32 s6, $0x1;
	s3 =	sadd.s32 s19, s18  }
0xa2: {  	s7 =	simm.s32 $0x0;
	s20 =	sshll.u32 s5, $0x1;
	s5 =	sadd.s32 s21, s3  }
0xa3: {  	[timem:s7], [sflag:s22] =	dma.local [hbm:s5], s20  }
0xa4: {  	_ =	swait.ge [sflag:s22], s20  }
0xa5: {  	s4 =	ssub.s32 $0x0, s20;
	[sflag:s22] =	ssyncset.done $0x0  }
0xa6: {  	[sflag:s22] =	ssyncadd.s32 s4;
	_ =	sdelay $0x1  }
0xa7: {  	s23 =	simm.s32 $0x1B8B  }
0xa8: {  	_ =	swait.ge [sflag:s23], $0x1  }
0xa9: {  	[sflag:s23] =	ssyncset.done $0x0  }
0xaa: {  	s25 =	simm.s32 $0x1B8E;
	s24 =	sld [smem:$0x3FFE];
	[sflag:s23] =	ssyncadd.s32 $0xFFFFFFFF  }
0xab: {  	s26 =	simm.s32 $execute0_lowered;
	[smem:$0x3FD2] =	sst s25  }
0xac: {  	s5 =	sshll.u32 s26, $0x1;
	_ =	strace $0x80000046;
	[dreg:$0x1] =	wrdreg $0xFFFFFFFF  }
0xad: {  	s28 =	simm.s32 $_size_execute0_lowered;
	s3 =	sadd.s32 s3, s5;
	[dreg:$0x0] =	wrdreg $0x0  }
0xae: {  	s5 =	sshll.u32 s28, $0x1;
	[dreg:$0x2] =	wrdreg s3  }
0xaf: {  	[dreg:$0x3] =	wrdreg s5  }
0xb0: {  	[dreg:$0x4] =	wrdreg $0xC0  }
0xb1: {  	_ =	task [dreg:s7], $0x5FFFF  }
0xb2: {  	[dreg:$0x1] =	wrdreg $0xFFFFFFFF  }
0xb3: {  	[dreg:$0x0] =	wrdreg $0x60  }
0xb4: {  	[dreg:$0x2] =	wrdreg s24  }
0xb5: {  	[dreg:$0x3] =	wrdreg s16  }
0xb6: {  	[dreg:$0x4] =	wrdreg $0x9  }
0xb7: {  	_ =	task.clear_ibuf [dreg:s7], $0x5FFFF;
	_ =	strace $0x90000046  }
0xb8: {  	s29 =	simm.s32 $0x9;
	_ =	strace $0x80000048  }
0xb9: {  	_ =	swait.ge [sflag:s29], $0x1  }
0xba: {  	[sflag:s29] =	ssyncadd.s32 $0xFFFFFFFF  }
0xbb: {  	_ =	strace $0x90000048  }
0xbc: {  	_ =	sfence  }
0xbd: {  	s30 =	sld [smem:$0x0];
	_ =	sdelay $0x2  }
0xbe: {  	s31 =	sshll.u32 s1, $0xD;
	s1 =	sshrl.u32 s1, $0x2  }
0xbf: {  	s3 =	sand.u32 $0x4000, s31;
	s1 =	sadd.s32 s1, s30  }
0xc0: {  	s0 =	sor.u32 s3, s0;
	s1 =	sshll.u32 s1, $0x11  }
0xc1: {  	s0 =	sor.u32 s1, s0  }
0xc2: {  	s0 =	sadd.s32 $0x8F2B, s0  }
0xc3: {  	[sflag:s0] =	ssyncadd.remote.s32 $0x1  }
0xc4: {  	_ =	sfence.sel $0xFFFF  }
0xc5: {  	[dreg:$0x0] =	wrdreg $0xFFFFFFFF;
	(pc) =	sbr.abs _section_cstart, $3  }
0xc6: {  	[dreg:$0x1] =	wrdreg $0xFFFFFFFF  }
0xc7: {  	_ =	task.clear_ibuf [dreg:s7], $0x2FFFF;
	_ =	strace $0x9FFFFFFF  }
0xc8: {  	(tm) =	ssettm $0x7FFFFFFF  }
0xc9: {  	_ =	shalt  }
tec
execute0_lowered:
.L_overlay_start_1:
0x0: {  	(tag) =	ssettag $0x1  }
0x1: {  	s0 =	rddreg [dreg:$0x0]  }
0x2: {  	s2 =	rddreg [dreg:$0x1];
	s1 =	srdreg.scid  }
0x3: {  	s3 =	stileid.u32;
	s4 =	simm.s32 $0x0;
	s13 =	simm.s32 $0x3  }
0x4: {  	s15 =	simm.s32 $0x100;
	s10 =	simm.s32 $0x9900;
	s11 =	simm.s32 $0xA100  }
0x5: {  	s12 =	simm.s32 $0xA900;
	s14 =	simm.s32 $0xB900;
	s16 =	simm.s32 $0xC100  }
0x6: {  	s17 =	simm.s32 $0xC900;
	s18 =	simm.s32 $0xD100;
	s19 =	simm.s32 $0xD900  }
0x7: {  	s20 =	simm.s32 $0xE100;
	s21 =	simm.s32 $0xE900;
	s22 =	simm.s32 $0xF100  }
0x8: {  	s23 =	simm.s32 $0xF900;
	s1 =	sand.u32 $0x1, s1;
	s3 =	sshll.u32 s3, $0x1  }
0x9: {  	s24 =	simm.s32 $0x1;
	s25 =	simm.s32 $0x2;
	s3 =	sor.u32 s1, s3  }
0xa: {  	[smem:$0x7FF] =	sst s4;
	s1 =	ssub.s32 $0x2, s1;
	s4 =	smul.u32 $0x2710, s3  }
0xb: {  	s5 =	sadd.s32 $0x17E00, s0;
	s6 =	sadd.s32 $0xE000, s0;
	s26 =	sshrl.u32 s1, $0x1  }
0xc: {  	s7 =	sadd.s32 $0x4200, s0;
	s28 =	ssub.s32 s1, s26;
	s9 =	sadd.s32 $0x2700, s4  }
0xd: {  	s8 =	sadd.s32 $0x66000, s0;
	s0 =	smax.u32 s28, $0x1;
	s29 =	sshrl.u32 s9, $0x3  }
0xe: {  	_ =	strace $0x80000047;
	[dreg:$0x6] =	wrdreg s0;
	s30 =	sadd.s32 s6, s29  }
0xf: {  	v2 =	vlaneseq.u32;
	s31 =	sshll.u32 s9, $0x5;
	s1 =	sadd.s32 s7, s29;
	[dreg:$0x3] =	wrdreg s30  }
0x10: {  	vm0 =	vmmov $0xffff;
	v1 =	vshrl.u32 v2, $0x3;
	s3 =	simm.s32 $0xB100;
	[dreg:$0x4] =	wrdreg s1;
	s1 =	sadd.s32 s8, s31  }
0x11: {  	v0 =	vand.u32 $0x7, v2;
	v2 =	vor.u32 $0x8, v2;
	v1 =	vmul.u32 $0x8, v1;
	s9 =	simm.s32 $0x9100;
	[dreg:$0x5] =	wrdreg s1;
	s1 =	simm.s32 $0x0  }
.LBB2_1:
0x12: {  	[dreg:$0x7] =	wrdreg s1;
	s26 =	simm.s32 $0x0  }
.LBB2_2:
0x13: {  	s28 =	sshll.u32 s26, $0x7  }
0x14: {  	s28 =	sadd.s32 s4, s28  }
0x15: {  	s30 =	sshrl.u32 s28, $0x3  }
0x16: {  	s29 =	simm.s32 $0x0;
	s31 =	sadd.s32 s6, s30  }
0x17: {  	[tilespmem:s29], [sflag:$0x3] =	stream.linear.gather [hbm4b:s31+s29], $0x80, $0x38;
	[tilespmem:$0x12200] =	vst v63  }
0x18: {  	_ =	swait.ge [sflag:s13], $0x80  }
0x19: {  	[sflag:s13] =	ssyncset.done $0x0  }
0x1a: {  	s0 =	simm.s32 $0x80;
	s30 =	sadd.s32 s7, s30;
	[sflag:s13] =	ssyncadd.s32 $0xFFFFFF80  }
0x1b: {  	[tilespmem:s0], [sflag:$0x3] =	stream.linear.gather [hbm4b:s30+s29], $0x80, $0x38;
	[tilespmem:$0x12200] =	vst v63  }
0x1c: {  	_ =	swait.ge [sflag:s13], $0x80  }
0x1d: {  	[sflag:s13] =	ssyncset.done $0x0  }
0x1e: {  	[sflag:s13] =	ssyncadd.s32 $0xFFFFFF80  }
0x1f: {  	v3 =	vld [tilespmem:$0x0];
	_ =	sdelay $0x4  }
0x20: {  	v4 =	vshll.u32 v3, $0x1  }
0x21: {  	v3 =	vand.u32 $0x7, v3;
	v4 =	vand.u32 $0xFFFFFFF0, v4  }
0x22: {  	v3 =	vor.u32 v3, v4  }
0x23: {  	v4 =	vperm.xlane v3, v0;
	_ =	sdelay $0x1  }
0x24: {  	v3 =	vperm.xlane v3, v2;
	v4 =	vadd.s32 v1, v4;
	_ =	sdelay $0x1  }
0x25: {  	v3 =	vadd.s32 v1, v3;
	_ =	sdelay $0x2  }
0x26: {  	[tilespmem:s15], [sflag:$0x1] =	stream.indirect_vreg.gather [hbm4b:s5+s29], $0x80, v4, vm0, $0xb8;
	[tilespmem:$0x12200] =	vst v63  }
0x27: {  	s1 =	simm.s32 $0x900  }
0x28: {  	[tilespmem:s1], [sflag:$0x1] =	stream.indirect_vreg.gather [hbm4b:s5+s29], $0x80, v3, vm0, $0xb8;
	[tilespmem:$0x12200] =	vst v63  }
0x29: {  	v3 =	vld [tilespmem:$0x10];
	_ =	sdelay $0x4  }
0x2a: {  	v4 =	vshll.u32 v3, $0x1  }
0x2b: {  	v3 =	vand.u32 $0x7, v3;
	v4 =	vand.u32 $0xFFFFFFF0, v4  }
0x2c: {  	v3 =	vor.u32 v3, v4  }
0x2d: {  	v4 =	vperm.xlane v3, v0;
	_ =	sdelay $0x1  }
0x2e: {  	v3 =	vperm.xlane v3, v2;
	v4 =	vadd.s32 v1, v4;
	_ =	sdelay $0x1  }
0x2f: {  	v3 =	vadd.s32 v1, v3;
	_ =	sdelay $0x1  }
0x30: {  	s1 =	simm.s32 $0x1100  }
0x31: {  	[tilespmem:s1], [sflag:$0x1] =	stream.indirect_vreg.gather [hbm4b:s5+s29], $0x80, v4, vm0, $0xb8;
	[tilespmem:$0x12200] =	vst v63  }
0x32: {  	s1 =	simm.s32 $0x1900  }
0x33: {  	[tilespmem:s1], [sflag:$0x1] =	stream.indirect_vreg.gather [hbm4b:s5+s29], $0x80, v3, vm0, $0xb8;
	[tilespmem:$0x12200] =	vst v63  }
0x34: {  	v3 =	vld [tilespmem:$0x20];
	_ =	sdelay $0x4  }
0x35: {  	v4 =	vshll.u32 v3, $0x1  }
0x36: {  	v3 =	vand.u32 $0x7, v3;
	v4 =	vand.u32 $0xFFFFFFF0, v4  }
0x37: {  	v3 =	vor.u32 v3, v4  }
0x38: {  	v4 =	vperm.xlane v3, v0;
	_ =	sdelay $0x1  }
0x39: {  	v3 =	vperm.xlane v3, v2;
	v4 =	vadd.s32 v1, v4;
	_ =	sdelay $0x1  }
0x3a: {  	v3 =	vadd.s32 v1, v3;
	_ =	sdelay $0x1  }
0x3b: {  	s1 =	simm.s32 $0x2100  }
0x3c: {  	[tilespmem:s1], [sflag:$0x1] =	stream.indirect_vreg.gather [hbm4b:s5+s29], $0x80, v4, vm0, $0xb8;
	[tilespmem:$0x12200] =	vst v63  }
0x3d: {  	s1 =	simm.s32 $0x2900  }
0x3e: {  	[tilespmem:s1], [sflag:$0x1] =	stream.indirect_vreg.gather [hbm4b:s5+s29], $0x80, v3, vm0, $0xb8;
	[tilespmem:$0x12200] =	vst v63  }
0x3f: {  	v3 =	vld [tilespmem:$0x30];
	_ =	sdelay $0x4  }
0x40: {  	v4 =	vshll.u32 v3, $0x1  }
0x41: {  	v3 =	vand.u32 $0x7, v3;
	v4 =	vand.u32 $0xFFFFFFF0, v4  }
0x42: {  	v3 =	vor.u32 v3, v4  }
0x43: {  	v4 =	vperm.xlane v3, v0;
	_ =	sdelay $0x1  }
0x44: {  	v3 =	vperm.xlane v3, v2;
	v4 =	vadd.s32 v1, v4;
	_ =	sdelay $0x1  }
0x45: {  	v3 =	vadd.s32 v1, v3;
	_ =	sdelay $0x1  }
0x46: {  	s1 =	simm.s32 $0x3100  }
0x47: {  	[tilespmem:s1], [sflag:$0x1] =	stream.indirect_vreg.gather [hbm4b:s5+s29], $0x80, v4, vm0, $0xb8;
	[tilespmem:$0x12200] =	vst v63  }
0x48: {  	s1 =	simm.s32 $0x3900  }
0x49: {  	[tilespmem:s1], [sflag:$0x1] =	stream.indirect_vreg.gather [hbm4b:s5+s29], $0x80, v3, vm0, $0xb8;
	[tilespmem:$0x12200] =	vst v63  }
0x4a: {  	v3 =	vld [tilespmem:$0x40];
	_ =	sdelay $0x4  }
0x4b: {  	v4 =	vshll.u32 v3, $0x1  }
0x4c: {  	v3 =	vand.u32 $0x7, v3;
	v4 =	vand.u32 $0xFFFFFFF0, v4  }
0x4d: {  	v3 =	vor.u32 v3, v4  }
0x4e: {  	v4 =	vperm.xlane v3, v0;
	_ =	sdelay $0x1  }
0x4f: {  	v3 =	vperm.xlane v3, v2;
	v4 =	vadd.s32 v1, v4;
	_ =	sdelay $0x1  }
0x50: {  	v3 =	vadd.s32 v1, v3;
	_ =	sdelay $0x1  }
0x51: {  	s1 =	simm.s32 $0x4100  }
0x52: {  	[tilespmem:s1], [sflag:$0x1] =	stream.indirect_vreg.gather [hbm4b:s5+s29], $0x80, v4, vm0, $0xb8;
	[tilespmem:$0x12200] =	vst v63  }
0x53: {  	s1 =	simm.s32 $0x4900  }
0x54: {  	[tilespmem:s1], [sflag:$0x1] =	stream.indirect_vreg.gather [hbm4b:s5+s29], $0x80, v3, vm0, $0xb8;
	[tilespmem:$0x12200] =	vst v63  }
0x55: {  	v3 =	vld [tilespmem:$0x50];
	_ =	sdelay $0x4  }
0x56: {  	v4 =	vshll.u32 v3, $0x1  }
0x57: {  	v3 =	vand.u32 $0x7, v3;
	v4 =	vand.u32 $0xFFFFFFF0, v4  }
0x58: {  	v3 =	vor.u32 v3, v4  }
0x59: {  	v4 =	vperm.xlane v3, v0;
	_ =	sdelay $0x1  }
0x5a: {  	v3 =	vperm.xlane v3, v2;
	v4 =	vadd.s32 v1, v4;
	_ =	sdelay $0x1  }
0x5b: {  	v3 =	vadd.s32 v1, v3;
	_ =	sdelay $0x1  }
0x5c: {  	s1 =	simm.s32 $0x5100  }
0x5d: {  	[tilespmem:s1], [sflag:$0x1] =	stream.indirect_vreg.gather [hbm4b:s5+s29], $0x80, v4, vm0, $0xb8;
	[tilespmem:$0x12200] =	vst v63  }
0x5e: {  	s1 =	simm.s32 $0x5900  }
0x5f: {  	[tilespmem:s1], [sflag:$0x1] =	stream.indirect_vreg.gather [hbm4b:s5+s29], $0x80, v3, vm0, $0xb8;
	[tilespmem:$0x12200] =	vst v63  }
0x60: {  	v3 =	vld [tilespmem:$0x60];
	_ =	sdelay $0x4  }
0x61: {  	v4 =	vshll.u32 v3, $0x1  }
0x62: {  	v3 =	vand.u32 $0x7, v3;
	v4 =	vand.u32 $0xFFFFFFF0, v4  }
0x63: {  	v3 =	vor.u32 v3, v4  }
0x64: {  	v4 =	vperm.xlane v3, v0;
	_ =	sdelay $0x1  }
0x65: {  	v3 =	vperm.xlane v3, v2;
	v4 =	vadd.s32 v1, v4;
	_ =	sdelay $0x1  }
0x66: {  	v3 =	vadd.s32 v1, v3;
	_ =	sdelay $0x1  }
0x67: {  	s1 =	simm.s32 $0x6100  }
0x68: {  	[tilespmem:s1], [sflag:$0x1] =	stream.indirect_vreg.gather [hbm4b:s5+s29], $0x80, v4, vm0, $0xb8;
	[tilespmem:$0x12200] =	vst v63  }
0x69: {  	s1 =	simm.s32 $0x6900  }
0x6a: {  	[tilespmem:s1], [sflag:$0x1] =	stream.indirect_vreg.gather [hbm4b:s5+s29], $0x80, v3, vm0, $0xb8;
	[tilespmem:$0x12200] =	vst v63  }
0x6b: {  	v3 =	vld [tilespmem:$0x70];
	_ =	sdelay $0x4  }
0x6c: {  	v4 =	vshll.u32 v3, $0x1  }
0x6d: {  	v3 =	vand.u32 $0x7, v3;
	v4 =	vand.u32 $0xFFFFFFF0, v4  }
0x6e: {  	v3 =	vor.u32 v3, v4  }
0x6f: {  	v4 =	vperm.xlane v3, v0;
	_ =	sdelay $0x1  }
0x70: {  	v3 =	vperm.xlane v3, v2;
	v4 =	vadd.s32 v1, v4;
	_ =	sdelay $0x1  }
0x71: {  	v3 =	vadd.s32 v1, v3;
	_ =	sdelay $0x1  }
0x72: {  	s1 =	simm.s32 $0x7100  }
0x73: {  	[tilespmem:s1], [sflag:$0x1] =	stream.indirect_vreg.gather [hbm4b:s5+s29], $0x80, v4, vm0, $0xb8;
	[tilespmem:$0x12200] =	vst v63  }
0x74: {  	s1 =	simm.s32 $0x7900  }
0x75: {  	[tilespmem:s1], [sflag:$0x1] =	stream.indirect_vreg.gather [hbm4b:s5+s29], $0x80, v3, vm0, $0xb8;
	[tilespmem:$0x12200] =	vst v63  }
0x76: {  	v3 =	vld [tilespmem:$0x80];
	_ =	sdelay $0x4  }
0x77: {  	v4 =	vshll.u32 v3, $0x1  }
0x78: {  	v3 =	vand.u32 $0x7, v3;
	v4 =	vand.u32 $0xFFFFFFF0, v4  }
0x79: {  	v3 =	vor.u32 v3, v4  }
0x7a: {  	v4 =	vperm.xlane v3, v0;
	_ =	sdelay $0x1  }
0x7b: {  	v3 =	vperm.xlane v3, v2;
	v4 =	vadd.s32 v1, v4;
	_ =	sdelay $0x1  }
0x7c: {  	v3 =	vadd.s32 v1, v3;
	_ =	sdelay $0x1  }
0x7d: {  	s1 =	simm.s32 $0x8100  }
0x7e: {  	[tilespmem:s1], [sflag:$0x2] =	stream.indirect_vreg.gather [hbm4b:s2+s29], $0x80, v4, vm0, $0xb8;
	[tilespmem:$0x12200] =	vst v63  }
0x7f: {  	s1 =	simm.s32 $0x8900  }
0x80: {  	[tilespmem:s1], [sflag:$0x2] =	stream.indirect_vreg.gather [hbm4b:s2+s29], $0x80, v3, vm0, $0xb8;
	[tilespmem:$0x12200] =	vst v63  }
0x81: {  	v3 =	vld [tilespmem:$0x90];
	_ =	sdelay $0x4  }
0x82: {  	v4 =	vshll.u32 v3, $0x1  }
0x83: {  	v3 =	vand.u32 $0x7, v3;
	v4 =	vand.u32 $0xFFFFFFF0, v4  }
0x84: {  	v3 =	vor.u32 v3, v4  }
0x85: {  	v4 =	vperm.xlane v3, v0;
	_ =	sdelay $0x1  }
0x86: {  	v3 =	vperm.xlane v3, v2;
	v4 =	vadd.s32 v1, v4;
	_ =	sdelay $0x1  }
0x87: {  	v3 =	vadd.s32 v1, v3;
	_ =	sdelay $0x2  }
0x88: {  	[tilespmem:s9], [sflag:$0x2] =	stream.indirect_vreg.gather [hbm4b:s2+s29], $0x80, v4, vm0, $0xb8;
	[tilespmem:$0x12200] =	vst v63  }
0x89: {  	_ = 	snop  }
0x8a: {  	[tilespmem:s10], [sflag:$0x2] =	stream.indirect_vreg.gather [hbm4b:s2+s29], $0x80, v3, vm0, $0xb8;
	[tilespmem:$0x12200] =	vst v63  }
0x8b: {  	v3 =	vld [tilespmem:$0xA0];
	_ =	sdelay $0x4  }
0x8c: {  	v4 =	vshll.u32 v3, $0x1  }
0x8d: {  	v3 =	vand.u32 $0x7, v3;
	v4 =	vand.u32 $0xFFFFFFF0, v4  }
0x8e: {  	v3 =	vor.u32 v3, v4  }
0x8f: {  	v4 =	vperm.xlane v3, v0;
	_ =	sdelay $0x1  }
0x90: {  	v3 =	vperm.xlane v3, v2;
	v4 =	vadd.s32 v1, v4;
	_ =	sdelay $0x1  }
0x91: {  	v3 =	vadd.s32 v1, v3;
	_ =	sdelay $0x2  }
0x92: {  	[tilespmem:s11], [sflag:$0x2] =	stream.indirect_vreg.gather [hbm4b:s2+s29], $0x80, v4, vm0, $0xb8;
	[tilespmem:$0x12200] =	vst v63  }
0x93: {  	_ = 	snop  }
0x94: {  	[tilespmem:s12], [sflag:$0x2] =	stream.indirect_vreg.gather [hbm4b:s2+s29], $0x80, v3, vm0, $0xb8;
	[tilespmem:$0x12200] =	vst v63  }
0x95: {  	v3 =	vld [tilespmem:$0xB0];
	_ =	sdelay $0x4  }
0x96: {  	v4 =	vshll.u32 v3, $0x1  }
0x97: {  	v3 =	vand.u32 $0x7, v3;
	v4 =	vand.u32 $0xFFFFFFF0, v4  }
0x98: {  	v3 =	vor.u32 v3, v4  }
0x99: {  	v4 =	vperm.xlane v3, v0;
	_ =	sdelay $0x1  }
0x9a: {  	v3 =	vperm.xlane v3, v2;
	v4 =	vadd.s32 v1, v4;
	_ =	sdelay $0x1  }
0x9b: {  	v3 =	vadd.s32 v1, v3;
	_ =	sdelay $0x2  }
0x9c: {  	[tilespmem:s3], [sflag:$0x2] =	stream.indirect_vreg.gather [hbm4b:s2+s29], $0x80, v4, vm0, $0xb8;
	[tilespmem:$0x12200] =	vst v63  }
0x9d: {  	_ = 	snop  }
0x9e: {  	[tilespmem:s14], [sflag:$0x2] =	stream.indirect_vreg.gather [hbm4b:s2+s29], $0x80, v3, vm0, $0xb8;
	[tilespmem:$0x12200] =	vst v63  }
0x9f: {  	v3 =	vld [tilespmem:$0xC0];
	_ =	sdelay $0x4  }
0xa0: {  	v4 =	vshll.u32 v3, $0x1  }
0xa1: {  	v3 =	vand.u32 $0x7, v3;
	v4 =	vand.u32 $0xFFFFFFF0, v4  }
0xa2: {  	v3 =	vor.u32 v3, v4  }
0xa3: {  	v4 =	vperm.xlane v3, v0;
	_ =	sdelay $0x1  }
0xa4: {  	v3 =	vperm.xlane v3, v2;
	v4 =	vadd.s32 v1, v4;
	_ =	sdelay $0x1  }
0xa5: {  	v3 =	vadd.s32 v1, v3;
	_ =	sdelay $0x2  }
0xa6: {  	[tilespmem:s16], [sflag:$0x2] =	stream.indirect_vreg.gather [hbm4b:s2+s29], $0x80, v4, vm0, $0xb8;
	[tilespmem:$0x12200] =	vst v63  }
0xa7: {  	_ = 	snop  }
0xa8: {  	[tilespmem:s17], [sflag:$0x2] =	stream.indirect_vreg.gather [hbm4b:s2+s29], $0x80, v3, vm0, $0xb8;
	[tilespmem:$0x12200] =	vst v63  }
0xa9: {  	v3 =	vld [tilespmem:$0xD0];
	_ =	sdelay $0x4  }
0xaa: {  	v4 =	vshll.u32 v3, $0x1  }
0xab: {  	v3 =	vand.u32 $0x7, v3;
	v4 =	vand.u32 $0xFFFFFFF0, v4  }
0xac: {  	v3 =	vor.u32 v3, v4  }
0xad: {  	v4 =	vperm.xlane v3, v0;
	_ =	sdelay $0x1  }
0xae: {  	v3 =	vperm.xlane v3, v2;
	v4 =	vadd.s32 v1, v4;
	_ =	sdelay $0x1  }
0xaf: {  	v3 =	vadd.s32 v1, v3;
	_ =	sdelay $0x2  }
0xb0: {  	[tilespmem:s18], [sflag:$0x2] =	stream.indirect_vreg.gather [hbm4b:s2+s29], $0x80, v4, vm0, $0xb8;
	[tilespmem:$0x12200] =	vst v63  }
0xb1: {  	_ = 	snop  }
0xb2: {  	[tilespmem:s19], [sflag:$0x2] =	stream.indirect_vreg.gather [hbm4b:s2+s29], $0x80, v3, vm0, $0xb8;
	[tilespmem:$0x12200] =	vst v63  }
0xb3: {  	v3 =	vld [tilespmem:$0xE0];
	_ =	sdelay $0x4  }
0xb4: {  	v4 =	vshll.u32 v3, $0x1  }
0xb5: {  	v3 =	vand.u32 $0x7, v3;
	v4 =	vand.u32 $0xFFFFFFF0, v4  }
0xb6: {  	v3 =	vor.u32 v3, v4  }
0xb7: {  	v4 =	vperm.xlane v3, v0;
	_ =	sdelay $0x1  }
0xb8: {  	v3 =	vperm.xlane v3, v2;
	v4 =	vadd.s32 v1, v4;
	_ =	sdelay $0x1  }
0xb9: {  	v3 =	vadd.s32 v1, v3;
	_ =	sdelay $0x2  }
0xba: {  	[tilespmem:s20], [sflag:$0x2] =	stream.indirect_vreg.gather [hbm4b:s2+s29], $0x80, v4, vm0, $0xb8;
	[tilespmem:$0x12200] =	vst v63  }
0xbb: {  	_ = 	snop  }
0xbc: {  	[tilespmem:s21], [sflag:$0x2] =	stream.indirect_vreg.gather [hbm4b:s2+s29], $0x80, v3, vm0, $0xb8;
	[tilespmem:$0x12200] =	vst v63  }
0xbd: {  	v3 =	vld [tilespmem:$0xF0];
	_ =	sdelay $0x4  }
0xbe: {  	v4 =	vshll.u32 v3, $0x1  }
0xbf: {  	v3 =	vand.u32 $0x7, v3;
	v4 =	vand.u32 $0xFFFFFFF0, v4  }
0xc0: {  	v3 =	vor.u32 v3, v4  }
0xc1: {  	v4 =	vperm.xlane v3, v0;
	_ =	sdelay $0x1  }
0xc2: {  	v3 =	vperm.xlane v3, v2;
	v4 =	vadd.s32 v1, v4;
	_ =	sdelay $0x1  }
0xc3: {  	v3 =	vadd.s32 v1, v3;
	_ =	sdelay $0x2  }
0xc4: {  	[tilespmem:s22], [sflag:$0x2] =	stream.indirect_vreg.gather [hbm4b:s2+s29], $0x80, v4, vm0, $0xb8;
	[tilespmem:$0x12200] =	vst v63  }
0xc5: {  	_ = 	snop  }
0xc6: {  	[tilespmem:s23], [sflag:$0x2] =	stream.indirect_vreg.gather [hbm4b:s2+s29], $0x80, v3, vm0, $0xb8;
	[tilespmem:$0x12200] =	vst v63  }
0xc7: {  	_ =	swait.ge [sflag:s24], $0x8000  }
0xc8: {  	[sflag:s24] =	ssyncset.done $0x0  }
0xc9: {  	[sflag:s24] =	ssyncadd.s32 $0xFFFF8000  }
0xca: {  	_ =	swait.ge [sflag:s25], $0x8000  }
0xcb: {  	s30 =	sand.u32 $0x7800, s29;
	s29 =	sand.u32 $0x380, s29;
	[sflag:s25] =	ssyncset.done $0x0  }
0xcc: {  	s29 =	sor.u32 s29, s30;
	[sflag:s25] =	ssyncadd.s32 $0xFFFF8000  }
0xcd: {  	v11 =	vld [tilespmem:s29+$0x8100]  }
0xce: {  	v15 =	vld [tilespmem:s29+$0x8110]  }
0xcf: {  	v9 =	vld [tilespmem:s29+$0x8120]  }
0xd0: {  	v8 =	vld [tilespmem:s29+$0x8130]  }
0xd1: {  	v7 =	vld [tilespmem:s29+$0x8140]  }
0xd2: {  	v6 =	vld [tilespmem:s29+$0x8150]  }
0xd3: {  	v5 =	vld [tilespmem:s29+$0x8160]  }
0xd4: {  	v4 =	vld [tilespmem:s29+$0x8170]  }
0xd5: {  	v3 =	vld [tilespmem:s29+$0x8500]  }
0xd6: {  	v16 =	vld [tilespmem:s29+$0x100]  }
0xd7: {  	v17 =	vld [tilespmem:s29+$0x110]  }
0xd8: {  	v14 =	vld [tilespmem:s29+$0x120]  }
0xd9: {  	v13 =	vld [tilespmem:s29+$0x130]  }
0xda: {  	v12 =	vld [tilespmem:s29+$0x140]  }
0xdb: {  	v10 =	vld [tilespmem:s29+$0x150];
	v16 =	vadd.f32 v11, v16  }
0xdc: {  	s31 =	simm.s32 $0x100;
	s30 =	simm.s32 $0x80;
	v15 =	vadd.f32 v15, v17;
	v11 =	vld [tilespmem:s29+$0x160]  }
.LBB2_3:
0xdd: {  	s0 =	sand.u32 $0x7800, s31;
	s1 =	sand.u32 $0x380, s30;
	p0 =	sne.s32 s31, $0x7F00;
	[tilespmem:s29+$0x100] =	vst v16;
	v9 =	vadd.f32 v9, v14;
	v14 =	vld [tilespmem:s29+$0x170]  }
0xde: {  	s0 =	sor.u32 s1, s0;
	[tilespmem:s29+$0x110] =	vst v15;
	v8 =	vadd.f32 v8, v13;
	v13 =	vld [tilespmem:s29+$0x500]  }
0xdf: {  	v15 =	vld [tilespmem:s0+$0x8100];
	[tilespmem:s29+$0x120] =	vst v9;
	v7 =	vadd.f32 v7, v12  }
0xe0: {  	v17 =	vld [tilespmem:s0+$0x8110];
	[tilespmem:s29+$0x130] =	vst v8;
	v6 =	vadd.f32 v6, v10  }
0xe1: {  	v9 =	vld [tilespmem:s0+$0x8120];
	[tilespmem:s29+$0x140] =	vst v7;
	v5 =	vadd.f32 v5, v11  }
0xe2: {  	v8 =	vld [tilespmem:s0+$0x8130];
	[tilespmem:s29+$0x150] =	vst v6;
	v4 =	vadd.f32 v4, v14  }
0xe3: {  	v7 =	vld [tilespmem:s0+$0x8140];
	[tilespmem:s29+$0x160] =	vst v5;
	v3 =	vadd.f32 v3, v13  }
0xe4: {  	v6 =	vld [tilespmem:s0+$0x8150];
	[tilespmem:s29+$0x170] =	vst v4  }
0xe5: {  	v5 =	vld [tilespmem:s0+$0x8160];
	[tilespmem:s29+$0x500] =	vst v3;
	s29 =	smov.u32 s0  }
0xe6: {  	v4 =	vld [tilespmem:s29+$0x8170]  }
0xe7: {  	v3 =	vld [tilespmem:s29+$0x8500]  }
0xe8: {  	v10 =	vld [tilespmem:s29+$0x100]  }
0xe9: {  	v11 =	vld [tilespmem:s29+$0x110]  }
.Ltmp0:
0xea: {  	v14 =	vld [tilespmem:s29+$0x120];
	(pc) =	sbr.rel @p0 .LBB2_3-.Ltmp0, $4  }
0xeb: {  	v13 =	vld [tilespmem:s29+$0x130]  }
0xec: {  	v12 =	vld [tilespmem:s29+$0x140]  }
0xed: {  	v16 =	vadd.f32 v15, v10;
	v10 =	vld [tilespmem:s29+$0x150]  }
0xee: {  	s30 =	sadd.s32 $0x80, s30;
	s31 =	sadd.s32 $0x100, s31;
	v15 =	vadd.f32 v17, v11;
	v11 =	vld [tilespmem:s29+$0x160]  }
0xef: {  	[tilespmem:s29+$0x100] =	vst v16;
	v9 =	vadd.f32 v9, v14;
	v62 =	vld [tilespmem:s29+$0x170]  }
0xf0: {  	v63 =	vld [tilespmem:s29+$0x500];
	[tilespmem:s29+$0x110] =	vst v15;
	v8 =	vadd.f32 v8, v13  }
0xf1: {  	[tilespmem:s29+$0x120] =	vst v9;
	v7 =	vadd.f32 v7, v12  }
0xf2: {  	[tilespmem:s29+$0x130] =	vst v8;
	v6 =	vadd.f32 v6, v10  }
0xf3: {  	[tilespmem:s29+$0x140] =	vst v7;
	v5 =	vadd.f32 v5, v11  }
0xf4: {  	[tilespmem:s29+$0x150] =	vst v6;
	v4 =	vadd.f32 v4, v62  }
0xf5: {  	s26 =	sadd.s32 $0x1, s26;
	v3 =	vadd.f32 v3, v63;
	[tilespmem:s29+$0x160] =	vst v5  }
0xf6: {  	s0 =	sshll.u32 s28, $0x5;
	p0 =	sne.s32 s26, $0x4E;
	[tilespmem:s29+$0x170] =	vst v4  }
.Ltmp1:
0xf7: {  	s1 =	simm.s32 $0x0;
	s0 =	sadd.s32 s8, s0;
	[tilespmem:s29+$0x500] =	vst v3;
	(pc) =	sbr.rel @p0 .LBB2_2-.Ltmp1, $4  }
0xf8: {  	[hbm4b:s0+s1] =	stream.linear.scatter [tilespmem:s15], [sflag:$0x3], $0x8000, $0x38;
	[tilespmem:$0x12200] =	vst v63  }
0xf9: {  	_ =	swait.ge [sflag:s13], $0x8000  }
0xfa: {  	[sflag:s13] =	ssyncset.done $0x0  }
0xfb: {  	[sflag:s13] =	ssyncadd.s32 $0xFFFF8000  }
0xfc: {  	s26 =	simm.s32 $0x0;
	s0 =	rddreg [dreg:$0x3];
	s1 =	simm.s32 $0x10100  }
0xfd: {  	[tilespmem:s1], [sflag:$0x3] =	stream.linear.gather [hbm4b:s0+s26], $0x10, $0x38;
	[tilespmem:$0x12200] =	vst v63  }
0xfe: {  	_ =	swait.ge [sflag:s13], $0x10  }
0xff: {  	[sflag:s13] =	ssyncset.done $0x0  }
0x100: {  	s1 =	simm.s32 $0x10180;
	s0 =	rddreg [dreg:$0x4];
	[sflag:s13] =	ssyncadd.s32 $0xFFFFFFF0  }
0x101: {  	[tilespmem:s1], [sflag:$0x3] =	stream.linear.gather [hbm4b:s0+s26], $0x10, $0x38;
	[tilespmem:$0x12200] =	vst v63  }
0x102: {  	_ =	swait.ge [sflag:s13], $0x10  }
0x103: {  	[sflag:s13] =	ssyncset.done $0x0  }
0x104: {  	[sflag:s13] =	ssyncadd.s32 $0xFFFFFFF0  }
0x105: {  	v3 =	vld [tilespmem:$0x10100];
	_ =	sdelay $0x4  }
0x106: {  	v4 =	vshll.u32 v3, $0x1  }
0x107: {  	v3 =	vand.u32 $0x7, v3;
	v4 =	vand.u32 $0xFFFFFFF0, v4  }
0x108: {  	v3 =	vor.u32 v3, v4  }
0x109: {  	v4 =	vperm.xlane v3, v0;
	_ =	sdelay $0x1  }
0x10a: {  	v3 =	vperm.xlane v3, v2;
	v4 =	vadd.s32 v1, v4;
	_ =	sdelay $0x1  }
0x10b: {  	v3 =	vadd.s32 v1, v3;
	_ =	sdelay $0x1  }
0x10c: {  	s1 =	simm.s32 $0x10200  }
0x10d: {  	[tilespmem:s1], [sflag:$0x1] =	stream.indirect_vreg.gather [hbm4b:s5+s26], $0x80, v4, vm0, $0xb8;
	[tilespmem:$0x12200] =	vst v63  }
0x10e: {  	s1 =	simm.s32 $0x10A00  }
0x10f: {  	[tilespmem:s1], [sflag:$0x1] =	stream.indirect_vreg.gather [hbm4b:s5+s26], $0x80, v3, vm0, $0xb8;
	[tilespmem:$0x12200] =	vst v63  }
0x110: {  	v3 =	vld [tilespmem:$0x10180];
	_ =	sdelay $0x4  }
0x111: {  	v4 =	vshll.u32 v3, $0x1  }
0x112: {  	v3 =	vand.u32 $0x7, v3;
	v4 =	vand.u32 $0xFFFFFFF0, v4  }
0x113: {  	v3 =	vor.u32 v3, v4  }
0x114: {  	v4 =	vperm.xlane v3, v0;
	_ =	sdelay $0x1  }
0x115: {  	v3 =	vperm.xlane v3, v2;
	v4 =	vadd.s32 v1, v4;
	_ =	sdelay $0x1  }
0x116: {  	v3 =	vadd.s32 v1, v3;
	_ =	sdelay $0x1  }
0x117: {  	s1 =	simm.s32 $0x11200  }
0x118: {  	[tilespmem:s1], [sflag:$0x2] =	stream.indirect_vreg.gather [hbm4b:s2+s26], $0x80, v4, vm0, $0xb8;
	[tilespmem:$0x12200] =	vst v63  }
0x119: {  	s1 =	simm.s32 $0x11A00  }
0x11a: {  	[tilespmem:s1], [sflag:$0x2] =	stream.indirect_vreg.gather [hbm4b:s2+s26], $0x80, v3, vm0, $0xb8;
	[tilespmem:$0x12200] =	vst v63  }
0x11b: {  	_ =	swait.ge [sflag:s24], $0x1000  }
0x11c: {  	[sflag:s24] =	ssyncset.done $0x0  }
0x11d: {  	[sflag:s24] =	ssyncadd.s32 $0xFFFFF000  }
0x11e: {  	_ =	swait.ge [sflag:s25], $0x1000  }
0x11f: {  	s0 =	sand.u32 $0x800, s26;
	s1 =	sand.u32 $0x380, s26;
	[sflag:s25] =	ssyncset.done $0x0  }
0x120: {  	s1 =	sor.u32 s1, s0;
	[sflag:s25] =	ssyncadd.s32 $0xFFFFF000  }
0x121: {  	v3 =	vld [tilespmem:s1+$0x10240]  }
0x122: {  	v4 =	vld [tilespmem:s1+$0x11270]  }
0x123: {  	v5 =	vld [tilespmem:s1+$0x11250]  }
0x124: {  	v6 =	vld [tilespmem:s1+$0x11260]  }
0x125: {  	v7 =	vld [tilespmem:s1+$0x10250]  }
0x126: {  	v8 =	vld [tilespmem:s1+$0x10230]  }
0x127: {  	v9 =	vld [tilespmem:s1+$0x11230]  }
0x128: {  	v10 =	vld [tilespmem:s1+$0x10220]  }
0x129: {  	v11 =	vld [tilespmem:s1+$0x11220]  }
0x12a: {  	v12 =	vld [tilespmem:s1+$0x10210]  }
0x12b: {  	v13 =	vld [tilespmem:s1+$0x11210]  }
0x12c: {  	v14 =	vld [tilespmem:s1+$0x11200]  }
0x12d: {  	v15 =	vld [tilespmem:s1+$0x10270]  }
0x12e: {  	v5 =	vadd.f32 v5, v7;
	v7 =	vld [tilespmem:s1+$0x10260]  }
0x12f: {  	v62 =	vld [tilespmem:s1+$0x10200];
	v8 =	vadd.f32 v9, v8  }
0x130: {  	v63 =	vld [tilespmem:s1+$0x11240];
	v10 =	vadd.f32 v11, v10;
	[tilespmem:s1+$0x10250] =	vst v5  }
0x131: {  	v5 =	vadd.f32 v13, v12;
	[tilespmem:s1+$0x10230] =	vst v8  }
0x132: {  	v4 =	vadd.f32 v4, v15;
	[tilespmem:s1+$0x10220] =	vst v10  }
0x133: {  	[tilespmem:s1+$0x10210] =	vst v5;
	v5 =	vadd.f32 v6, v7  }
0x134: {  	[tilespmem:s1+$0x10270] =	vst v4;
	v6 =	vadd.f32 v14, v62  }
0x135: {  	s0 =	sor.u32 s0, s26;
	v3 =	vadd.f32 v63, v3;
	[tilespmem:s1+$0x10260] =	vst v5  }
0x136: {  	s29 =	simm.s32 $0x80;
	s26 =	simm.s32 $0x100;
	s31 =	sor.u32 $0x400, s0;
	[tilespmem:s1+$0x10200] =	vst v6  }
0x137: {  	s0 =	sand.u32 $0x800, s26;
	s26 =	sand.u32 $0x380, s29;
	[tilespmem:s1+$0x10240] =	vst v3;
	v3 =	vld [tilespmem:s31+$0x10200]  }
0x138: {  	s30 =	simm.s32 $0x200;
	s26 =	sor.u32 s26, s0;
	s28 =	sor.u32 s0, s29;
	v4 =	vld [tilespmem:s31+$0x11200]  }
.LBB2_6:
0x139: {  	p0 =	sne.s32 s30, $0xF00  }
0x13a: {  	s29 =	sadd.s32 $0x80, s29;
	s0 =	smov.u32 s30;
	s30 =	sadd.s32 $0x100, s30  }
0x13b: {  	_ =	sdelay $0x1  }
0x13c: {  	v3 =	vadd.f32 v4, v3;
	_ =	sdelay $0x1  }
0x13d: {  	v4 =	vld [tilespmem:s26+$0x10240];
	[tilespmem:s31+$0x10200] =	vst v3  }
0x13e: {  	v3 =	vld [tilespmem:s26+$0x11270]  }
0x13f: {  	v5 =	vld [tilespmem:s26+$0x11250]  }
0x140: {  	v6 =	vld [tilespmem:s26+$0x11260]  }
0x141: {  	v7 =	vld [tilespmem:s26+$0x10250]  }
0x142: {  	v8 =	vld [tilespmem:s26+$0x10230]  }
0x143: {  	v9 =	vld [tilespmem:s26+$0x11230]  }
0x144: {  	v10 =	vld [tilespmem:s26+$0x10220]  }
0x145: {  	s0 =	sand.u32 $0x800, s0;
	s1 =	sand.u32 $0x380, s29;
	v11 =	vld [tilespmem:s26+$0x11220]  }
0x146: {  	s1 =	sor.u32 s1, s0;
	s0 =	sor.u32 s0, s29;
	v12 =	vld [tilespmem:s26+$0x10210]  }
0x147: {  	v13 =	vld [tilespmem:s26+$0x11210]  }
0x148: {  	v5 =	vadd.f32 v5, v7;
	v14 =	vld [tilespmem:s26+$0x11200];
	v8 =	vadd.f32 v9, v8  }
0x149: {  	v7 =	vld [tilespmem:s26+$0x10270]  }
0x14a: {  	v9 =	vadd.f32 v11, v10;
	[tilespmem:s26+$0x10250] =	vst v5;
	v5 =	vld [tilespmem:s26+$0x10260]  }
0x14b: {  	v10 =	vld [tilespmem:s26+$0x10200]  }
0x14c: {  	v11 =	vadd.f32 v13, v12;
	v12 =	vld [tilespmem:s26+$0x11240]  }
0x14d: {  	[tilespmem:s26+$0x10230] =	vst v8  }
0x14e: {  	[tilespmem:s26+$0x10210] =	vst v11;
	v3 =	vadd.f32 v3, v7  }
0x14f: {  	[tilespmem:s26+$0x10220] =	vst v9;
	v5 =	vadd.f32 v6, v5  }
.Ltmp2:
0x150: {  	v6 =	vadd.f32 v14, v10;
	[tilespmem:s26+$0x10270] =	vst v3;
	(pc) =	sbr.rel @p0 .LBB2_6-.Ltmp2, $4  }
0x151: {  	v3 =	vadd.f32 v12, v4;
	[tilespmem:s26+$0x10260] =	vst v5  }
0x152: {  	s31 =	sor.u32 $0x400, s28;
	s28 =	smov.u32 s0;
	[tilespmem:s26+$0x10200] =	vst v6  }
0x153: {  	[tilespmem:s26+$0x10240] =	vst v3;
	v3 =	vld [tilespmem:s31+$0x10200];
	s26 =	smov.u32 s1  }
0x154: {  	v4 =	vld [tilespmem:s31+$0x11200]  }
0x155: {  	_ =	sdelay $0x3  }
0x156: {  	v3 =	vadd.f32 v4, v3;
	_ =	sdelay $0x1  }
0x157: {  	v57 =	vld [tilespmem:s26+$0x10240];
	[tilespmem:s31+$0x10200] =	vst v3  }
0x158: {  	v3 =	vld [tilespmem:s26+$0x11270]  }
0x159: {  	v5 =	vld [tilespmem:s26+$0x11250]  }
0x15a: {  	v6 =	vld [tilespmem:s26+$0x11260]  }
0x15b: {  	v7 =	vld [tilespmem:s26+$0x10250]  }
0x15c: {  	v8 =	vld [tilespmem:s26+$0x10230]  }
0x15d: {  	v9 =	vld [tilespmem:s26+$0x11230]  }
0x15e: {  	v10 =	vld [tilespmem:s26+$0x10220]  }
0x15f: {  	v11 =	vld [tilespmem:s26+$0x11220]  }
0x160: {  	v12 =	vld [tilespmem:s26+$0x10210]  }
0x161: {  	v13 =	vld [tilespmem:s26+$0x11210]  }
0x162: {  	v14 =	vld [tilespmem:s26+$0x11200]  }
0x163: {  	v58 =	vld [tilespmem:s26+$0x10270]  }
0x164: {  	v60 =	vld [tilespmem:s26+$0x10200];
	v5 =	vadd.f32 v5, v7  }
0x165: {  	v59 =	vld [tilespmem:s26+$0x10260];
	v8 =	vadd.f32 v9, v8  }
0x166: {  	v61 =	vld [tilespmem:s26+$0x11240];
	v12 =	vadd.f32 v13, v12;
	[tilespmem:s26+$0x10250] =	vst v5  }
0x167: {  	v10 =	vadd.f32 v11, v10;
	[tilespmem:s26+$0x10230] =	vst v8  }
0x168: {  	v3 =	vadd.f32 v3, v58;
	[tilespmem:s26+$0x10210] =	vst v12  }
0x169: {  	v62 =	vadd.f32 v14, v60;
	[tilespmem:s26+$0x10220] =	vst v10  }
0x16a: {  	v5 =	vadd.f32 v6, v59;
	[tilespmem:s26+$0x10270] =	vst v3  }
0x16b: {  	v3 =	vadd.f32 v61, v57;
	[tilespmem:s26+$0x10200] =	vst v62  }
0x16c: {  	s0 =	sor.u32 $0x400, s28;
	[tilespmem:s26+$0x10260] =	vst v5  }
0x16d: {  	[tilespmem:s26+$0x10240] =	vst v3;
	v3 =	vld [tilespmem:s0+$0x10200]  }
0x16e: {  	v63 =	vld [tilespmem:s0+$0x11200];
	_ =	sdelay $0x4  }
0x16f: {  	v3 =	vadd.f32 v63, v3;
	_ =	sdelay $0x1  }
0x170: {  	s28 =	simm.s32 $0x0;
	s1 =	rddreg [dreg:$0x5];
	s29 =	simm.s32 $0x10200;
	[tilespmem:s0+$0x10200] =	vst v3  }
0x171: {  	[hbm4b:s1+s28] =	stream.linear.scatter [tilespmem:s29], [sflag:$0x3], $0x1000, $0x38;
	[tilespmem:$0x12200] =	vst v63  }
0x172: {  	_ =	swait.ge [sflag:s13], $0x1000  }
0x173: {  	s30 =	rddreg [dreg:$0x7]  }
0x174: {  	s31 =	rddreg [dreg:$0x6];
	s1 =	sadd.s32 $0x1, s30  }
0x175: {  	p0 =	sne.s32 s1, s31  }
.Ltmp3:
0x176: {  	_ = 	snop;
	(pc) =	sbr.rel @p0 .LBB2_1-.Ltmp3, $3  }
0x177: {  	_ =	sdelay $0x1  }
0x178: {  	[sflag:s13] =	ssyncset.done $0x0  }
0x179: {  	[sflag:s13] =	ssyncadd.s32 $0xFFFFF000  }
0x17a: {  	_ =	sfence.sel $0x180000  }
0x17b: {  	[bflag:$0x0] =	sbarrier.arrive $0xFFFF  }
0x17c: {  	_ =	strace $0x90000047  }
0x17d: {  	s0 =	stileid.u32;
	[bflag:$0x2] =	sbarrier.arrive $0xFFFF  }
0x17e: {  	p0 =	sne.s32 s0, $0x0;
	s0 =	rddreg [dreg:$0x2]  }
0x17f: {  	s0 =	sadd.s32 @!p0 $0x100000, s0  }
0x180: {  	[sflag:s0] =	ssyncadd.tile.s32 @!p0 $0x1;
	_ =	shalt  }
.Lfunc_end2:
_tile_overlayer_lowered:
.L_overlay_start_2:
0x181: {  	(tag) =	ssettag $0x2  }
0x182: {  	s0 =	rddreg [dreg:$0x0];
	s2 =	stileid.u32  }
0x183: {  	s1 =	rddreg [dreg:$0x1];
	p0 =	sne.s32 s2, $0x0  }
0x184: {  	s3 =	rddreg [dreg:$0x2];
	[bflag:$0x3] =	sbarrier.arrive $0xFFFF;
	s2 =	simm.s32 @!p0 $0x1C03  }
0x185: {  	[timem:s3], [sflag:s2] =	dma.local @!p0 [hbm:s0], s1  }
0x186: {  	s0 =	simm.s32 @!p0 $0x3  }
0x187: {  	_ =	swait.ge @!p0 [sflag:s0], s1  }
0x188: {  	s1 =	ssub.s32 @!p0 $0x0, s1;
	[sflag:s0] =	ssyncset.done @!p0 $0x0  }
0x189: {  	[sflag:s0] =	ssyncadd.s32 @!p0 s1  }
0x18a: {  	[bflag:$0x3] =	sbarrier.arrive $0xFFFF  }
0x18b: {  	_ =	shalt  }

// kernel: kernel.13.cloned.1.call-start
scs
__scs_entry_jumppad:
0x0: {  	(pc) =	sbr.rel $0x88, $3  }
0x1: {  	(tag) =	ssettag $0x0;
	lr =	simm.s32 $0x1  }
0x2: {  	[smem:$0x3F8D] =	sst lr;
	_ =	strace $0xD0000000  }
0x3: {  	_ = 	snop  }
0x4: {  	_ = 	snop  }
0x5: {  	_ = 	snop  }
0x6: {  	_ = 	snop  }
0x7: {  	_ = 	snop  }
__scs_overlays_trampoline_lowered:
0x8: {  	[smem:$0x3F9C] =	sst s0  }
0x9: {  	[smem:$0x3F9D] =	sst s1  }
0xa: {  	[smem:$0x3F9E] =	sst s2  }
0xb: {  	[smem:$0x3F9F] =	sst s3  }
0xc: {  	[smem:$0x3FA0] =	sst s4  }
0xd: {  	[smem:$0x3FA1] =	sst s5  }
0xe: {  	[smem:$0x3FA2] =	sst s6  }
0xf: {  	[smem:$0x3FA3] =	sst s7  }
0x10: {  	[smem:$0x3FA4] =	sst s8  }
0x11: {  	[smem:$0x3FA5] =	sst s9;
	s0 =	simm.s32 @!p0 $0x0  }
0x12: {  	s1 =	sld [smem:$0x3F8B];
	s0 =	simm.s32 @p0 $0x1  }
0x13: {  	[smem:$0x3FA6] =	sst s0;
	s0 =	simm.s32 @!p1 $0x0  }
0x14: {  	s2 =	sld [smem:$0x3F8A];
	s0 =	simm.s32 @p1 $0x1  }
0x15: {  	[smem:$0x3FA7] =	sst s0;
	s0 =	simm.s32 @!p2 $0x0  }
0x16: {  	s3 =	sld [smem:$0x3FDB];
	s0 =	simm.s32 @p2 $0x1  }
0x17: {  	s4 =	simm.s32 $0x1BF5;
	[smem:$0x3FA9] =	sst s0  }
0x18: {  	s0 =	sld [smem:$0x3F8C];
	_ =	swait.ge [sflag:s4], $0x0  }
0x19: {  	s7 =	sld [smem:$0x3F8D]  }
0x1a: {  	s8 =	sadd.s32 $0xFFFFE003, lr  }
0x1b: {  	s9 =	sadd.s32 $0xFFFFFEF7, lr;
	s5 =	simm.s32 $0xFFFFFFFF;
	p2 =	slt.u32 s8, $0xFFFFF086  }
0x1c: {  	p1 =	slt.u32 s9, $0xF7A;
	s5 =	simm.s32 @!p2 $0x0  }
0x1d: {  	s5 =	simm.s32 @p1 $0x1;
	p0 =	seq.s32 s7, s2  }
0x1e: {  	s7 =	smul.u32 @!p0 $0xF7A, s2;
	p2 =	seq.s32 @!p0 s5, $0x0  }
0x1f: {  	s9 =	smul.u32 $0xF7A, s1;
	s8 =	simm.s32 @!p0 $0x1BF5;
	p2 =	por !p2, p0  }
0x20: {  	[sflag:s8] =	ssyncset.s32 @!p0 $0xFFFFF086;
	s6 =	sadd.s32 @!p0 s3, s7;
	s7 =	simm.s32 @!p0 $0x108  }
0x21: {  	s3 =	sadd.s32 s3, s9;
	s6 =	sadd.s32 @!p0 $0x88, s6;
	s7 =	simm.s32 @p2 $0x1082  }
0x22: {  	[simem:s7], [sflag:s8] =	dma.local @!p0 [hbm:s6], $0xF7A  }
0x23: {  	s9 =	sor.u32 $0xD0000000, s2;
	s6 =	simm.s32 $0x108;
	_ =	swait.ge @!p0 [sflag:s8], $0x0  }
0x24: {  	s3 =	sadd.s32 $0x88, s3;
	s6 =	simm.s32 @!p1 $0x1082;
	[sflag:s4] =	ssyncset.s32 $0xFFFFF086  }
0x25: {  	[simem:s6], [sflag:s4] =	dma.local [hbm:s3], $0xF7A  }
0x26: {  	[smem:$0x3F8D] =	sst s1;
	(tag) =	ssettag s2;
	_ =	strace s9  }
0x27: {  	s1 =	sld [smem:$0x3F9D]  }
0x28: {  	s2 =	sld [smem:$0x3F9E]  }
0x29: {  	s4 =	sld [smem:$0x3FA0]  }
0x2a: {  	p0 =	seq.s32 s5, $0x0;
	s5 =	sld [smem:$0x3FA1]  }
0x2b: {  	s6 =	sld [smem:$0x3FA2]  }
0x2c: {  	s7 =	sld [smem:$0x3FA3]  }
0x2d: {  	s3 =	simm.s32 $0x108;
	s8 =	sld [smem:$0x3FA4]  }
0x2e: {  	s3 =	simm.s32 @!p0 $0x1082;
	s9 =	sld [smem:$0x3FA5]  }
0x2f: {  	lr =	sadd.s32 s0, s3;
	s0 =	sld [smem:$0x3F9C]  }
0x30: {  	s3 =	sld [smem:$0x3F9F]  }
0x31: {  	[smem:$0x3FA8] =	sst s10  }
0x32: {  	s10 =	sld [smem:$0x3FA6];
	_ =	sdelay $0x3  }
0x33: {  	p0 =	seq.s32 s10, $0x1;
	s10 =	sld [smem:$0x3FA8];
	_ =	sdelay $0x3  }
0x34: {  	[smem:$0x3FA8] =	sst s10  }
0x35: {  	s10 =	sld [smem:$0x3FA7];
	_ =	sdelay $0x3  }
0x36: {  	p1 =	seq.s32 s10, $0x1;
	s10 =	sld [smem:$0x3FA8];
	_ =	sdelay $0x3  }
0x37: {  	[smem:$0x3FA8] =	sst s10  }
0x38: {  	s10 =	sld [smem:$0x3FA9]  }
0x39: {  	_ = 	snop;
	(pc) =	sbr.ind lr, $3  }
0x3a: {  	_ = 	snop  }
0x3b: {  	_ = 	snop  }
0x3c: {  	p2 =	seq.s32 s10, $0x1;
	s10 =	sld [smem:$0x3FA8]  }
0x3d: {  	_ =	shalt  }
0x3e: {  	_ =	shalt  }
0x3f: {  	_ =	shalt  }
0x40: {  	_ =	shalt  }
0x41: {  	_ =	shalt  }
0x42: {  	_ =	shalt  }
0x43: {  	_ =	shalt  }
0x44: {  	_ =	shalt  }
0x45: {  	_ =	shalt  }
0x46: {  	_ =	shalt  }
0x47: {  	_ =	shalt  }
0x48: {  	_ =	shalt  }
0x49: {  	_ =	shalt  }
0x4a: {  	_ =	shalt  }
0x4b: {  	_ =	shalt  }
0x4c: {  	_ =	shalt  }
0x4d: {  	_ =	shalt  }
0x4e: {  	_ =	shalt  }
0x4f: {  	_ =	shalt  }
0x50: {  	_ =	shalt  }
0x51: {  	_ =	shalt  }
0x52: {  	_ =	shalt  }
0x53: {  	_ =	shalt  }
0x54: {  	_ =	shalt  }
0x55: {  	_ =	shalt  }
0x56: {  	_ =	shalt  }
0x57: {  	_ =	shalt  }
0x58: {  	_ =	shalt  }
0x59: {  	_ =	shalt  }
0x5a: {  	_ =	shalt  }
0x5b: {  	_ =	shalt  }
0x5c: {  	_ =	shalt  }
0x5d: {  	_ =	shalt  }
0x5e: {  	_ =	shalt  }
0x5f: {  	_ =	shalt  }
0x60: {  	_ =	shalt  }
0x61: {  	_ =	shalt  }
0x62: {  	_ =	shalt  }
0x63: {  	_ =	shalt  }
0x64: {  	_ =	shalt  }
0x65: {  	_ =	shalt  }
0x66: {  	_ =	shalt  }
0x67: {  	_ =	shalt  }
0x68: {  	_ =	shalt  }
0x69: {  	_ =	shalt  }
0x6a: {  	_ =	shalt  }
0x6b: {  	_ =	shalt  }
0x6c: {  	_ =	shalt  }
0x6d: {  	_ =	shalt  }
0x6e: {  	_ =	shalt  }
0x6f: {  	_ =	shalt  }
0x70: {  	_ =	shalt  }
0x71: {  	_ =	shalt  }
0x72: {  	_ =	shalt  }
0x73: {  	_ =	shalt  }
0x74: {  	_ =	shalt  }
0x75: {  	_ =	shalt  }
0x76: {  	_ =	shalt  }
0x77: {  	_ =	shalt  }
0x78: {  	_ =	shalt  }
0x79: {  	_ =	shalt  }
0x7a: {  	_ =	shalt  }
0x7b: {  	_ =	shalt  }
0x7c: {  	_ =	shalt  }
0x7d: {  	_ =	shalt  }
0x7e: {  	_ =	shalt  }
0x7f: {  	_ =	shalt  }
0x80: {  	_ =	shalt  }
0x81: {  	_ =	shalt  }
0x82: {  	_ =	shalt  }
0x83: {  	_ =	shalt  }
0x84: {  	_ =	shalt  }
0x85: {  	_ =	shalt  }
0x86: {  	_ =	shalt  }
0x87: {  	_ =	shalt  }
.Lfunc_end0:
.L_simem_size_0:
called_computation.1_lowered:
.L_overlay_start_0:
0x88: {  	s2 =	sld [smem:$0x3FD9]  }
0x89: {  	s3 =	sld [smem:$0x3FFE];
	_ =	sdelay $0x1  }
0x8a: {  	s1 =	srdreg.scid  }
0x8b: {  	s0 =	sand.u32 $0x1, s1  }
0x8c: {  	s14 =	sshll.u32 s0, $0xA;
	s2 =	sadd.s32 s3, s2  }
0x8d: {  	s2 =	sadd.s32 s2, s14  }
0x8e: {  	[smem:$0x3FB4] =	sst s2  }
0x8f: {  	_ = 	snop  }
0x90: {  	s2 =	sld [smem:$0x3FD0];
	_ =	sdelay $0x2  }
0x91: {  	s15 =	simm.s32 $0xB;
	s4 =	simm.s32 $0x10  }
0x92: {  	[smem:s4], [sflag:s15] =	dma.local [hbm:s2], $0x1  }
0x93: {  	_ =	swait.eq [sflag:s15], $0x1  }
0x94: {  	[sflag:s15] =	ssyncset.done $0x0  }
0x95: {  	[sflag:s15] =	ssyncadd.s32 $0xFFFFFFFF  }
0x96: {  	s16 =	sld [smem:$0x12];
	(tm) =	ssettm $0x1  }
0x97: {  	s17 =	sld [smem:$0x3FFB];
	_ =	sdelay $0x3  }
0x98: {  	_ =	strace s17  }
0x99: {  	s3 =	sld [smem:$0x3FFC];
	_ =	sdelay $0x3  }
0x9a: {  	_ =	strace s3  }
0x9b: {  	s3 =	sld [smem:$0x3FFD];
	_ =	sdelay $0x3  }
0x9c: {  	_ =	strace s3  }
0x9d: {  	_ =	strace $0x8FFFFFFF  }
0x9e: {  	s18 =	sld [smem:$0x3FDB];
	_ =	sdelay $0x1  }
0x9f: {  	s19 =	simm.s32 $_scs_section_size  }
0xa0: {  	s5 =	simm.s32 $_size__tile_overlayer_lowered;
	s6 =	simm.s32 $_tile_overlayer_lowered  }
0xa1: {  	s22 =	simm.s32 $0x1BFF;
	s21 =	sshll.u32 s6, $0x1;
	s3 =	sadd.s32 s19, s18  }
0xa2: {  	s7 =	simm.s32 $0x0;
	s20 =	sshll.u32 s5, $0x1;
	s5 =	sadd.s32 s21, s3  }
0xa3: {  	[timem:s7], [sflag:s22] =	dma.local [hbm:s5], s20  }
0xa4: {  	_ =	swait.ge [sflag:s22], s20  }
0xa5: {  	s4 =	ssub.s32 $0x0, s20;
	[sflag:s22] =	ssyncset.done $0x0  }
0xa6: {  	[sflag:s22] =	ssyncadd.s32 s4;
	_ =	sdelay $0x1  }
0xa7: {  	s23 =	simm.s32 $0x1B8B  }
0xa8: {  	_ =	swait.ge [sflag:s23], $0x1  }
0xa9: {  	[sflag:s23] =	ssyncset.done $0x0  }
0xaa: {  	s25 =	simm.s32 $0x1B8E;
	s24 =	sld [smem:$0x3FFE];
	[sflag:s23] =	ssyncadd.s32 $0xFFFFFFFF  }
0xab: {  	s26 =	simm.s32 $execute0_lowered;
	[smem:$0x3FD2] =	sst s25  }
0xac: {  	s5 =	sshll.u32 s26, $0x1;
	_ =	strace $0x80000049;
	[dreg:$0x1] =	wrdreg $0xFFFFFFFF  }
0xad: {  	s28 =	simm.s32 $_size_execute0_lowered;
	s3 =	sadd.s32 s3, s5;
	[dreg:$0x0] =	wrdreg $0x0  }
0xae: {  	s5 =	sshll.u32 s28, $0x1;
	[dreg:$0x2] =	wrdreg s3  }
0xaf: {  	[dreg:$0x3] =	wrdreg s5  }
0xb0: {  	[dreg:$0x4] =	wrdreg $0xC0  }
0xb1: {  	_ =	task [dreg:s7], $0x5FFFF  }
0xb2: {  	[dreg:$0x1] =	wrdreg $0xFFFFFFFF  }
0xb3: {  	[dreg:$0x0] =	wrdreg $0x60  }
0xb4: {  	[dreg:$0x2] =	wrdreg s16  }
0xb5: {  	[dreg:$0x3] =	wrdreg s24  }
0xb6: {  	[dreg:$0x4] =	wrdreg $0x0  }
0xb7: {  	[dreg:$0x5] =	wrdreg $0x9  }
0xb8: {  	_ =	task.clear_ibuf [dreg:s7], $0x6FFFF;
	_ =	strace $0x90000049  }
0xb9: {  	s29 =	simm.s32 $0x9;
	_ =	strace $0x8000004B  }
0xba: {  	_ =	swait.ge [sflag:s29], $0x1  }
0xbb: {  	[sflag:s29] =	ssyncadd.s32 $0xFFFFFFFF  }
0xbc: {  	_ =	strace $0x9000004B  }
0xbd: {  	_ =	sfence  }
0xbe: {  	s30 =	sld [smem:$0x0];
	_ =	sdelay $0x2  }
0xbf: {  	s31 =	sshll.u32 s1, $0xD;
	s1 =	sshrl.u32 s1, $0x2  }
0xc0: {  	s3 =	sand.u32 $0x4000, s31;
	s1 =	sadd.s32 s1, s30  }
0xc1: {  	s0 =	sor.u32 s3, s0;
	s1 =	sshll.u32 s1, $0x11  }
0xc2: {  	s0 =	sor.u32 s1, s0  }
0xc3: {  	s0 =	sadd.s32 $0x8F2B, s0  }
0xc4: {  	[sflag:s0] =	ssyncadd.remote.s32 $0x1  }
0xc5: {  	_ =	sfence.sel $0xFFFF  }
0xc6: {  	[dreg:$0x0] =	wrdreg $0xFFFFFFFF;
	(pc) =	sbr.abs _section_cstart, $3  }
0xc7: {  	[dreg:$0x1] =	wrdreg $0xFFFFFFFF  }
0xc8: {  	_ =	task.clear_ibuf [dreg:s7], $0x2FFFF;
	_ =	strace $0x9FFFFFFF  }
0xc9: {  	(tm) =	ssettm $0x7FFFFFFF  }
tec
execute0_lowered:
.L_overlay_start_1:
0x0: {  	(tag) =	ssettag $0x1  }
0x1: {  	s10 =	rddreg [dreg:$0x0]  }
0x2: {  	s4 =	rddreg [dreg:$0x1]  }
0x3: {  	s0 =	srdreg.scid;
	s1 =	stileid.u32  }
0x4: {  	s2 =	rddreg [dreg:$0x2];
	s3 =	simm.s32 $0x0;
	s19 =	simm.s32 $0x10  }
0x5: {  	s20 =	simm.s32 $0x0;
	s11 =	sand.u32 $0x1, s0;
	s0 =	rddreg [dreg:$0x3]  }
0x6: {  	s5 =	sshll.u32 s1, $0x1;
	[smem:$0x7FF] =	sst s3;
	s16 =	smul.u32 $0x4E20, s1  }
0x7: {  	s12 =	sadd.s32 $0xE000, s4;
	s13 =	sadd.s32 $0x17E00, s4;
	s18 =	smul.u32 $0x4E200, s1  }
0x8: {  	s14 =	sshll.u32 s1, $0xB;
	p0 =	sne.s32 s1, $0x0;
	s15 =	smul.u32 $0x138800, s11  }
0x9: {  	s5 =	sor.u32 s11, s5;
	s6 =	ssub.s32 $0x2, s11;
	s17 =	smul.u32 $0x2710, s11  }
0xa: {  	_ =	strace $0x8000004A;
	s11 =	smul.u32 $0x27100, s11;
	s7 =	sshrl.u32 s6, $0x1  }
0xb: {  	s4 =	sadd.s32 s14, s2;
	s5 =	smul.u32 $0x2710, s5;
	s9 =	ssub.s32 s6, s7  }
0xc: {  	s8 =	sshrl.u32 s15, $0x3;
	s16 =	sadd.s32 s17, s16;
	s14 =	sadd.s32 s14, s15  }
0xd: {  	s15 =	simm.s32 $0x13880;
	s17 =	simm.s32 $0x17900;
	s29 =	sadd.s32 $0x2700, s5  }
0xe: {  	s5 =	sadd.s32 $0x138000, s2;
	s8 =	sadd.s32 s13, s8;
	s9 =	smax.u32 s9, $0x1  }
0xf: {  	s31 =	sshrl.u32 s16, $0x3;
	s14 =	sshrl.u32 s14, $0x3;
	s16 =	simm.s32 $0x80  }
0x10: {  	s30 =	sshrl.u32 s29, $0x3;
	s7 =	sshll.u32 s29, $0x4;
	s8 =	sadd.s32 $0x27000, s8  }
0x11: {  	s6 =	sadd.s32 s12, s30;
	s7 =	sadd.s32 s10, s7;
	s10 =	sadd.s32 s18, s10  }
0x12: {  	s18 =	simm.s32 $0x17980;
	s10 =	sadd.s32 s11, s10;
	s11 =	sadd.s32 s31, s12  }
0x13: {  	v0 =	vimm.f32 $0.0e+00;
	s12 =	sadd.s32 s14, s13;
	s13 =	simm.s32 $0x13900;
	s14 =	simm.s32 $0x1  }
.LBB2_1:
0x14: {  	s21 =	simm.s32 $0x0;
	s22 =	simm.s32 $0x200  }
.LBB2_2:
0x15: {  	p1 =	sne.s32 s22, $0x1E00;
	[tilespmem:s21+$0x13970] =	vst v0  }
0x16: {  	[tilespmem:s21+$0x13900] =	vst v0  }
0x17: {  	[tilespmem:s21+$0x13910] =	vst v0  }
.Ltmp0:
0x18: {  	[tilespmem:s21+$0x13920] =	vst v0;
	(pc) =	sbr.rel @p1 .LBB2_2-.Ltmp0, $4  }
0x19: {  	[tilespmem:s21+$0x13930] =	vst v0  }
0x1a: {  	[tilespmem:s21+$0x13940] =	vst v0  }
0x1b: {  	[tilespmem:s21+$0x13950] =	vst v0  }
0x1c: {  	[tilespmem:s21+$0x13960] =	vst v0;
	s21 =	sshra.s32 s22, $0x2;
	s22 =	sadd.s32 $0x200, s22  }
0x1d: {  	[tilespmem:s21+$0x13970] =	vst v0  }
0x1e: {  	[tilespmem:s21+$0x13900] =	vst v0  }
0x1f: {  	[tilespmem:s21+$0x13910] =	vst v0  }
0x20: {  	[tilespmem:s21+$0x13920] =	vst v0  }
0x21: {  	[tilespmem:s21+$0x13930] =	vst v0  }
0x22: {  	[tilespmem:s21+$0x13940] =	vst v0  }
0x23: {  	[tilespmem:s21+$0x13950] =	vst v0  }
0x24: {  	[tilespmem:s21+$0x13960] =	vst v0;
	s31 =	sadd.s32 $0x0, s4  }
0x25: {  	[spmem:s31] =	stream.linear.scatter [tilespmem:s13], [sflag:$0x1], $0x800, $0x38;
	[tilespmem:$0x18180] =	vst v63  }
0x26: {  	s21 =	simm.s32 $0x20000;
	_ =	swait.ge [sflag:s14], $0x800  }
.LBB2_4:
0x27: {  	s22 =	sshra.s32 s21, $0x2;
	[sflag:s14] =	ssyncset.done $0x0;
	p1 =	sne.s32 s21, $0x4C0000  }
.Ltmp1:
0x28: {  	s22 =	sadd.s32 s22, s4;
	[sflag:s14] =	ssyncadd.s32 $0xFFFFF800;
	(pc) =	sbr.rel @p1 .LBB2_4-.Ltmp1, $3  }
0x29: {  	[spmem:s22] =	stream.linear.scatter [tilespmem:s13], [sflag:$0x1], $0x800, $0x38;
	[tilespmem:$0x18180] =	vst v63  }
0x2a: {  	s21 =	sadd.s32 $0x20000, s21;
	_ =	sdelay $0x1  }
0x2b: {  	_ =	swait.ge [sflag:s14], $0x800  }
0x2c: {  	[sflag:s14] =	ssyncset.done $0x0  }
0x2d: {  	s21 =	simm.s32 @!p0 $0x13900;
	[sflag:s14] =	ssyncadd.s32 $0xFFFFF800  }
0x2e: {  	[spmem:s5] =	stream.linear.scatter @!p0 [tilespmem:s21], [sflag:$0x1], $0x800, $0x38;
	[tilespmem:$0x18180] =	vst v63  }
0x2f: {  	s21 =	simm.s32 @!p0 $0x1  }
0x30: {  	_ =	swait.ge @!p0 [sflag:s21], $0x800  }
0x31: {  	[sflag:s21] =	ssyncset.done @!p0 $0x0  }
0x32: {  	[sflag:s21] =	ssyncadd.s32 @!p0 $0xFFFFF800  }
0x33: {  	s31 =	sadd.s32 $0x0, s11;
	[bflag:$0x0] =	sbarrier.arrive $0xFFFF  }
0x34: {  	[tilespmem:s15], [sflag:$0x1] =	stream.linear.gather [hbm4b:s31+s3], $0x80, $0x38;
	[tilespmem:$0x18180] =	vst v63  }
0x35: {  	_ =	swait.ge [sflag:s14], $0x80  }
0x36: {  	[sflag:s14] =	ssyncset.done $0x0  }
0x37: {  	[sflag:s14] =	ssyncadd.s32 $0xFFFFFF80  }
0x38: {  	[tilespmem:s13], [sflag:$0x1] =	stream.linear.gather [hbm4b:s10+s3], $0x4000, $0x38;
	[tilespmem:$0x18180] =	vst v63  }
0x39: {  	_ =	swait.ge [sflag:s14], $0x4000  }
0x3a: {  	[sflag:s14] =	ssyncset.done $0x0  }
0x3b: {  	[sflag:s14] =	ssyncadd.s32 $0xFFFFC000  }
0x3c: {  	[spmem:s2] =	stream.indirect.scatter.add.f32 [tilespmem:s13], [sflag:$0x1], $0x80, s15, s16, $0xb8;
	[tilespmem:$0x18180] =	vst v63  }
0x3d: {  	s22 =	simm.s32 $0x10;
	_ =	swait.ge [sflag:s14], $0x4000  }
0x3e: {  	s23 =	simm.s32 $0x20;
	s21 =	sadd.s32 $0x800, s10;
	[sflag:s14] =	ssyncset.done $0x0  }
.LBB2_6:
0x3f: {  	s24 =	sadd.s32 s22, s11  }
0x40: {  	[sflag:s14] =	ssyncadd.s32 $0xFFFFC000;
	s22 =	smov.u32 s23;
	s25 =	sadd.s32 $0x10, s23  }
0x41: {  	[tilespmem:s15], [sflag:$0x1] =	stream.linear.gather [hbm4b:s24+s3], $0x80, $0x38;
	[tilespmem:$0x18180] =	vst v63  }
0x42: {  	p1 =	sne.s32 s23, $0x4D0;
	_ =	swait.ge [sflag:s14], $0x80  }
0x43: {  	[sflag:s14] =	ssyncset.done $0x0  }
0x44: {  	[sflag:s14] =	ssyncadd.s32 $0xFFFFFF80  }
0x45: {  	[tilespmem:s13], [sflag:$0x1] =	stream.linear.gather [hbm4b:s21+s3], $0x4000, $0x38;
	[tilespmem:$0x18180] =	vst v63  }
0x46: {  	_ =	swait.ge [sflag:s14], $0x4000  }
.Ltmp2:
0x47: {  	[sflag:s14] =	ssyncset.done $0x0;
	(pc) =	sbr.rel @p1 .LBB2_6-.Ltmp2, $4  }
0x48: {  	[sflag:s14] =	ssyncadd.s32 $0xFFFFC000  }
0x49: {  	[spmem:s2] =	stream.indirect.scatter.add.f32 [tilespmem:s13], [sflag:$0x1], $0x80, s15, s16, $0xb8;
	[tilespmem:$0x18180] =	vst v63  }
0x4a: {  	_ =	swait.ge [sflag:s14], $0x4000  }
0x4b: {  	s23 =	smov.u32 s25;
	s21 =	sadd.s32 $0x800, s21;
	[sflag:s14] =	ssyncset.done $0x0  }
0x4c: {  	s22 =	sadd.s32 s22, s11;
	[sflag:s14] =	ssyncadd.s32 $0xFFFFC000  }
0x4d: {  	[tilespmem:s15], [sflag:$0x1] =	stream.linear.gather [hbm4b:s22+s3], $0x80, $0x38;
	[tilespmem:$0x18180] =	vst v63  }
0x4e: {  	_ =	swait.ge [sflag:s14], $0x80  }
0x4f: {  	[sflag:s14] =	ssyncset.done $0x0  }
0x50: {  	[sflag:s14] =	ssyncadd.s32 $0xFFFFFF80  }
0x51: {  	[tilespmem:s13], [sflag:$0x1] =	stream.linear.gather [hbm4b:s21+s3], $0x4000, $0x38;
	[tilespmem:$0x18180] =	vst v63  }
0x52: {  	_ =	swait.ge [sflag:s14], $0x4000  }
0x53: {  	[sflag:s14] =	ssyncset.done $0x0  }
0x54: {  	[sflag:s14] =	ssyncadd.s32 $0xFFFFC000  }
0x55: {  	[spmem:s2] =	stream.indirect.scatter.add.f32 [tilespmem:s13], [sflag:$0x1], $0x80, s15, s16, $0xb8;
	[tilespmem:$0x18180] =	vst v63  }
0x56: {  	_ =	swait.ge [sflag:s14], $0x4000  }
0x57: {  	[sflag:s14] =	ssyncset.done $0x0  }
0x58: {  	s29 =	simm.s32 $0x0;
	[sflag:s14] =	ssyncadd.s32 $0xFFFFC000  }
0x59: {  	[tilespmem:s17], [sflag:$0x1] =	stream.linear.gather [hbm4b:s6+s29], $0x10, $0x38;
	[tilespmem:$0x18180] =	vst v63  }
0x5a: {  	_ =	swait.ge [sflag:s14], $0x10  }
0x5b: {  	[sflag:s14] =	ssyncset.done $0x0  }
0x5c: {  	[sflag:s14] =	ssyncadd.s32 $0xFFFFFFF0  }
0x5d: {  	[tilespmem:s18], [sflag:$0x1] =	stream.linear.gather [hbm4b:s7+s29], $0x800, $0x38;
	[tilespmem:$0x18180] =	vst v63  }
0x5e: {  	_ =	swait.ge [sflag:s14], $0x800  }
0x5f: {  	[sflag:s14] =	ssyncset.done $0x0  }
0x60: {  	[sflag:s14] =	ssyncadd.s32 $0xFFFFF800  }
0x61: {  	[spmem:s2] =	stream.indirect.scatter.add.f32 [tilespmem:s18], [sflag:$0x1], $0x80, s17, s19, $0xb8;
	[tilespmem:$0x18180] =	vst v63  }
0x62: {  	_ =	swait.ge [sflag:s14], $0x800  }
0x63: {  	[sflag:s14] =	ssyncset.done $0x0  }
0x64: {  	s30 =	sshll.u32 s1, $0x6;
	s31 =	sadd.s32 $0x0, s12;
	[sflag:s14] =	ssyncadd.s32 $0xFFFFF800  }
0x65: {  	s23 =	sshrl.u32 s4, $0x3;
	s21 =	sor.u32 $0x1C01, s30;
	[bflag:$0x0] =	sbarrier.arrive $0xFFFF  }
0x66: {  	[hbm:s31], [sflag:s21] =	dma.local [spmem:s23], $0x100  }
0x67: {  	s22 =	simm.s32 $0x1000;
	s23 =	sadd.s32 $0x8000, s4;
	_ =	swait.ge [sflag:s14], $0x100  }
.LBB2_8:
0x68: {  	s24 =	sadd.s32 s22, s12;
	[sflag:s14] =	ssyncset.done $0x0;
	p1 =	sne.s32 s22, $0x26000  }
.Ltmp3:
0x69: {  	s25 =	sshrl.u32 s23, $0x3;
	[sflag:s14] =	ssyncadd.s32 $0xFFFFFF00;
	(pc) =	sbr.rel @p1 .LBB2_8-.Ltmp3, $3  }
0x6a: {  	[hbm:s24], [sflag:s21] =	dma.local [spmem:s25], $0x100  }
0x6b: {  	s22 =	sadd.s32 $0x1000, s22;
	_ =	sdelay $0x1  }
0x6c: {  	s23 =	sadd.s32 $0x8000, s23;
	_ =	swait.ge [sflag:s14], $0x100  }
0x6d: {  	[sflag:s14] =	ssyncset.done $0x0;
	s21 =	sshrl.u32 @!p0 s5, $0x3;
	s20 =	sadd.s32 $0x1, s20  }
0x6e: {  	s22 =	simm.s32 @!p0 $0x1C01;
	[sflag:s14] =	ssyncadd.s32 $0xFFFFFF00;
	p1 =	sne.s32 s20, s9  }
0x6f: {  	[hbm:s8], [sflag:s22] =	dma.local @!p0 [spmem:s21], $0x100  }
.Ltmp4:
0x70: {  	_ = 	snop;
	(pc) =	sbr.rel @p1 .LBB2_1-.Ltmp4, $4  }
0x71: {  	s21 =	simm.s32 @!p0 $0x1  }
0x72: {  	_ =	swait.ge @!p0 [sflag:s21], $0x100  }
0x73: {  	[sflag:s21] =	ssyncset.done @!p0 $0x0  }
0x74: {  	[sflag:s21] =	ssyncadd.s32 @!p0 $0xFFFFFF00  }
0x75: {  	_ =	sfence.sel $0x180000  }
0x76: {  	[bflag:$0x0] =	sbarrier.arrive $0xFFFF  }
0x77: {  	_ =	strace $0x9000004A  }
0x78: {  	s0 =	sadd.s32 @!p0 $0x100000, s0;
	[bflag:$0x2] =	sbarrier.arrive $0xFFFF  }
0x79: {  	[sflag:s0] =	ssyncadd.tile.s32 @!p0 $0x1;
	_ =	shalt  }
.Lfunc_end2:
_tile_overlayer_lowered:
.L_overlay_start_2:
0x7a: {  	(tag) =	ssettag $0x2  }
0x7b: {  	s0 =	rddreg [dreg:$0x0];
	s2 =	stileid.u32  }
0x7c: {  	s1 =	rddreg [dreg:$0x1];
	p0 =	sne.s32 s2, $0x0  }
0x7d: {  	s3 =	rddreg [dreg:$0x2];
	[bflag:$0x3] =	sbarrier.arrive $0xFFFF;
	s2 =	simm.s32 @!p0 $0x1C01  }
0x7e: {  	[timem:s3], [sflag:s2] =	dma.local @!p0 [hbm:s0], s1  }
0x7f: {  	s0 =	simm.s32 @!p0 $0x1  }
0x80: {  	_ =	swait.ge @!p0 [sflag:s0], s1  }
0x81: {  	s1 =	ssub.s32 @!p0 $0x0, s1;
	[sflag:s0] =	ssyncset.done @!p0 $0x0  }
0x82: {  	[sflag:s0] =	ssyncadd.s32 @!p0 s1  }
0x83: {  	[bflag:$0x3] =	sbarrier.arrive $0xFFFF  }
0x84: {  	_ =	shalt  }

// kernel: kernel.16.cloned.1.call-start
scs
__scs_entry_jumppad:
0x0: {  	(pc) =	sbr.rel $0x88, $3  }
0x1: {  	(tag) =	ssettag $0x0;
	lr =	simm.s32 $0x1  }
0x2: {  	[smem:$0x3F8D] =	sst lr;
	_ =	strace $0xD0000000  }
0x3: {  	_ = 	snop  }
0x4: {  	_ = 	snop  }
0x5: {  	_ = 	snop  }
0x6: {  	_ = 	snop  }
0x7: {  	_ = 	snop  }
__scs_overlays_trampoline_lowered:
0x8: {  	[smem:$0x3F9C] =	sst s0  }
0x9: {  	[smem:$0x3F9D] =	sst s1  }
0xa: {  	[smem:$0x3F9E] =	sst s2  }
0xb: {  	[smem:$0x3F9F] =	sst s3  }
0xc: {  	[smem:$0x3FA0] =	sst s4  }
0xd: {  	[smem:$0x3FA1] =	sst s5  }
0xe: {  	[smem:$0x3FA2] =	sst s6  }
0xf: {  	[smem:$0x3FA3] =	sst s7  }
0x10: {  	[smem:$0x3FA4] =	sst s8  }
0x11: {  	[smem:$0x3FA5] =	sst s9;
	s0 =	simm.s32 @!p0 $0x0  }
0x12: {  	s1 =	sld [smem:$0x3F8B];
	s0 =	simm.s32 @p0 $0x1  }
0x13: {  	[smem:$0x3FA6] =	sst s0;
	s0 =	simm.s32 @!p1 $0x0  }
0x14: {  	s2 =	sld [smem:$0x3F8A];
	s0 =	simm.s32 @p1 $0x1  }
0x15: {  	[smem:$0x3FA7] =	sst s0;
	s0 =	simm.s32 @!p2 $0x0  }
0x16: {  	s3 =	sld [smem:$0x3FDB];
	s0 =	simm.s32 @p2 $0x1  }
0x17: {  	s4 =	simm.s32 $0x1BF5;
	[smem:$0x3FA9] =	sst s0  }
0x18: {  	s0 =	sld [smem:$0x3F8C];
	_ =	swait.ge [sflag:s4], $0x0  }
0x19: {  	s7 =	sld [smem:$0x3F8D]  }
0x1a: {  	s8 =	sadd.s32 $0xFFFFE003, lr  }
0x1b: {  	s9 =	sadd.s32 $0xFFFFFEF7, lr;
	s5 =	simm.s32 $0xFFFFFFFF;
	p2 =	slt.u32 s8, $0xFFFFF086  }
0x1c: {  	p1 =	slt.u32 s9, $0xF7A;
	s5 =	simm.s32 @!p2 $0x0  }
0x1d: {  	s5 =	simm.s32 @p1 $0x1;
	p0 =	seq.s32 s7, s2  }
0x1e: {  	s7 =	smul.u32 @!p0 $0xF7A, s2;
	p2 =	seq.s32 @!p0 s5, $0x0  }
0x1f: {  	s9 =	smul.u32 $0xF7A, s1;
	s8 =	simm.s32 @!p0 $0x1BF5;
	p2 =	por !p2, p0  }
0x20: {  	[sflag:s8] =	ssyncset.s32 @!p0 $0xFFFFF086;
	s6 =	sadd.s32 @!p0 s3, s7;
	s7 =	simm.s32 @!p0 $0x108  }
0x21: {  	s3 =	sadd.s32 s3, s9;
	s6 =	sadd.s32 @!p0 $0x88, s6;
	s7 =	simm.s32 @p2 $0x1082  }
0x22: {  	[simem:s7], [sflag:s8] =	dma.local @!p0 [hbm:s6], $0xF7A  }
0x23: {  	s9 =	sor.u32 $0xD0000000, s2;
	s6 =	simm.s32 $0x108;
	_ =	swait.ge @!p0 [sflag:s8], $0x0  }
0x24: {  	s3 =	sadd.s32 $0x88, s3;
	s6 =	simm.s32 @!p1 $0x1082;
	[sflag:s4] =	ssyncset.s32 $0xFFFFF086  }
0x25: {  	[simem:s6], [sflag:s4] =	dma.local [hbm:s3], $0xF7A  }
0x26: {  	[smem:$0x3F8D] =	sst s1;
	(tag) =	ssettag s2;
	_ =	strace s9  }
0x27: {  	s1 =	sld [smem:$0x3F9D]  }
0x28: {  	s2 =	sld [smem:$0x3F9E]  }
0x29: {  	s4 =	sld [smem:$0x3FA0]  }
0x2a: {  	p0 =	seq.s32 s5, $0x0;
	s5 =	sld [smem:$0x3FA1]  }
0x2b: {  	s6 =	sld [smem:$0x3FA2]  }
0x2c: {  	s7 =	sld [smem:$0x3FA3]  }
0x2d: {  	s3 =	simm.s32 $0x108;
	s8 =	sld [smem:$0x3FA4]  }
0x2e: {  	s3 =	simm.s32 @!p0 $0x1082;
	s9 =	sld [smem:$0x3FA5]  }
0x2f: {  	lr =	sadd.s32 s0, s3;
	s0 =	sld [smem:$0x3F9C]  }
0x30: {  	s3 =	sld [smem:$0x3F9F]  }
0x31: {  	[smem:$0x3FA8] =	sst s10  }
0x32: {  	s10 =	sld [smem:$0x3FA6];
	_ =	sdelay $0x3  }
0x33: {  	p0 =	seq.s32 s10, $0x1;
	s10 =	sld [smem:$0x3FA8];
	_ =	sdelay $0x3  }
0x34: {  	[smem:$0x3FA8] =	sst s10  }
0x35: {  	s10 =	sld [smem:$0x3FA7];
	_ =	sdelay $0x3  }
0x36: {  	p1 =	seq.s32 s10, $0x1;
	s10 =	sld [smem:$0x3FA8];
	_ =	sdelay $0x3  }
0x37: {  	[smem:$0x3FA8] =	sst s10  }
0x38: {  	s10 =	sld [smem:$0x3FA9]  }
0x39: {  	_ = 	snop;
	(pc) =	sbr.ind lr, $3  }
0x3a: {  	_ = 	snop  }
0x3b: {  	_ = 	snop  }
0x3c: {  	p2 =	seq.s32 s10, $0x1;
	s10 =	sld [smem:$0x3FA8]  }
0x3d: {  	_ =	shalt  }
0x3e: {  	_ =	shalt  }
0x3f: {  	_ =	shalt  }
0x40: {  	_ =	shalt  }
0x41: {  	_ =	shalt  }
0x42: {  	_ =	shalt  }
0x43: {  	_ =	shalt  }
0x44: {  	_ =	shalt  }
0x45: {  	_ =	shalt  }
0x46: {  	_ =	shalt  }
0x47: {  	_ =	shalt  }
0x48: {  	_ =	shalt  }
0x49: {  	_ =	shalt  }
0x4a: {  	_ =	shalt  }
0x4b: {  	_ =	shalt  }
0x4c: {  	_ =	shalt  }
0x4d: {  	_ =	shalt  }
0x4e: {  	_ =	shalt  }
0x4f: {  	_ =	shalt  }
0x50: {  	_ =	shalt  }
0x51: {  	_ =	shalt  }
0x52: {  	_ =	shalt  }
0x53: {  	_ =	shalt  }
0x54: {  	_ =	shalt  }
0x55: {  	_ =	shalt  }
0x56: {  	_ =	shalt  }
0x57: {  	_ =	shalt  }
0x58: {  	_ =	shalt  }
0x59: {  	_ =	shalt  }
0x5a: {  	_ =	shalt  }
0x5b: {  	_ =	shalt  }
0x5c: {  	_ =	shalt  }
0x5d: {  	_ =	shalt  }
0x5e: {  	_ =	shalt  }
0x5f: {  	_ =	shalt  }
0x60: {  	_ =	shalt  }
0x61: {  	_ =	shalt  }
0x62: {  	_ =	shalt  }
0x63: {  	_ =	shalt  }
0x64: {  	_ =	shalt  }
0x65: {  	_ =	shalt  }
0x66: {  	_ =	shalt  }
0x67: {  	_ =	shalt  }
0x68: {  	_ =	shalt  }
0x69: {  	_ =	shalt  }
0x6a: {  	_ =	shalt  }
0x6b: {  	_ =	shalt  }
0x6c: {  	_ =	shalt  }
0x6d: {  	_ =	shalt  }
0x6e: {  	_ =	shalt  }
0x6f: {  	_ =	shalt  }
0x70: {  	_ =	shalt  }
0x71: {  	_ =	shalt  }
0x72: {  	_ =	shalt  }
0x73: {  	_ =	shalt  }
0x74: {  	_ =	shalt  }
0x75: {  	_ =	shalt  }
0x76: {  	_ =	shalt  }
0x77: {  	_ =	shalt  }
0x78: {  	_ =	shalt  }
0x79: {  	_ =	shalt  }
0x7a: {  	_ =	shalt  }
0x7b: {  	_ =	shalt  }
0x7c: {  	_ =	shalt  }
0x7d: {  	_ =	shalt  }
0x7e: {  	_ =	shalt  }
0x7f: {  	_ =	shalt  }
0x80: {  	_ =	shalt  }
0x81: {  	_ =	shalt  }
0x82: {  	_ =	shalt  }
0x83: {  	_ =	shalt  }
0x84: {  	_ =	shalt  }
0x85: {  	_ =	shalt  }
0x86: {  	_ =	shalt  }
0x87: {  	_ =	shalt  }
.Lfunc_end0:
.L_simem_size_0:
called_computation.2_lowered:
.L_overlay_start_0:
0x88: {  	s2 =	sld [smem:$0x3FD9]  }
0x89: {  	s3 =	sld [smem:$0x3FFE];
	_ =	sdelay $0x1  }
0x8a: {  	s1 =	srdreg.scid  }
0x8b: {  	s0 =	sand.u32 $0x1, s1  }
0x8c: {  	s17 =	sshll.u32 s0, $0xA;
	s2 =	sadd.s32 s3, s2  }
0x8d: {  	s2 =	sadd.s32 s2, s17  }
0x8e: {  	[smem:$0x3FB4] =	sst s2  }
0x8f: {  	_ = 	snop  }
0x90: {  	(tm) =	ssettm $0x1  }
0x91: {  	s18 =	sld [smem:$0x3FFB];
	_ =	sdelay $0x3  }
0x92: {  	_ =	strace s18  }
0x93: {  	s2 =	sld [smem:$0x3FFC];
	_ =	sdelay $0x3  }
0x94: {  	_ =	strace s2  }
0x95: {  	s2 =	sld [smem:$0x3FFD];
	_ =	sdelay $0x3  }
0x96: {  	_ =	strace s2  }
0x97: {  	_ =	strace $0x8FFFFFFF  }
0x98: {  	s19 =	sld [smem:$0x3FDB];
	_ =	sdelay $0x1  }
0x99: {  	s20 =	simm.s32 $_scs_section_size  }
0x9a: {  	s4 =	simm.s32 $_size__tile_overlayer_lowered;
	s5 =	simm.s32 $_tile_overlayer_lowered  }
0x9b: {  	s6 =	simm.s32 $0x1BFF;
	s21 =	sshll.u32 s5, $0x1;
	s3 =	sadd.s32 s20, s19  }
0x9c: {  	s22 =	simm.s32 $0x0;
	s4 =	sshll.u32 s4, $0x1;
	s5 =	sadd.s32 s21, s3  }
0x9d: {  	[timem:s22], [sflag:s6] =	dma.local [hbm:s5], s4  }
0x9e: {  	_ =	swait.ge [sflag:s6], s4  }
0x9f: {  	s4 =	ssub.s32 $0x0, s4;
	[sflag:s6] =	ssyncset.done $0x0  }
0xa0: {  	[sflag:s6] =	ssyncadd.s32 s4;
	_ =	sdelay $0x1  }
0xa1: {  	s23 =	simm.s32 $0x1B8B  }
0xa2: {  	_ =	swait.ge [sflag:s23], $0x1  }
0xa3: {  	[sflag:s23] =	ssyncset.done $0x0  }
0xa4: {  	[sflag:s23] =	ssyncadd.s32 $0xFFFFFFFF  }
0xa5: {  	s4 =	sld [smem:$0x0]  }
0xa6: {  	s5 =	sand.u32 $0xFFFFFFFE, s1  }
0xa7: {  	p0 =	sne.s32 s1, s5  }
0xa8: {  	s5 =	sshll.u32 @p0 s5, $0xE  }
0xa9: {  	s5 =	sadd.s32 @p0 $0x11B8D, s5;
	s6 =	sshll.u32 @p0 s4, $0x11  }
0xaa: {  	s5 =	sor.u32 @p0 s6, s5  }
0xab: {  	[sflag:s5] =	ssyncadd.remote.s32 @p0 $0x1;
	_ =	sdelay $0x1  }
0xac: {  	s5 =	simm.s32 @p0 $0x1B8D  }
0xad: {  	_ =	swait.eq @p0 [sflag:s5], $0x1  }
0xae: {  	[sflag:s5] =	ssyncadd.s32 @p0 $0xFFFFFFFF  }
0xaf: {  	s6 =	sshll.u32 @!p0 s1, $0xE  }
0xb0: {  	s6 =	sor.u32 @!p0 $0x4000, s6;
	s5 =	simm.s32 @!p0 $0x1B8D  }
0xb1: {  	s4 =	sshll.u32 @!p0 s4, $0x11;
	s6 =	sadd.s32 @!p0 $0x11B8D, s6;
	_ =	swait.eq @!p0 [sflag:s5], $0x1  }
0xb2: {  	s4 =	sor.u32 @!p0 s4, s6;
	[sflag:s5] =	ssyncadd.s32 @!p0 $0xFFFFFFFF  }
0xb3: {  	s25 =	simm.s32 $0x1B8E;
	s24 =	sld [smem:$0x3FFE];
	[sflag:s4] =	ssyncadd.remote.s32 @!p0 $0x1  }
0xb4: {  	s26 =	simm.s32 $execute0_lowered;
	[smem:$0x3FD2] =	sst s25  }
0xb5: {  	s5 =	sshll.u32 s26, $0x1;
	_ =	strace $0x8000004C;
	[dreg:$0x1] =	wrdreg $0xFFFFFFFF  }
0xb6: {  	s28 =	simm.s32 $_size_execute0_lowered;
	s3 =	sadd.s32 s3, s5;
	[dreg:$0x0] =	wrdreg $0x0  }
0xb7: {  	s5 =	sshll.u32 s28, $0x1;
	[dreg:$0x2] =	wrdreg s3  }
0xb8: {  	[dreg:$0x3] =	wrdreg s5  }
0xb9: {  	[dreg:$0x4] =	wrdreg $0xC0  }
0xba: {  	_ =	task [dreg:s22], $0x5FFFF  }
0xbb: {  	[dreg:$0x1] =	wrdreg $0xFFFFFFFF  }
0xbc: {  	[dreg:$0x0] =	wrdreg $0x60  }
0xbd: {  	[dreg:$0x2] =	wrdreg s24  }
0xbe: {  	[dreg:$0x3] =	wrdreg $0x0  }
0xbf: {  	[dreg:$0x4] =	wrdreg $0xA  }
0xc0: {  	_ =	task.clear_ibuf [dreg:s22], $0x5FFFF;
	_ =	strace $0x9000004C  }
0xc1: {  	s29 =	simm.s32 $0xA;
	_ =	strace $0x8000004E  }
0xc2: {  	_ =	swait.ge [sflag:s29], $0x1  }
0xc3: {  	[sflag:s29] =	ssyncadd.s32 $0xFFFFFFFF  }
0xc4: {  	_ =	strace $0x9000004E  }
0xc5: {  	_ =	sfence  }
0xc6: {  	s30 =	sld [smem:$0x0];
	_ =	sdelay $0x2  }
0xc7: {  	s31 =	sshll.u32 s1, $0xD;
	s1 =	sshrl.u32 s1, $0x2  }
0xc8: {  	s4 =	sand.u32 $0x4000, s31;
	s1 =	sadd.s32 s1, s30  }
0xc9: {  	s0 =	sor.u32 s4, s0;
	s1 =	sshll.u32 s1, $0x11  }
0xca: {  	s0 =	sor.u32 s1, s0  }
0xcb: {  	s0 =	sadd.s32 $0x8F2B, s0  }
0xcc: {  	[sflag:s0] =	ssyncadd.remote.s32 $0x1  }
0xcd: {  	_ =	sfence.sel $0xFFFF  }
0xce: {  	[dreg:$0x0] =	wrdreg $0xFFFFFFFF;
	(pc) =	sbr.abs _section_cstart, $3  }
0xcf: {  	[dreg:$0x1] =	wrdreg $0xFFFFFFFF  }
0xd0: {  	_ =	task.clear_ibuf [dreg:s22], $0x2FFFF;
	_ =	strace $0x9FFFFFFF  }
0xd1: {  	(tm) =	ssettm $0x7FFFFFFF  }
tec
execute0_lowered:
.L_overlay_start_1:
0x0: {  	(tag) =	ssettag $0x1  }
0x1: {  	s7 =	rddreg [dreg:$0x0]  }
0x2: {  	s1 =	rddreg [dreg:$0x1]  }
0x3: {  	s0 =	rddreg [dreg:$0x2];
	s2 =	simm.s32 $0x0;
	s4 =	srdreg.scid  }
0x4: {  	s3 =	stileid.u32;
	s16 =	simm.s32 $0x13880;
	s17 =	simm.s32 $0x13900  }
0x5: {  	s18 =	simm.s32 $0x80;
	s19 =	simm.s32 $0x17900;
	s20 =	simm.s32 $0x17980  }
0x6: {  	s21 =	simm.s32 $0x10;
	s22 =	simm.s32 $0x1C180;
	[smem:$0x7FF] =	sst s2  }
0x7: {  	s8 =	sand.u32 $0x1, s4;
	s28 =	sshll.u32 s3, $0x1;
	s4 =	sadd.s32 $0xA2A000, s7  }
0x8: {  	s6 =	sadd.s32 $0xE000, s7;
	s13 =	sadd.s32 $0x66000, s7;
	s10 =	sshll.u32 s3, $0xB  }
0x9: {  	p0 =	sne.s32 s3, $0x0;
	_ =	strace $0x8000004D;
	s5 =	sor.u32 s8, s28  }
0xa: {  	s9 =	ssub.s32 $0x2, s8;
	s12 =	smul.u32 $0x138800, s8;
	s7 =	sadd.s32 s10, s1  }
0xb: {  	s8 =	sadd.s32 $0x138000, s1;
	s5 =	smul.u32 $0x2710, s5;
	s29 =	sshrl.u32 s9, $0x1  }
0xc: {  	s14 =	ssub.s32 s9, s29;
	s15 =	sshrl.u32 s12, $0x3;
	s12 =	sadd.s32 s10, s12  }
0xd: {  	s11 =	sadd.s32 $0x2700, s5;
	s15 =	sadd.s32 s13, s15;
	s31 =	sshrl.u32 s12, $0x3  }
0xe: {  	s12 =	smax.u32 s14, $0x1;
	s14 =	simm.s32 $0x18180;
	s30 =	sshrl.u32 s11, $0x3  }
0xf: {  	s11 =	sshll.u32 s11, $0x4;
	s13 =	sadd.s32 s31, s13;
	s9 =	sadd.s32 s6, s30  }
0x10: {  	v0 =	vimm.f32 $0.0e+00;
	s10 =	sadd.s32 s4, s11;
	s11 =	sadd.s32 $0x27000, s15;
	s15 =	simm.s32 $0x1  }
.LBB2_1:
0x11: {  	s23 =	simm.s32 $0x0;
	s24 =	simm.s32 $0x200  }
.LBB2_2:
0x12: {  	p1 =	sne.s32 s24, $0x1E00;
	[tilespmem:s23+$0x181F0] =	vst v0  }
0x13: {  	[tilespmem:s23+$0x18180] =	vst v0  }
0x14: {  	[tilespmem:s23+$0x18190] =	vst v0  }
.Ltmp0:
0x15: {  	[tilespmem:s23+$0x181A0] =	vst v0;
	(pc) =	sbr.rel @p1 .LBB2_2-.Ltmp0, $4  }
0x16: {  	[tilespmem:s23+$0x181B0] =	vst v0  }
0x17: {  	[tilespmem:s23+$0x181C0] =	vst v0  }
0x18: {  	[tilespmem:s23+$0x181D0] =	vst v0  }
0x19: {  	[tilespmem:s23+$0x181E0] =	vst v0;
	s23 =	sshra.s32 s24, $0x2;
	s24 =	sadd.s32 $0x200, s24  }
0x1a: {  	[tilespmem:s23+$0x181F0] =	vst v0  }
0x1b: {  	[tilespmem:s23+$0x18180] =	vst v0  }
0x1c: {  	[tilespmem:s23+$0x18190] =	vst v0  }
0x1d: {  	[tilespmem:s23+$0x181A0] =	vst v0  }
0x1e: {  	[tilespmem:s23+$0x181B0] =	vst v0  }
0x1f: {  	[tilespmem:s23+$0x181C0] =	vst v0  }
0x20: {  	[tilespmem:s23+$0x181D0] =	vst v0  }
0x21: {  	[tilespmem:s23+$0x181E0] =	vst v0;
	s31 =	sadd.s32 $0x0, s7  }
0x22: {  	[spmem:s31] =	stream.linear.scatter [tilespmem:s14], [sflag:$0x1], $0x800, $0x38;
	[tilespmem:$0x1C980] =	vst v63  }
0x23: {  	s23 =	simm.s32 $0x20000;
	_ =	swait.ge [sflag:s15], $0x800  }
.LBB2_4:
0x24: {  	s24 =	sshra.s32 s23, $0x2;
	[sflag:s15] =	ssyncset.done $0x0;
	p1 =	sne.s32 s23, $0x4C0000  }
.Ltmp1:
0x25: {  	s24 =	sadd.s32 s24, s7;
	[sflag:s15] =	ssyncadd.s32 $0xFFFFF800;
	(pc) =	sbr.rel @p1 .LBB2_4-.Ltmp1, $3  }
0x26: {  	[spmem:s24] =	stream.linear.scatter [tilespmem:s14], [sflag:$0x1], $0x800, $0x38;
	[tilespmem:$0x1C980] =	vst v63  }
0x27: {  	s23 =	sadd.s32 $0x20000, s23;
	_ =	sdelay $0x1  }
0x28: {  	_ =	swait.ge [sflag:s15], $0x800  }
0x29: {  	[sflag:s15] =	ssyncset.done $0x0  }
0x2a: {  	s23 =	simm.s32 @!p0 $0x18180;
	[sflag:s15] =	ssyncadd.s32 $0xFFFFF800  }
0x2b: {  	[spmem:s8] =	stream.linear.scatter @!p0 [tilespmem:s23], [sflag:$0x1], $0x800, $0x38;
	[tilespmem:$0x1C980] =	vst v63  }
0x2c: {  	s23 =	simm.s32 @!p0 $0x1  }
0x2d: {  	_ =	swait.ge @!p0 [sflag:s23], $0x800  }
0x2e: {  	[sflag:s23] =	ssyncset.done @!p0 $0x0  }
0x2f: {  	s24 =	simm.s32 $0x200;
	[sflag:s23] =	ssyncadd.s32 @!p0 $0xFFFFF800;
	s23 =	simm.s32 $0x0  }
.LBB2_6:
0x30: {  	p1 =	sne.s32 s24, $0xDE00;
	[tilespmem:s23+$0x189F0] =	vst v0  }
0x31: {  	[tilespmem:s23+$0x18980] =	vst v0  }
0x32: {  	[tilespmem:s23+$0x18990] =	vst v0  }
.Ltmp2:
0x33: {  	[tilespmem:s23+$0x189A0] =	vst v0;
	(pc) =	sbr.rel @p1 .LBB2_6-.Ltmp2, $4  }
0x34: {  	[tilespmem:s23+$0x189B0] =	vst v0  }
0x35: {  	[tilespmem:s23+$0x189C0] =	vst v0  }
0x36: {  	[tilespmem:s23+$0x189D0] =	vst v0  }
0x37: {  	[tilespmem:s23+$0x189E0] =	vst v0;
	s23 =	sshra.s32 s24, $0x2;
	s24 =	sadd.s32 $0x200, s24  }
0x38: {  	[tilespmem:s23+$0x189F0] =	vst v0  }
0x39: {  	[tilespmem:s23+$0x18980] =	vst v0  }
0x3a: {  	[tilespmem:s23+$0x18990] =	vst v0  }
0x3b: {  	[tilespmem:s23+$0x189A0] =	vst v0  }
0x3c: {  	[tilespmem:s23+$0x189B0] =	vst v0  }
0x3d: {  	[tilespmem:s23+$0x189C0] =	vst v0  }
0x3e: {  	[tilespmem:s23+$0x189D0] =	vst v0  }
0x3f: {  	[tilespmem:s23+$0x189E0] =	vst v0;
	s23 =	simm.s32 $0x0;
	s24 =	simm.s32 $0x200  }
.LBB2_8:
0x40: {  	p1 =	sne.s32 s24, $0x1E00;
	[tilespmem:s23+$0x1C1F0] =	vst v0  }
0x41: {  	[tilespmem:s23+$0x1C180] =	vst v0  }
0x42: {  	[tilespmem:s23+$0x1C190] =	vst v0  }
.Ltmp3:
0x43: {  	[tilespmem:s23+$0x1C1A0] =	vst v0;
	(pc) =	sbr.rel @p1 .LBB2_8-.Ltmp3, $4  }
0x44: {  	[tilespmem:s23+$0x1C1B0] =	vst v0  }
0x45: {  	[tilespmem:s23+$0x1C1C0] =	vst v0  }
0x46: {  	[tilespmem:s23+$0x1C1D0] =	vst v0  }
0x47: {  	[tilespmem:s23+$0x1C1E0] =	vst v0;
	s23 =	sshra.s32 s24, $0x2;
	s24 =	sadd.s32 $0x200, s24  }
0x48: {  	[tilespmem:s23+$0x1C1F0] =	vst v0  }
0x49: {  	[tilespmem:s23+$0x1C180] =	vst v0  }
0x4a: {  	[tilespmem:s23+$0x1C190] =	vst v0  }
0x4b: {  	[tilespmem:s23+$0x1C1A0] =	vst v0  }
0x4c: {  	[tilespmem:s23+$0x1C1B0] =	vst v0  }
0x4d: {  	[tilespmem:s23+$0x1C1C0] =	vst v0  }
0x4e: {  	[tilespmem:s23+$0x1C1D0] =	vst v0  }
0x4f: {  	[tilespmem:s23+$0x1C1E0] =	vst v0  }
0x50: {  	s23 =	simm.s32 $0x0;
	s24 =	simm.s32 $0x0;
	[bflag:$0x0] =	sbarrier.arrive $0xFFFF  }
.LBB2_10:
0x51: {  	s25 =	sshll.u32 s24, $0x7  }
0x52: {  	s25 =	sadd.s32 s5, s25  }
0x53: {  	s26 =	sshrl.u32 s25, $0x3  }
0x54: {  	s26 =	sadd.s32 s6, s26  }
0x55: {  	[tilespmem:s16], [sflag:$0x1] =	stream.linear.gather [hbm4b:s26+s23], $0x80, $0x38;
	[tilespmem:$0x1C980] =	vst v63  }
0x56: {  	_ =	swait.ge [sflag:s15], $0x80  }
0x57: {  	s25 =	sshll.u32 s25, $0x4;
	[sflag:s15] =	ssyncset.done $0x0  }
0x58: {  	s25 =	sadd.s32 s4, s25;
	[sflag:s15] =	ssyncadd.s32 $0xFFFFFF80  }
0x59: {  	[tilespmem:s17], [sflag:$0x1] =	stream.linear.gather [hbm4b:s25+s23], $0x4000, $0x38;
	[tilespmem:$0x1C980] =	vst v63  }
0x5a: {  	_ =	swait.ge [sflag:s15], $0x4000  }
0x5b: {  	[sflag:s15] =	ssyncset.done $0x0  }
0x5c: {  	s25 =	simm.s32 $0x0;
	[sflag:s15] =	ssyncadd.s32 $0xFFFFC000  }
0x5d: {  	s26 =	simm.s32 $0x200;
	v1 =	vld [tilespmem:s25+$0x13900]  }
.LBB2_11:
0x5e: {  	p1 =	sne.s32 s26, $0xFE00  }
.Ltmp4:
0x5f: {  	_ = 	snop;
	(pc) =	sbr.rel @p1 .LBB2_11-.Ltmp4, $3  }
0x60: {  	_ =	sdelay $0x1  }
0x61: {  	[tilespmem:s25+$0x18180] =	vst v1;
	s25 =	sshra.s32 s26, $0x2;
	s26 =	sadd.s32 $0x200, s26  }
0x62: {  	v1 =	vld [tilespmem:s25+$0x13900]  }
0x63: {  	_ =	sdelay $0x1  }
0x64: {  	s24 =	sadd.s32 $0x1, s24  }
0x65: {  	p1 =	sne.s32 s24, $0x4E  }
.Ltmp5:
0x66: {  	[tilespmem:s25+$0x18180] =	vst v1;
	(pc) =	sbr.rel @p1 .LBB2_10-.Ltmp5, $4  }
0x67: {  	[spmem:s1] =	stream.indirect.scatter.add.f32 [tilespmem:s14], [sflag:$0x1], $0x80, s16, s18, $0xb8;
	[tilespmem:$0x1C980] =	vst v63  }
0x68: {  	_ =	swait.ge [sflag:s15], $0x4000  }
0x69: {  	[sflag:s15] =	ssyncset.done $0x0  }
0x6a: {  	[sflag:s15] =	ssyncadd.s32 $0xFFFFC000  }
0x6b: {  	s23 =	simm.s32 $0x0  }
0x6c: {  	[tilespmem:s19], [sflag:$0x1] =	stream.linear.gather [hbm4b:s9+s23], $0x10, $0x38;
	[tilespmem:$0x1C980] =	vst v63  }
0x6d: {  	_ =	swait.ge [sflag:s15], $0x10  }
0x6e: {  	[sflag:s15] =	ssyncset.done $0x0  }
0x6f: {  	[sflag:s15] =	ssyncadd.s32 $0xFFFFFFF0  }
0x70: {  	[tilespmem:s20], [sflag:$0x1] =	stream.linear.gather [hbm4b:s10+s23], $0x800, $0x38;
	[tilespmem:$0x1C980] =	vst v63  }
0x71: {  	_ =	swait.ge [sflag:s15], $0x800  }
0x72: {  	[sflag:s15] =	ssyncset.done $0x0  }
0x73: {  	[sflag:s15] =	ssyncadd.s32 $0xFFFFF800  }
0x74: {  	v1 =	vld [tilespmem:$0x17980]  }
0x75: {  	v2 =	vld [tilespmem:$0x17A00]  }
0x76: {  	v3 =	vld [tilespmem:$0x17A80]  }
0x77: {  	v4 =	vld [tilespmem:$0x17B00]  }
0x78: {  	v5 =	vld [tilespmem:$0x17B80]  }
0x79: {  	[tilespmem:$0x1C180] =	vst v1;
	v1 =	vld [tilespmem:$0x17C00]  }
0x7a: {  	v60 =	vld [tilespmem:$0x17D80];
	[tilespmem:$0x1C200] =	vst v2  }
0x7b: {  	v61 =	vld [tilespmem:$0x17E00];
	[tilespmem:$0x1C280] =	vst v3  }
0x7c: {  	v2 =	vld [tilespmem:$0x17C80];
	[tilespmem:$0x1C300] =	vst v4  }
0x7d: {  	v3 =	vld [tilespmem:$0x17D00];
	[tilespmem:$0x1C380] =	vst v5  }
0x7e: {  	[tilespmem:$0x1C400] =	vst v1;
	v1 =	vld [tilespmem:$0x17E80]  }
0x7f: {  	v62 =	vld [tilespmem:$0x18000];
	[tilespmem:$0x1C580] =	vst v60  }
0x80: {  	v63 =	vld [tilespmem:$0x18080];
	[tilespmem:$0x1C600] =	vst v61  }
0x81: {  	[tilespmem:$0x1C480] =	vst v2;
	v2 =	vld [tilespmem:$0x17F00]  }
0x82: {  	[tilespmem:$0x1C500] =	vst v3;
	v3 =	vld [tilespmem:$0x17F80]  }
0x83: {  	[tilespmem:$0x1C680] =	vst v1;
	v1 =	vld [tilespmem:$0x18100]  }
0x84: {  	[tilespmem:$0x1C800] =	vst v62  }
0x85: {  	[tilespmem:$0x1C880] =	vst v63  }
0x86: {  	[tilespmem:$0x1C700] =	vst v2  }
0x87: {  	[tilespmem:$0x1C780] =	vst v3  }
0x88: {  	[tilespmem:$0x1C900] =	vst v1  }
0x89: {  	[spmem:s1] =	stream.indirect.scatter.add.f32 [tilespmem:s22], [sflag:$0x1], $0x80, s19, s21, $0xb8;
	[tilespmem:$0x1C980] =	vst v63  }
0x8a: {  	_ =	swait.ge [sflag:s15], $0x800  }
0x8b: {  	[sflag:s15] =	ssyncset.done $0x0  }
0x8c: {  	s31 =	sshll.u32 s3, $0x6;
	s24 =	sadd.s32 $0x0, s13;
	[sflag:s15] =	ssyncadd.s32 $0xFFFFF800  }
0x8d: {  	s25 =	sshrl.u32 s7, $0x3;
	s23 =	sor.u32 $0x1C01, s31;
	[bflag:$0x0] =	sbarrier.arrive $0xFFFF  }
0x8e: {  	[hbm:s24], [sflag:s23] =	dma.local [spmem:s25], $0x100  }
0x8f: {  	s24 =	simm.s32 $0x1000;
	s25 =	sadd.s32 $0x8000, s7;
	_ =	swait.ge [sflag:s15], $0x100  }
.LBB2_14:
0x90: {  	s26 =	sadd.s32 s24, s13;
	[sflag:s15] =	ssyncset.done $0x0;
	p1 =	sne.s32 s24, $0x26000  }
.Ltmp6:
0x91: {  	s28 =	sshrl.u32 s25, $0x3;
	[sflag:s15] =	ssyncadd.s32 $0xFFFFFF00;
	(pc) =	sbr.rel @p1 .LBB2_14-.Ltmp6, $3  }
0x92: {  	[hbm:s26], [sflag:s23] =	dma.local [spmem:s28], $0x100  }
0x93: {  	s24 =	sadd.s32 $0x1000, s24;
	_ =	sdelay $0x1  }
0x94: {  	s25 =	sadd.s32 $0x8000, s25;
	_ =	swait.ge [sflag:s15], $0x100  }
0x95: {  	[sflag:s15] =	ssyncset.done $0x0;
	s23 =	sshrl.u32 @!p0 s8, $0x3;
	s2 =	sadd.s32 $0x1, s2  }
0x96: {  	s24 =	simm.s32 @!p0 $0x1C01;
	[sflag:s15] =	ssyncadd.s32 $0xFFFFFF00;
	p1 =	sne.s32 s2, s12  }
0x97: {  	[hbm:s11], [sflag:s24] =	dma.local @!p0 [spmem:s23], $0x100  }
.Ltmp7:
0x98: {  	_ = 	snop;
	(pc) =	sbr.rel @p1 .LBB2_1-.Ltmp7, $4  }
0x99: {  	s23 =	simm.s32 @!p0 $0x1  }
0x9a: {  	_ =	swait.ge @!p0 [sflag:s23], $0x100  }
0x9b: {  	[sflag:s23] =	ssyncset.done @!p0 $0x0  }
0x9c: {  	[sflag:s23] =	ssyncadd.s32 @!p0 $0xFFFFFF00  }
0x9d: {  	_ =	sfence.sel $0x180000  }
0x9e: {  	[bflag:$0x0] =	sbarrier.arrive $0xFFFF  }
0x9f: {  	_ =	strace $0x9000004D  }
0xa0: {  	s0 =	sadd.s32 @!p0 $0x100000, s0;
	[bflag:$0x2] =	sbarrier.arrive $0xFFFF  }
0xa1: {  	[sflag:s0] =	ssyncadd.tile.s32 @!p0 $0x1;
	_ =	shalt  }
.Lfunc_end2:
_tile_overlayer_lowered:
.L_overlay_start_2:
0xa2: {  	(tag) =	ssettag $0x2  }
0xa3: {  	s0 =	rddreg [dreg:$0x0];
	s2 =	stileid.u32  }
0xa4: {  	s1 =	rddreg [dreg:$0x1];
	p0 =	sne.s32 s2, $0x0  }
0xa5: {  	s3 =	rddreg [dreg:$0x2];
	[bflag:$0x3] =	sbarrier.arrive $0xFFFF;
	s2 =	simm.s32 @!p0 $0x1C01  }
0xa6: {  	[timem:s3], [sflag:s2] =	dma.local @!p0 [hbm:s0], s1  }
0xa7: {  	s0 =	simm.s32 @!p0 $0x1  }
0xa8: {  	_ =	swait.ge @!p0 [sflag:s0], s1  }
0xa9: {  	s1 =	ssub.s32 @!p0 $0x0, s1;
	[sflag:s0] =	ssyncset.done @!p0 $0x0  }
0xaa: {  	[sflag:s0] =	ssyncadd.s32 @!p0 s1  }
0xab: {  	[bflag:$0x3] =	sbarrier.arrive $0xFFFF  }
0xac: {  	_ =	shalt  }

</sc_bundles>
